<compile_context>
chip_gen: v7x
topology: tpu7x:2x2x1
jax: 0.10.2.dev20260603
libtpu: 0.0.44.dev20260713+nightly
codegen_flags: <defaults>
</compile_context>

<pallas_src>
import jax
import jax.numpy as jnp
from jax import lax
from jax.experimental import pallas as pl
from jax.experimental.pallas import tpu as pltpu
from jax.experimental.pallas import tpu_sc as plsc

N = 10000
E = 320000
D = 128
ED = 16
LD = 128

NUM_TILES = 16
EDGES_PER_TILE = E // NUM_TILES
CHUNK = 40
NUM_CHUNKS = EDGES_PER_TILE // CHUNK
GROUP = 25
NGROUPS = NUM_CHUNKS // GROUP
N_PAD = 10240
ROWS_PER_TILE = N_PAD // NUM_TILES



NB_E = 100
NB_N = 10


def _tables_body(ef_ref, z_ref, wm_ref, wc_ref, bm_ref, c_ref, a_ref, b_ref):
    i = pl.program_id(0)

    @pl.when(i < NB_E)
    def _():
        ef = ef_ref[...]
        for p in range(2):
            x = (jnp.dot(ef, wc_ref[p], preferred_element_type=jnp.float32)
                 + bm_ref[p])
            lo = lax.bitcast_convert_type(
                x[:, :LD // 2].astype(jnp.bfloat16), jnp.uint16).astype(jnp.uint32)
            hi = lax.bitcast_convert_type(
                x[:, LD // 2:].astype(jnp.bfloat16), jnp.uint16).astype(jnp.uint32)
            c_ref[p] = lo | (hi << 16)

    @pl.when(i >= NB_E)
    def _():
        zb = z_ref[...]
        for p in range(2):
            a_ref[p] = jnp.dot(zb, wm_ref[2 * p],
                               preferred_element_type=jnp.float32)
            b_ref[p] = jnp.dot(zb, wm_ref[2 * p + 1],
                               preferred_element_type=jnp.float32)


def _tables(z, e_feat, wa0, wb0, wa1, wb1, wc0, bm0, wc1, bm1):
    eblk = E // NB_E
    nblk = N // NB_N
    wm = jnp.stack([wa0, wb0, wa1, wb1])
    wc = jnp.stack([wc0, wc1])
    bm = jnp.stack([bm0, bm1])[:, None, :]
    return pl.pallas_call(
        _tables_body,
        grid=(NB_E + NB_N,),
        in_specs=[
            pl.BlockSpec((eblk, ED), lambda i: (jnp.minimum(i, NB_E - 1), 0)),
            pl.BlockSpec((nblk, D),
                         lambda i: (jnp.maximum(i - NB_E, 0), 0)),
            pl.BlockSpec((4, D, LD), lambda i: (0, 0, 0)),
            pl.BlockSpec((2, ED, LD), lambda i: (0, 0, 0)),
            pl.BlockSpec((2, 1, LD), lambda i: (0, 0, 0)),
        ],
        out_specs=[
            pl.BlockSpec((2, eblk, LD // 2),
                         lambda i: (0, jnp.minimum(i, NB_E - 1), 0)),
            pl.BlockSpec((2, nblk, LD),
                         lambda i: (0, jnp.maximum(i - NB_E, 0), 0)),
            pl.BlockSpec((2, nblk, LD),
                         lambda i: (0, jnp.maximum(i - NB_E, 0), 0)),
        ],
        out_shape=[
            jax.ShapeDtypeStruct((2, E, LD // 2), jnp.uint32),
            jax.ShapeDtypeStruct((2, N, LD), jnp.float32),
            jax.ShapeDtypeStruct((2, N, LD), jnp.float32),
        ],
    )(e_feat, z, wm, wc, bm)


def _sc_agg_body(a_hbm, b_hbm, c_hbm, src, dst, agg_out,
                 si_g, di_g, a_v0, b_v0, c_v0, a_v1, b_v1, c_v1, m_v,
                 sem_a0, sem_b0, sem_c0, sem_a1, sem_b1, sem_c1, agg_sh):
    core = lax.axis_index("c")
    tile = lax.axis_index("s")
    edge_base = tile * EDGES_PER_TILE

    def _zero_row(k, _):
        for j in range(LD // 16):
            m_v[k, pl.ds(j * 16, 16)] = jnp.zeros((16,), jnp.float32)
        return 0

    lax.fori_loop(0, CHUNK, _zero_row, 0, unroll=False)
    row0 = tile * ROWS_PER_TILE
    for done in range(0, ROWS_PER_TILE, CHUNK):
        pltpu.sync_copy(m_v, agg_sh.at[pl.ds(row0 + done, CHUNK)])
    plsc.subcore_barrier()

    bufs = ((a_v0, b_v0, c_v0, sem_a0, sem_b0, sem_c0),
            (a_v1, b_v1, c_v1, sem_a1, sem_b1, sem_c1))
    hi_mask = jnp.uint32(0xFFFF0000)

    def _issue(g, i, s):
        a_v, b_v, c_v, sem_a, sem_b, sem_c = bufs[s]
        pltpu.async_copy(a_hbm.at[core].at[si_g.at[i]], a_v, sem_a)
        pltpu.async_copy(b_hbm.at[core].at[di_g.at[i]], b_v, sem_b)
        base = edge_base + (g * GROUP + i) * CHUNK
        pltpu.async_copy(c_hbm.at[core, pl.ds(base, CHUNK)], c_v, sem_c)

    def _drain(g, i, s):
        a_v, b_v, c_v, sem_a, sem_b, sem_c = bufs[s]
        base = edge_base + (g * GROUP + i) * CHUNK
        pltpu.make_async_copy(a_hbm.at[core].at[si_g.at[i]], a_v, sem_a).wait()
        pltpu.make_async_copy(b_hbm.at[core].at[di_g.at[i]], b_v, sem_b).wait()
        pltpu.make_async_copy(
            c_hbm.at[core, pl.ds(base, CHUNK)], c_v, sem_c).wait()

        def _row(k, _):
            for j in range(LD // 32):
                ci = c_v[k, pl.ds(j * 16, 16)]
                c_lo = lax.bitcast_convert_type(ci << 16, jnp.float32)
                c_hi = lax.bitcast_convert_type(ci & hi_mask, jnp.float32)
                sl_lo = pl.ds(j * 16, 16)
                sl_hi = pl.ds(LD // 2 + j * 16, 16)
                m_v[k, sl_lo] = jnp.maximum(
                    a_v[k, sl_lo] + b_v[k, sl_lo] + c_lo, 0.0)
                m_v[k, sl_hi] = jnp.maximum(
                    a_v[k, sl_hi] + b_v[k, sl_hi] + c_hi, 0.0)
            return 0

        lax.fori_loop(0, CHUNK, _row, 0, unroll=False)

        pltpu.sync_copy(m_v, agg_sh.at[di_g.at[i]], add=True)

    def _group(g, _):
        pltpu.sync_copy(src.at[tile, g], si_g)
        pltpu.sync_copy(dst.at[tile, g], di_g)
        _issue(g, 0, 0)

        def _pair(p, _):
            i0 = 2 * p
            _issue(g, i0 + 1, 1)
            _drain(g, i0, 0)

            @pl.when(i0 + 2 < GROUP)
            def _():
                _issue(g, i0 + 2, 0)

            _drain(g, i0 + 1, 1)
            return 0

        lax.fori_loop(0, GROUP // 2, _pair, 0, unroll=False)
        if GROUP % 2 == 1:
            _drain(g, GROUP - 1, 0)
        return 0

    lax.fori_loop(0, NGROUPS, _group, 0, unroll=False)
    plsc.subcore_barrier()
    pltpu.sync_copy(agg_sh.at[pl.ds(row0, ROWS_PER_TILE)],
                    agg_out.at[core, pl.ds(row0, ROWS_PER_TILE)])


def _sc_agg(a, b, c, src, dst):
    mesh = plsc.VectorSubcoreMesh(core_axis_name="c", subcore_axis_name="s")
    fn = pl.kernel(
        _sc_agg_body,
        out_type=jax.ShapeDtypeStruct((2, N_PAD, LD), jnp.float32),
        mesh=mesh,
        scratch_types=[
            pltpu.VMEM((GROUP, CHUNK), jnp.int32),
            pltpu.VMEM((GROUP, CHUNK), jnp.int32),
            pltpu.VMEM((CHUNK, LD), jnp.float32),
            pltpu.VMEM((CHUNK, LD), jnp.float32),
            pltpu.VMEM((CHUNK, LD // 2), jnp.uint32),
            pltpu.VMEM((CHUNK, LD), jnp.float32),
            pltpu.VMEM((CHUNK, LD), jnp.float32),
            pltpu.VMEM((CHUNK, LD // 2), jnp.uint32),
            pltpu.VMEM((CHUNK, LD), jnp.float32),
            pltpu.SemaphoreType.DMA,
            pltpu.SemaphoreType.DMA,
            pltpu.SemaphoreType.DMA,
            pltpu.SemaphoreType.DMA,
            pltpu.SemaphoreType.DMA,
            pltpu.SemaphoreType.DMA,
            pltpu.VMEM_SHARED((N_PAD, LD), jnp.float32),
        ],
    )
    src4 = src.reshape(NUM_TILES, NGROUPS, GROUP, CHUNK)
    dst4 = dst.reshape(NUM_TILES, NGROUPS, GROUP, CHUNK)
    return fn(a, b, c, src4, dst4)


def _update_body(enc_ref, agg_ref, w_ref, b_ref, coef_ref, out_ref):
    encb = enc_ref[...]
    x0 = (jnp.dot(encb, w_ref[0], preferred_element_type=jnp.float32)
          + jnp.dot(agg_ref[0], w_ref[1], preferred_element_type=jnp.float32)
          + b_ref[0])
    x1 = (jnp.dot(encb, w_ref[2], preferred_element_type=jnp.float32)
          + jnp.dot(agg_ref[1], w_ref[3], preferred_element_type=jnp.float32)
          + b_ref[1])
    out_ref[...] = (coef_ref[0] * jnp.maximum(x0, 0.0)
                    + coef_ref[1] * jnp.maximum(x1, 0.0))


def _update(enc, agg, wE0, wA0, bu0, wE1, wA1, bu1, coef):
    nb = 10
    blk = N // nb
    w = jnp.stack([wE0, wA0, wE1, wA1])
    b = jnp.stack([bu0, bu1])[:, None, :]
    return pl.pallas_call(
        _update_body,
        grid=(nb,),
        in_specs=[
            pl.BlockSpec((blk, D), lambda i: (i, 0)),
            pl.BlockSpec((2, blk, LD), lambda i: (0, i, 0)),
            pl.BlockSpec((4, D, LD), lambda i: (0, 0, 0)),
            pl.BlockSpec((2, 1, LD), lambda i: (0, 0, 0)),
            pl.BlockSpec(memory_space=pltpu.SMEM),
        ],
        out_specs=pl.BlockSpec((blk, LD), lambda i: (i, 0)),
        out_shape=jax.ShapeDtypeStruct((N, LD), jnp.float32),
    )(enc, agg, w, b, coef)


def kernel(z, e_feat, adj, enc, W_msg_0, b_msg_0, W_upd_0, b_upd_0,
           W_msg_1, b_msg_1, W_upd_1, b_upd_1, coef):
    src = adj[0]
    dst = adj[1]

    c, a, b = _tables(
        z, e_feat, W_msg_0[:D], W_msg_0[D:2 * D], W_msg_1[:D],
        W_msg_1[D:2 * D], W_msg_0[2 * D:], b_msg_0, W_msg_1[2 * D:], b_msg_1)

    agg = _sc_agg(a, b, c, src, dst)

    return _update(enc, agg,
                   W_upd_0[:D], W_upd_0[D:], b_upd_0,
                   W_upd_1[:D], W_upd_1[D:], b_upd_1, coef)

# --- scband reference (transcript-rebuilt; emitter-appended) ---
"""Pipeline reference for scband-multi-parallel-processors-17420387352974 (READ-ONLY COPY).

The authoritative reference and input builder live on the scoring server;
editing this copy changes nothing except your own understanding.
"""

import jax, jax.numpy as jnp
import numpy as np

N = 10000       # n_nodes
E = 320000      # n_edges
D = 128         # enc_dim (node feature dim)
ED = 16         # edge_dim
LD = 128        # latent_dim
P = 2           # n_procs


def setup_inputs(seed: int = 0) -> dict:
    key = jax.random.key(seed)
    ks = jax.random.split(key, 20)
    inp = {}
    # forward args
    inp["z"] = jax.random.normal(ks[0], (N, D), dtype=jnp.float32)
    inp["e_feat"] = jax.random.normal(ks[1], (E, ED), dtype=jnp.float32)
    inp["adj"] = jax.random.randint(ks[2], (2, E), 0, N, dtype=jnp.int32)
    inp["enc"] = jax.random.normal(ks[3], (N, D), dtype=jnp.float32)
    # learned parameters: one MultiMPNN per processor (message MLP + update MLP),
    # plus per-processor scalar attention coefficients (init to 1.0 as in __init__).
    kidx = 4
    for p in range(P):
        inp[f"W_msg_{p}"] = 0.05 * jax.random.normal(ks[kidx], (2 * D + ED, LD), dtype=jnp.float32); kidx += 1
        inp[f"b_msg_{p}"] = jnp.zeros((LD,), dtype=jnp.float32)
        inp[f"W_upd_{p}"] = 0.05 * jax.random.normal(ks[kidx], (D + LD, LD), dtype=jnp.float32); kidx += 1
        inp[f"b_upd_{p}"] = jnp.zeros((LD,), dtype=jnp.float32)
    inp["coef"] = jnp.ones((P,), dtype=jnp.float32)
    return inp


def _mpnn(z, e_feat, adj, enc, Wm, bm, Wu, bu):
    # One MultiMPNN message-passing step:
    # message = relu([z_src, z_dst, e_feat] @ Wm + bm)  (gather on src/dst)
    # agg     = scatter-add of messages onto dst nodes   (segment_sum)
    # update  = relu([enc, agg] @ Wu + bu)
    src = adj[0]
    dst = adj[1]
    z_src = jnp.take(z, src, axis=0)
    z_dst = jnp.take(z, dst, axis=0)
    m_in = jnp.concatenate([z_src, z_dst, e_feat], axis=1)
    msg = jax.nn.relu(m_in @ Wm + bm)
    agg = jax.ops.segment_sum(msg, dst, num_segments=N)
    u_in = jnp.concatenate([enc, agg], axis=1)
    return jax.nn.relu(u_in @ Wu + bu)


def reference(z, e_feat, adj, enc,
              W_msg_0, b_msg_0, W_upd_0, b_upd_0,
              W_msg_1, b_msg_1, W_upd_1, b_upd_1,
              coef):
    # out = sum_p coef_p * MPNN_p(z, e_feat, adj, enc)
    out0 = _mpnn(z, e_feat, adj, enc, W_msg_0, b_msg_0, W_upd_0, b_upd_0)
    out1 = _mpnn(z, e_feat, adj, enc, W_msg_1, b_msg_1, W_upd_1, b_upd_1)
    return coef[0] * out0 + coef[1] * out1

if __name__ == "__main__":
    import jax
    _d = setup_inputs()
    print(jax.jit(kernel)(*tuple(_d.values())))

</pallas_src>

<mosaic_0001>
#map = affine_map<(d0, d1) -> (0, 0, 0)>
#map1 = affine_map<(d0, d1) -> (0, 0, 0, 0)>
module attributes {stable_mosaic.version = 14 : i64} {
  func.func @_sc_agg_body(%arg0: i32, %arg1: i32, %arg2: memref<2x10000x128xf32, #tpu.memory_space<hbm>>, %arg3: memref<2x10000x128xf32, #tpu.memory_space<hbm>>, %arg4: memref<2x320000x64xi32, #tpu.memory_space<hbm>>, %arg5: memref<16x20x25x40xi32, #tpu.memory_space<hbm>>, %arg6: memref<16x20x25x40xi32, #tpu.memory_space<hbm>>, %arg7: memref<2x10240x128xf32, #tpu.memory_space<hbm>>, %arg8: memref<25x40xi32, #tpu.memory_space<vmem>>, %arg9: memref<25x40xi32, #tpu.memory_space<vmem>>, %arg10: memref<40x128xf32, #tpu.memory_space<vmem>>, %arg11: memref<40x128xf32, #tpu.memory_space<vmem>>, %arg12: memref<40x64xi32, #tpu.memory_space<vmem>>, %arg13: memref<40x128xf32, #tpu.memory_space<vmem>>, %arg14: memref<40x128xf32, #tpu.memory_space<vmem>>, %arg15: memref<40x64xi32, #tpu.memory_space<vmem>>, %arg16: memref<40x128xf32, #tpu.memory_space<vmem>>, %arg17: memref<!tpu.dma_semaphore, #tpu.memory_space<semaphore_mem>>, %arg18: memref<!tpu.dma_semaphore, #tpu.memory_space<semaphore_mem>>, %arg19: memref<!tpu.dma_semaphore, #tpu.memory_space<semaphore_mem>>, %arg20: memref<!tpu.dma_semaphore, #tpu.memory_space<semaphore_mem>>, %arg21: memref<!tpu.dma_semaphore, #tpu.memory_space<semaphore_mem>>, %arg22: memref<!tpu.dma_semaphore, #tpu.memory_space<semaphore_mem>>, %arg23: memref<10240x128xf32, #tpu.memory_space<vmem_shared>>) attributes {dimension_semantics = [#tpu.dimension_semantics<core_parallel>, #tpu.dimension_semantics<subcore_parallel>], iteration_bounds = array<i64: 2, 16>, scalar_prefetch = 0 : i64, scratch_operands = 16 : i64, tpu.core_type = #tpu.core_type<sc_vector_subcore>, window_params = [{transform_indices = #map}, {transform_indices = #map}, {transform_indices = #map}, {transform_indices = #map1}, {transform_indices = #map1}, {transform_indices = #map}]} {
    %mul3A = arith.constant 20000 : i32
    %mul3A_0 = arith.muli %arg1, %mul3A : i32
    %scan3A = arith.constant 0 : i32
    %scan3A_1 = arith.constant 0 : i32
    %scan3A_2 = arith.constant 40 : i32
    %scan3A_3 = arith.addi %scan3A_1, %scan3A_2 : i32
    %scan3A_4 = arith.constant 1 : i32
    %scan3A_5 = scf.for %scan3A_49 = %scan3A_1 to %scan3A_3 step %scan3A_4 iter_args(%scan3A_50 = %scan3A) -> (i32)  : i32 {
      %broadcast_in_dim3A = arith.constant 0.000000e+00 : f32
      %broadcast_in_dim3A_51 = vector.broadcast %broadcast_in_dim3A : f32 to vector<16xf32>
      %swap3A = arith.index_cast %scan3A_49 : i32 to index
      %swap3A_52 = arith.constant 0 : index
      %swap3A_53 = tpu.vector_load %arg16[%swap3A, %swap3A_52] {strides = array<i32>} : memref<40x128xf32, #tpu.memory_space<vmem>>, vector<1x16xf32>,
      %swap3A_54 = vector.shape_cast %swap3A_53 : vector<1x16xf32> to vector<16xf32>
      %swap3A_55 = vector.shape_cast %broadcast_in_dim3A_51 : vector<16xf32> to vector<1x16xf32>
      tpu.vector_store %arg16[%swap3A, %swap3A_52], %swap3A_55 {strides = array<i32>} : memref<40x128xf32, #tpu.memory_space<vmem>>, vector<1x16xf32>,
      %broadcast_in_dim3A_56 = arith.constant 0.000000e+00 : f32
      %broadcast_in_dim3A_57 = vector.broadcast %broadcast_in_dim3A_56 : f32 to vector<16xf32>
      %swap3A_58 = arith.index_cast %scan3A_49 : i32 to index
      %swap3A_59 = arith.constant 16 : index
      %swap3A_60 = tpu.vector_load %arg16[%swap3A_58, %swap3A_59] {strides = array<i32>} : memref<40x128xf32, #tpu.memory_space<vmem>>, vector<1x16xf32>,
      %swap3A_61 = vector.shape_cast %swap3A_60 : vector<1x16xf32> to vector<16xf32>
      %swap3A_62 = vector.shape_cast %broadcast_in_dim3A_57 : vector<16xf32> to vector<1x16xf32>
      tpu.vector_store %arg16[%swap3A_58, %swap3A_59], %swap3A_62 {strides = array<i32>} : memref<40x128xf32, #tpu.memory_space<vmem>>, vector<1x16xf32>,
      %broadcast_in_dim3A_63 = arith.constant 0.000000e+00 : f32
      %broadcast_in_dim3A_64 = vector.broadcast %broadcast_in_dim3A_63 : f32 to vector<16xf32>
      %swap3A_65 = arith.index_cast %scan3A_49 : i32 to index
      %swap3A_66 = arith.constant 32 : index
      %swap3A_67 = tpu.vector_load %arg16[%swap3A_65, %swap3A_66] {strides = array<i32>} : memref<40x128xf32, #tpu.memory_space<vmem>>, vector<1x16xf32>,
      %swap3A_68 = vector.shape_cast %swap3A_67 : vector<1x16xf32> to vector<16xf32>
      %swap3A_69 = vector.shape_cast %broadcast_in_dim3A_64 : vector<16xf32> to vector<1x16xf32>
      tpu.vector_store %arg16[%swap3A_65, %swap3A_66], %swap3A_69 {strides = array<i32>} : memref<40x128xf32, #tpu.memory_space<vmem>>, vector<1x16xf32>,
      %broadcast_in_dim3A_70 = arith.constant 0.000000e+00 : f32
      %broadcast_in_dim3A_71 = vector.broadcast %broadcast_in_dim3A_70 : f32 to vector<16xf32>
      %swap3A_72 = arith.index_cast %scan3A_49 : i32 to index
      %swap3A_73 = arith.constant 48 : index
      %swap3A_74 = tpu.vector_load %arg16[%swap3A_72, %swap3A_73] {strides = array<i32>} : memref<40x128xf32, #tpu.memory_space<vmem>>, vector<1x16xf32>,
      %swap3A_75 = vector.shape_cast %swap3A_74 : vector<1x16xf32> to vector<16xf32>
      %swap3A_76 = vector.shape_cast %broadcast_in_dim3A_71 : vector<16xf32> to vector<1x16xf32>
      tpu.vector_store %arg16[%swap3A_72, %swap3A_73], %swap3A_76 {strides = array<i32>} : memref<40x128xf32, #tpu.memory_space<vmem>>, vector<1x16xf32>,
      %broadcast_in_dim3A_77 = arith.constant 0.000000e+00 : f32
      %broadcast_in_dim3A_78 = vector.broadcast %broadcast_in_dim3A_77 : f32 to vector<16xf32>
      %swap3A_79 = arith.index_cast %scan3A_49 : i32 to index
      %swap3A_80 = arith.constant 64 : index
      %swap3A_81 = tpu.vector_load %arg16[%swap3A_79, %swap3A_80] {strides = array<i32>} : memref<40x128xf32, #tpu.memory_space<vmem>>, vector<1x16xf32>,
      %swap3A_82 = vector.shape_cast %swap3A_81 : vector<1x16xf32> to vector<16xf32>
      %swap3A_83 = vector.shape_cast %broadcast_in_dim3A_78 : vector<16xf32> to vector<1x16xf32>
      tpu.vector_store %arg16[%swap3A_79, %swap3A_80], %swap3A_83 {strides = array<i32>} : memref<40x128xf32, #tpu.memory_space<vmem>>, vector<1x16xf32>,
      %broadcast_in_dim3A_84 = arith.constant 0.000000e+00 : f32
      %broadcast_in_dim3A_85 = vector.broadcast %broadcast_in_dim3A_84 : f32 to vector<16xf32>
      %swap3A_86 = arith.index_cast %scan3A_49 : i32 to index
      %swap3A_87 = arith.constant 80 : index
      %swap3A_88 = tpu.vector_load %arg16[%swap3A_86, %swap3A_87] {strides = array<i32>} : memref<40x128xf32, #tpu.memory_space<vmem>>, vector<1x16xf32>,
      %swap3A_89 = vector.shape_cast %swap3A_88 : vector<1x16xf32> to vector<16xf32>
      %swap3A_90 = vector.shape_cast %broadcast_in_dim3A_85 : vector<16xf32> to vector<1x16xf32>
      tpu.vector_store %arg16[%swap3A_86, %swap3A_87], %swap3A_90 {strides = array<i32>} : memref<40x128xf32, #tpu.memory_space<vmem>>, vector<1x16xf32>,
      %broadcast_in_dim3A_91 = arith.constant 0.000000e+00 : f32
      %broadcast_in_dim3A_92 = vector.broadcast %broadcast_in_dim3A_91 : f32 to vector<16xf32>
      %swap3A_93 = arith.index_cast %scan3A_49 : i32 to index
      %swap3A_94 = arith.constant 96 : index
      %swap3A_95 = tpu.vector_load %arg16[%swap3A_93, %swap3A_94] {strides = array<i32>} : memref<40x128xf32, #tpu.memory_space<vmem>>, vector<1x16xf32>,
      %swap3A_96 = vector.shape_cast %swap3A_95 : vector<1x16xf32> to vector<16xf32>
      %swap3A_97 = vector.shape_cast %broadcast_in_dim3A_92 : vector<16xf32> to vector<1x16xf32>
      tpu.vector_store %arg16[%swap3A_93, %swap3A_94], %swap3A_97 {strides = array<i32>} : memref<40x128xf32, #tpu.memory_space<vmem>>, vector<1x16xf32>,
      %broadcast_in_dim3A_98 = arith.constant 0.000000e+00 : f32
      %broadcast_in_dim3A_99 = vector.broadcast %broadcast_in_dim3A_98 : f32 to vector<16xf32>
      %swap3A_100 = arith.index_cast %scan3A_49 : i32 to index
      %swap3A_101 = arith.constant 112 : index
      %swap3A_102 = tpu.vector_load %arg16[%swap3A_100, %swap3A_101] {strides = array<i32>} : memref<40x128xf32, #tpu.memory_space<vmem>>, vector<1x16xf32>,
      %swap3A_103 = vector.shape_cast %swap3A_102 : vector<1x16xf32> to vector<16xf32>
      %swap3A_104 = vector.shape_cast %broadcast_in_dim3A_99 : vector<16xf32> to vector<1x16xf32>
      tpu.vector_store %arg16[%swap3A_100, %swap3A_101], %swap3A_104 {strides = array<i32>} : memref<40x128xf32, #tpu.memory_space<vmem>>, vector<1x16xf32>,
      %scan3A_105 = arith.constant 0 : i32
      scf.yield %scan3A_105 : i32
    }
    %scan3A_6 = arith.constant 40 : i32
    %mul3A_7 = arith.constant 640 : i32
    %mul3A_8 = arith.muli %arg1, %mul3A_7 : i32
    %add3A = arith.constant 0 : i32
    %add3A_9 = arith.addi %mul3A_8, %add3A : i32
    "tpu.region"() ({
      %run_scoped3A = tpu.sem_alloc : memref<!tpu.dma_semaphore, #tpu.memory_space<semaphore_mem>>
      %dma_start3A = arith.constant 0 : i32
      %dma_start3A_49 = tpu.memref_slice %arg23[%add3A_9, %dma_start3A] : memref<10240x128xf32, #tpu.memory_space<vmem_shared>> -> memref<40x128xf32, #tpu.memory_space<vmem_shared>>
      %dma_start3A_50 = arith.constant 0 : i32
      %dma_start3A_51 = tpu.memref_slice %arg23[%add3A_9, %dma_start3A_50] : memref<10240x128xf32, #tpu.memory_space<vmem_shared>> -> memref<40x128xf32, #tpu.memory_space<vmem_shared>>
      tpu.enqueue_dma source(%arg16 : memref<40x128xf32, #tpu.memory_space<vmem>>) target(%dma_start3A_51 : memref<40x128xf32, #tpu.memory_space<vmem_shared>>) target_semaphore(%run_scoped3A : memref<!tpu.dma_semaphore, #tpu.memory_space<semaphore_mem>>)
      %dma_wait3A = arith.constant 0 : i32
      %dma_wait3A_52 = tpu.memref_slice %arg23[%add3A_9, %dma_wait3A] : memref<10240x128xf32, #tpu.memory_space<vmem_shared>> -> memref<40x128xf32, #tpu.memory_space<vmem_shared>>
      %dma_wait3A_53 = arith.constant 0 : i32
      %dma_wait3A_54 = tpu.memref_slice %arg23[%add3A_9, %dma_wait3A_53] : memref<10240x128xf32, #tpu.memory_space<vmem_shared>> -> memref<40x128xf32, #tpu.memory_space<vmem_shared>>
      tpu.wait_dma2 semaphore(%run_scoped3A : memref<!tpu.dma_semaphore, #tpu.memory_space<semaphore_mem>>) src(%arg16 : memref<40x128xf32, #tpu.memory_space<vmem>>) dst(%dma_wait3A_54 : memref<40x128xf32, #tpu.memory_space<vmem_shared>>)
      tpu.yield
    }) : () -> ()
    %add3A_10 = arith.constant 40 : i32
    %add3A_11 = arith.addi %mul3A_8, %add3A_10 : i32
    "tpu.region"() ({
      %run_scoped3A = tpu.sem_alloc : memref<!tpu.dma_semaphore, #tpu.memory_space<semaphore_mem>>
      %dma_start3A = arith.constant 0 : i32
      %dma_start3A_49 = tpu.memref_slice %arg23[%add3A_11, %dma_start3A] : memref<10240x128xf32, #tpu.memory_space<vmem_shared>> -> memref<40x128xf32, #tpu.memory_space<vmem_shared>>
      %dma_start3A_50 = arith.constant 0 : i32
      %dma_start3A_51 = tpu.memref_slice %arg23[%add3A_11, %dma_start3A_50] : memref<10240x128xf32, #tpu.memory_space<vmem_shared>> -> memref<40x128xf32, #tpu.memory_space<vmem_shared>>
      tpu.enqueue_dma source(%arg16 : memref<40x128xf32, #tpu.memory_space<vmem>>) target(%dma_start3A_51 : memref<40x128xf32, #tpu.memory_space<vmem_shared>>) target_semaphore(%run_scoped3A : memref<!tpu.dma_semaphore, #tpu.memory_space<semaphore_mem>>)
      %dma_wait3A = arith.constant 0 : i32
      %dma_wait3A_52 = tpu.memref_slice %arg23[%add3A_11, %dma_wait3A] : memref<10240x128xf32, #tpu.memory_space<vmem_shared>> -> memref<40x128xf32, #tpu.memory_space<vmem_shared>>
      %dma_wait3A_53 = arith.constant 0 : i32
      %dma_wait3A_54 = tpu.memref_slice %arg23[%add3A_11, %dma_wait3A_53] : memref<10240x128xf32, #tpu.memory_space<vmem_shared>> -> memref<40x128xf32, #tpu.memory_space<vmem_shared>>
      tpu.wait_dma2 semaphore(%run_scoped3A : memref<!tpu.dma_semaphore, #tpu.memory_space<semaphore_mem>>) src(%arg16 : memref<40x128xf32, #tpu.memory_space<vmem>>) dst(%dma_wait3A_54 : memref<40x128xf32, #tpu.memory_space<vmem_shared>>)
      tpu.yield
    }) : () -> ()
    %add3A_12 = arith.constant 80 : i32
    %add3A_13 = arith.addi %mul3A_8, %add3A_12 : i32
    "tpu.region"() ({
      %run_scoped3A = tpu.sem_alloc : memref<!tpu.dma_semaphore, #tpu.memory_space<semaphore_mem>>
      %dma_start3A = arith.constant 0 : i32
      %dma_start3A_49 = tpu.memref_slice %arg23[%add3A_13, %dma_start3A] : memref<10240x128xf32, #tpu.memory_space<vmem_shared>> -> memref<40x128xf32, #tpu.memory_space<vmem_shared>>
      %dma_start3A_50 = arith.constant 0 : i32
      %dma_start3A_51 = tpu.memref_slice %arg23[%add3A_13, %dma_start3A_50] : memref<10240x128xf32, #tpu.memory_space<vmem_shared>> -> memref<40x128xf32, #tpu.memory_space<vmem_shared>>
      tpu.enqueue_dma source(%arg16 : memref<40x128xf32, #tpu.memory_space<vmem>>) target(%dma_start3A_51 : memref<40x128xf32, #tpu.memory_space<vmem_shared>>) target_semaphore(%run_scoped3A : memref<!tpu.dma_semaphore, #tpu.memory_space<semaphore_mem>>)
      %dma_wait3A = arith.constant 0 : i32
      %dma_wait3A_52 = tpu.memref_slice %arg23[%add3A_13, %dma_wait3A] : memref<10240x128xf32, #tpu.memory_space<vmem_shared>> -> memref<40x128xf32, #tpu.memory_space<vmem_shared>>
      %dma_wait3A_53 = arith.constant 0 : i32
      %dma_wait3A_54 = tpu.memref_slice %arg23[%add3A_13, %dma_wait3A_53] : memref<10240x128xf32, #tpu.memory_space<vmem_shared>> -> memref<40x128xf32, #tpu.memory_space<vmem_shared>>
      tpu.wait_dma2 semaphore(%run_scoped3A : memref<!tpu.dma_semaphore, #tpu.memory_space<semaphore_mem>>) src(%arg16 : memref<40x128xf32, #tpu.memory_space<vmem>>) dst(%dma_wait3A_54 : memref<40x128xf32, #tpu.memory_space<vmem_shared>>)
      tpu.yield
    }) : () -> ()
    %add3A_14 = arith.constant 120 : i32
    %add3A_15 = arith.addi %mul3A_8, %add3A_14 : i32
    "tpu.region"() ({
      %run_scoped3A = tpu.sem_alloc : memref<!tpu.dma_semaphore, #tpu.memory_space<semaphore_mem>>
      %dma_start3A = arith.constant 0 : i32
      %dma_start3A_49 = tpu.memref_slice %arg23[%add3A_15, %dma_start3A] : memref<10240x128xf32, #tpu.memory_space<vmem_shared>> -> memref<40x128xf32, #tpu.memory_space<vmem_shared>>
      %dma_start3A_50 = arith.constant 0 : i32
      %dma_start3A_51 = tpu.memref_slice %arg23[%add3A_15, %dma_start3A_50] : memref<10240x128xf32, #tpu.memory_space<vmem_shared>> -> memref<40x128xf32, #tpu.memory_space<vmem_shared>>
      tpu.enqueue_dma source(%arg16 : memref<40x128xf32, #tpu.memory_space<vmem>>) target(%dma_start3A_51 : memref<40x128xf32, #tpu.memory_space<vmem_shared>>) target_semaphore(%run_scoped3A : memref<!tpu.dma_semaphore, #tpu.memory_space<semaphore_mem>>)
      %dma_wait3A = arith.constant 0 : i32
      %dma_wait3A_52 = tpu.memref_slice %arg23[%add3A_15, %dma_wait3A] : memref<10240x128xf32, #tpu.memory_space<vmem_shared>> -> memref<40x128xf32, #tpu.memory_space<vmem_shared>>
      %dma_wait3A_53 = arith.constant 0 : i32
      %dma_wait3A_54 = tpu.memref_slice %arg23[%add3A_15, %dma_wait3A_53] : memref<10240x128xf32, #tpu.memory_space<vmem_shared>> -> memref<40x128xf32, #tpu.memory_space<vmem_shared>>
      tpu.wait_dma2 semaphore(%run_scoped3A : memref<!tpu.dma_semaphore, #tpu.memory_space<semaphore_mem>>) src(%arg16 : memref<40x128xf32, #tpu.memory_space<vmem>>) dst(%dma_wait3A_54 : memref<40x128xf32, #tpu.memory_space<vmem_shared>>)
      tpu.yield
    }) : () -> ()
    %add3A_16 = arith.constant 160 : i32
    %add3A_17 = arith.addi %mul3A_8, %add3A_16 : i32
    "tpu.region"() ({
      %run_scoped3A = tpu.sem_alloc : memref<!tpu.dma_semaphore, #tpu.memory_space<semaphore_mem>>
      %dma_start3A = arith.constant 0 : i32
      %dma_start3A_49 = tpu.memref_slice %arg23[%add3A_17, %dma_start3A] : memref<10240x128xf32, #tpu.memory_space<vmem_shared>> -> memref<40x128xf32, #tpu.memory_space<vmem_shared>>
      %dma_start3A_50 = arith.constant 0 : i32
      %dma_start3A_51 = tpu.memref_slice %arg23[%add3A_17, %dma_start3A_50] : memref<10240x128xf32, #tpu.memory_space<vmem_shared>> -> memref<40x128xf32, #tpu.memory_space<vmem_shared>>
      tpu.enqueue_dma source(%arg16 : memref<40x128xf32, #tpu.memory_space<vmem>>) target(%dma_start3A_51 : memref<40x128xf32, #tpu.memory_space<vmem_shared>>) target_semaphore(%run_scoped3A : memref<!tpu.dma_semaphore, #tpu.memory_space<semaphore_mem>>)
      %dma_wait3A = arith.constant 0 : i32
      %dma_wait3A_52 = tpu.memref_slice %arg23[%add3A_17, %dma_wait3A] : memref<10240x128xf32, #tpu.memory_space<vmem_shared>> -> memref<40x128xf32, #tpu.memory_space<vmem_shared>>
      %dma_wait3A_53 = arith.constant 0 : i32
      %dma_wait3A_54 = tpu.memref_slice %arg23[%add3A_17, %dma_wait3A_53] : memref<10240x128xf32, #tpu.memory_space<vmem_shared>> -> memref<40x128xf32, #tpu.memory_space<vmem_shared>>
      tpu.wait_dma2 semaphore(%run_scoped3A : memref<!tpu.dma_semaphore, #tpu.memory_space<semaphore_mem>>) src(%arg16 : memref<40x128xf32, #tpu.memory_space<vmem>>) dst(%dma_wait3A_54 : memref<40x128xf32, #tpu.memory_space<vmem_shared>>)
      tpu.yield
    }) : () -> ()
    %add3A_18 = arith.constant 200 : i32
    %add3A_19 = arith.addi %mul3A_8, %add3A_18 : i32
    "tpu.region"() ({
      %run_scoped3A = tpu.sem_alloc : memref<!tpu.dma_semaphore, #tpu.memory_space<semaphore_mem>>
      %dma_start3A = arith.constant 0 : i32
      %dma_start3A_49 = tpu.memref_slice %arg23[%add3A_19, %dma_start3A] : memref<10240x128xf32, #tpu.memory_space<vmem_shared>> -> memref<40x128xf32, #tpu.memory_space<vmem_shared>>
      %dma_start3A_50 = arith.constant 0 : i32
      %dma_start3A_51 = tpu.memref_slice %arg23[%add3A_19, %dma_start3A_50] : memref<10240x128xf32, #tpu.memory_space<vmem_shared>> -> memref<40x128xf32, #tpu.memory_space<vmem_shared>>
      tpu.enqueue_dma source(%arg16 : memref<40x128xf32, #tpu.memory_space<vmem>>) target(%dma_start3A_51 : memref<40x128xf32, #tpu.memory_space<vmem_shared>>) target_semaphore(%run_scoped3A : memref<!tpu.dma_semaphore, #tpu.memory_space<semaphore_mem>>)
      %dma_wait3A = arith.constant 0 : i32
      %dma_wait3A_52 = tpu.memref_slice %arg23[%add3A_19, %dma_wait3A] : memref<10240x128xf32, #tpu.memory_space<vmem_shared>> -> memref<40x128xf32, #tpu.memory_space<vmem_shared>>
      %dma_wait3A_53 = arith.constant 0 : i32
      %dma_wait3A_54 = tpu.memref_slice %arg23[%add3A_19, %dma_wait3A_53] : memref<10240x128xf32, #tpu.memory_space<vmem_shared>> -> memref<40x128xf32, #tpu.memory_space<vmem_shared>>
      tpu.wait_dma2 semaphore(%run_scoped3A : memref<!tpu.dma_semaphore, #tpu.memory_space<semaphore_mem>>) src(%arg16 : memref<40x128xf32, #tpu.memory_space<vmem>>) dst(%dma_wait3A_54 : memref<40x128xf32, #tpu.memory_space<vmem_shared>>)
      tpu.yield
    }) : () -> ()
    %add3A_20 = arith.constant 240 : i32
    %add3A_21 = arith.addi %mul3A_8, %add3A_20 : i32
    "tpu.region"() ({
      %run_scoped3A = tpu.sem_alloc : memref<!tpu.dma_semaphore, #tpu.memory_space<semaphore_mem>>
      %dma_start3A = arith.constant 0 : i32
      %dma_start3A_49 = tpu.memref_slice %arg23[%add3A_21, %dma_start3A] : memref<10240x128xf32, #tpu.memory_space<vmem_shared>> -> memref<40x128xf32, #tpu.memory_space<vmem_shared>>
      %dma_start3A_50 = arith.constant 0 : i32
      %dma_start3A_51 = tpu.memref_slice %arg23[%add3A_21, %dma_start3A_50] : memref<10240x128xf32, #tpu.memory_space<vmem_shared>> -> memref<40x128xf32, #tpu.memory_space<vmem_shared>>
      tpu.enqueue_dma source(%arg16 : memref<40x128xf32, #tpu.memory_space<vmem>>) target(%dma_start3A_51 : memref<40x128xf32, #tpu.memory_space<vmem_shared>>) target_semaphore(%run_scoped3A : memref<!tpu.dma_semaphore, #tpu.memory_space<semaphore_mem>>)
      %dma_wait3A = arith.constant 0 : i32
      %dma_wait3A_52 = tpu.memref_slice %arg23[%add3A_21, %dma_wait3A] : memref<10240x128xf32, #tpu.memory_space<vmem_shared>> -> memref<40x128xf32, #tpu.memory_space<vmem_shared>>
      %dma_wait3A_53 = arith.constant 0 : i32
      %dma_wait3A_54 = tpu.memref_slice %arg23[%add3A_21, %dma_wait3A_53] : memref<10240x128xf32, #tpu.memory_space<vmem_shared>> -> memref<40x128xf32, #tpu.memory_space<vmem_shared>>
      tpu.wait_dma2 semaphore(%run_scoped3A : memref<!tpu.dma_semaphore, #tpu.memory_space<semaphore_mem>>) src(%arg16 : memref<40x128xf32, #tpu.memory_space<vmem>>) dst(%dma_wait3A_54 : memref<40x128xf32, #tpu.memory_space<vmem_shared>>)
      tpu.yield
    }) : () -> ()
    %add3A_22 = arith.constant 280 : i32
    %add3A_23 = arith.addi %mul3A_8, %add3A_22 : i32
    "tpu.region"() ({
      %run_scoped3A = tpu.sem_alloc : memref<!tpu.dma_semaphore, #tpu.memory_space<semaphore_mem>>
      %dma_start3A = arith.constant 0 : i32
      %dma_start3A_49 = tpu.memref_slice %arg23[%add3A_23, %dma_start3A] : memref<10240x128xf32, #tpu.memory_space<vmem_shared>> -> memref<40x128xf32, #tpu.memory_space<vmem_shared>>
      %dma_start3A_50 = arith.constant 0 : i32
      %dma_start3A_51 = tpu.memref_slice %arg23[%add3A_23, %dma_start3A_50] : memref<10240x128xf32, #tpu.memory_space<vmem_shared>> -> memref<40x128xf32, #tpu.memory_space<vmem_shared>>
      tpu.enqueue_dma source(%arg16 : memref<40x128xf32, #tpu.memory_space<vmem>>) target(%dma_start3A_51 : memref<40x128xf32, #tpu.memory_space<vmem_shared>>) target_semaphore(%run_scoped3A : memref<!tpu.dma_semaphore, #tpu.memory_space<semaphore_mem>>)
      %dma_wait3A = arith.constant 0 : i32
      %dma_wait3A_52 = tpu.memref_slice %arg23[%add3A_23, %dma_wait3A] : memref<10240x128xf32, #tpu.memory_space<vmem_shared>> -> memref<40x128xf32, #tpu.memory_space<vmem_shared>>
      %dma_wait3A_53 = arith.constant 0 : i32
      %dma_wait3A_54 = tpu.memref_slice %arg23[%add3A_23, %dma_wait3A_53] : memref<10240x128xf32, #tpu.memory_space<vmem_shared>> -> memref<40x128xf32, #tpu.memory_space<vmem_shared>>
      tpu.wait_dma2 semaphore(%run_scoped3A : memref<!tpu.dma_semaphore, #tpu.memory_space<semaphore_mem>>) src(%arg16 : memref<40x128xf32, #tpu.memory_space<vmem>>) dst(%dma_wait3A_54 : memref<40x128xf32, #tpu.memory_space<vmem_shared>>)
      tpu.yield
    }) : () -> ()
    %add3A_24 = arith.constant 320 : i32
    %add3A_25 = arith.addi %mul3A_8, %add3A_24 : i32
    "tpu.region"() ({
      %run_scoped3A = tpu.sem_alloc : memref<!tpu.dma_semaphore, #tpu.memory_space<semaphore_mem>>
      %dma_start3A = arith.constant 0 : i32
      %dma_start3A_49 = tpu.memref_slice %arg23[%add3A_25, %dma_start3A] : memref<10240x128xf32, #tpu.memory_space<vmem_shared>> -> memref<40x128xf32, #tpu.memory_space<vmem_shared>>
      %dma_start3A_50 = arith.constant 0 : i32
      %dma_start3A_51 = tpu.memref_slice %arg23[%add3A_25, %dma_start3A_50] : memref<10240x128xf32, #tpu.memory_space<vmem_shared>> -> memref<40x128xf32, #tpu.memory_space<vmem_shared>>
      tpu.enqueue_dma source(%arg16 : memref<40x128xf32, #tpu.memory_space<vmem>>) target(%dma_start3A_51 : memref<40x128xf32, #tpu.memory_space<vmem_shared>>) target_semaphore(%run_scoped3A : memref<!tpu.dma_semaphore, #tpu.memory_space<semaphore_mem>>)
      %dma_wait3A = arith.constant 0 : i32
      %dma_wait3A_52 = tpu.memref_slice %arg23[%add3A_25, %dma_wait3A] : memref<10240x128xf32, #tpu.memory_space<vmem_shared>> -> memref<40x128xf32, #tpu.memory_space<vmem_shared>>
      %dma_wait3A_53 = arith.constant 0 : i32
      %dma_wait3A_54 = tpu.memref_slice %arg23[%add3A_25, %dma_wait3A_53] : memref<10240x128xf32, #tpu.memory_space<vmem_shared>> -> memref<40x128xf32, #tpu.memory_space<vmem_shared>>
      tpu.wait_dma2 semaphore(%run_scoped3A : memref<!tpu.dma_semaphore, #tpu.memory_space<semaphore_mem>>) src(%arg16 : memref<40x128xf32, #tpu.memory_space<vmem>>) dst(%dma_wait3A_54 : memref<40x128xf32, #tpu.memory_space<vmem_shared>>)
      tpu.yield
    }) : () -> ()
    %add3A_26 = arith.constant 360 : i32
    %add3A_27 = arith.addi %mul3A_8, %add3A_26 : i32
    "tpu.region"() ({
      %run_scoped3A = tpu.sem_alloc : memref<!tpu.dma_semaphore, #tpu.memory_space<semaphore_mem>>
      %dma_start3A = arith.constant 0 : i32
      %dma_start3A_49 = tpu.memref_slice %arg23[%add3A_27, %dma_start3A] : memref<10240x128xf32, #tpu.memory_space<vmem_shared>> -> memref<40x128xf32, #tpu.memory_space<vmem_shared>>
      %dma_start3A_50 = arith.constant 0 : i32
      %dma_start3A_51 = tpu.memref_slice %arg23[%add3A_27, %dma_start3A_50] : memref<10240x128xf32, #tpu.memory_space<vmem_shared>> -> memref<40x128xf32, #tpu.memory_space<vmem_shared>>
      tpu.enqueue_dma source(%arg16 : memref<40x128xf32, #tpu.memory_space<vmem>>) target(%dma_start3A_51 : memref<40x128xf32, #tpu.memory_space<vmem_shared>>) target_semaphore(%run_scoped3A : memref<!tpu.dma_semaphore, #tpu.memory_space<semaphore_mem>>)
      %dma_wait3A = arith.constant 0 : i32
      %dma_wait3A_52 = tpu.memref_slice %arg23[%add3A_27, %dma_wait3A] : memref<10240x128xf32, #tpu.memory_space<vmem_shared>> -> memref<40x128xf32, #tpu.memory_space<vmem_shared>>
      %dma_wait3A_53 = arith.constant 0 : i32
      %dma_wait3A_54 = tpu.memref_slice %arg23[%add3A_27, %dma_wait3A_53] : memref<10240x128xf32, #tpu.memory_space<vmem_shared>> -> memref<40x128xf32, #tpu.memory_space<vmem_shared>>
      tpu.wait_dma2 semaphore(%run_scoped3A : memref<!tpu.dma_semaphore, #tpu.memory_space<semaphore_mem>>) src(%arg16 : memref<40x128xf32, #tpu.memory_space<vmem>>) dst(%dma_wait3A_54 : memref<40x128xf32, #tpu.memory_space<vmem_shared>>)
      tpu.yield
    }) : () -> ()
    %add3A_28 = arith.constant 400 : i32
    %add3A_29 = arith.addi %mul3A_8, %add3A_28 : i32
    "tpu.region"() ({
      %run_scoped3A = tpu.sem_alloc : memref<!tpu.dma_semaphore, #tpu.memory_space<semaphore_mem>>
      %dma_start3A = arith.constant 0 : i32
      %dma_start3A_49 = tpu.memref_slice %arg23[%add3A_29, %dma_start3A] : memref<10240x128xf32, #tpu.memory_space<vmem_shared>> -> memref<40x128xf32, #tpu.memory_space<vmem_shared>>
      %dma_start3A_50 = arith.constant 0 : i32
      %dma_start3A_51 = tpu.memref_slice %arg23[%add3A_29, %dma_start3A_50] : memref<10240x128xf32, #tpu.memory_space<vmem_shared>> -> memref<40x128xf32, #tpu.memory_space<vmem_shared>>
      tpu.enqueue_dma source(%arg16 : memref<40x128xf32, #tpu.memory_space<vmem>>) target(%dma_start3A_51 : memref<40x128xf32, #tpu.memory_space<vmem_shared>>) target_semaphore(%run_scoped3A : memref<!tpu.dma_semaphore, #tpu.memory_space<semaphore_mem>>)
      %dma_wait3A = arith.constant 0 : i32
      %dma_wait3A_52 = tpu.memref_slice %arg23[%add3A_29, %dma_wait3A] : memref<10240x128xf32, #tpu.memory_space<vmem_shared>> -> memref<40x128xf32, #tpu.memory_space<vmem_shared>>
      %dma_wait3A_53 = arith.constant 0 : i32
      %dma_wait3A_54 = tpu.memref_slice %arg23[%add3A_29, %dma_wait3A_53] : memref<10240x128xf32, #tpu.memory_space<vmem_shared>> -> memref<40x128xf32, #tpu.memory_space<vmem_shared>>
      tpu.wait_dma2 semaphore(%run_scoped3A : memref<!tpu.dma_semaphore, #tpu.memory_space<semaphore_mem>>) src(%arg16 : memref<40x128xf32, #tpu.memory_space<vmem>>) dst(%dma_wait3A_54 : memref<40x128xf32, #tpu.memory_space<vmem_shared>>)
      tpu.yield
    }) : () -> ()
    %add3A_30 = arith.constant 440 : i32
    %add3A_31 = arith.addi %mul3A_8, %add3A_30 : i32
    "tpu.region"() ({
      %run_scoped3A = tpu.sem_alloc : memref<!tpu.dma_semaphore, #tpu.memory_space<semaphore_mem>>
      %dma_start3A = arith.constant 0 : i32
      %dma_start3A_49 = tpu.memref_slice %arg23[%add3A_31, %dma_start3A] : memref<10240x128xf32, #tpu.memory_space<vmem_shared>> -> memref<40x128xf32, #tpu.memory_space<vmem_shared>>
      %dma_start3A_50 = arith.constant 0 : i32
      %dma_start3A_51 = tpu.memref_slice %arg23[%add3A_31, %dma_start3A_50] : memref<10240x128xf32, #tpu.memory_space<vmem_shared>> -> memref<40x128xf32, #tpu.memory_space<vmem_shared>>
      tpu.enqueue_dma source(%arg16 : memref<40x128xf32, #tpu.memory_space<vmem>>) target(%dma_start3A_51 : memref<40x128xf32, #tpu.memory_space<vmem_shared>>) target_semaphore(%run_scoped3A : memref<!tpu.dma_semaphore, #tpu.memory_space<semaphore_mem>>)
      %dma_wait3A = arith.constant 0 : i32
      %dma_wait3A_52 = tpu.memref_slice %arg23[%add3A_31, %dma_wait3A] : memref<10240x128xf32, #tpu.memory_space<vmem_shared>> -> memref<40x128xf32, #tpu.memory_space<vmem_shared>>
      %dma_wait3A_53 = arith.constant 0 : i32
      %dma_wait3A_54 = tpu.memref_slice %arg23[%add3A_31, %dma_wait3A_53] : memref<10240x128xf32, #tpu.memory_space<vmem_shared>> -> memref<40x128xf32, #tpu.memory_space<vmem_shared>>
      tpu.wait_dma2 semaphore(%run_scoped3A : memref<!tpu.dma_semaphore, #tpu.memory_space<semaphore_mem>>) src(%arg16 : memref<40x128xf32, #tpu.memory_space<vmem>>) dst(%dma_wait3A_54 : memref<40x128xf32, #tpu.memory_space<vmem_shared>>)
      tpu.yield
    }) : () -> ()
    %add3A_32 = arith.constant 480 : i32
    %add3A_33 = arith.addi %mul3A_8, %add3A_32 : i32
    "tpu.region"() ({
      %run_scoped3A = tpu.sem_alloc : memref<!tpu.dma_semaphore, #tpu.memory_space<semaphore_mem>>
      %dma_start3A = arith.constant 0 : i32
      %dma_start3A_49 = tpu.memref_slice %arg23[%add3A_33, %dma_start3A] : memref<10240x128xf32, #tpu.memory_space<vmem_shared>> -> memref<40x128xf32, #tpu.memory_space<vmem_shared>>
      %dma_start3A_50 = arith.constant 0 : i32
      %dma_start3A_51 = tpu.memref_slice %arg23[%add3A_33, %dma_start3A_50] : memref<10240x128xf32, #tpu.memory_space<vmem_shared>> -> memref<40x128xf32, #tpu.memory_space<vmem_shared>>
      tpu.enqueue_dma source(%arg16 : memref<40x128xf32, #tpu.memory_space<vmem>>) target(%dma_start3A_51 : memref<40x128xf32, #tpu.memory_space<vmem_shared>>) target_semaphore(%run_scoped3A : memref<!tpu.dma_semaphore, #tpu.memory_space<semaphore_mem>>)
      %dma_wait3A = arith.constant 0 : i32
      %dma_wait3A_52 = tpu.memref_slice %arg23[%add3A_33, %dma_wait3A] : memref<10240x128xf32, #tpu.memory_space<vmem_shared>> -> memref<40x128xf32, #tpu.memory_space<vmem_shared>>
      %dma_wait3A_53 = arith.constant 0 : i32
      %dma_wait3A_54 = tpu.memref_slice %arg23[%add3A_33, %dma_wait3A_53] : memref<10240x128xf32, #tpu.memory_space<vmem_shared>> -> memref<40x128xf32, #tpu.memory_space<vmem_shared>>
      tpu.wait_dma2 semaphore(%run_scoped3A : memref<!tpu.dma_semaphore, #tpu.memory_space<semaphore_mem>>) src(%arg16 : memref<40x128xf32, #tpu.memory_space<vmem>>) dst(%dma_wait3A_54 : memref<40x128xf32, #tpu.memory_space<vmem_shared>>)
      tpu.yield
    }) : () -> ()
    %add3A_34 = arith.constant 520 : i32
    %add3A_35 = arith.addi %mul3A_8, %add3A_34 : i32
    "tpu.region"() ({
      %run_scoped3A = tpu.sem_alloc : memref<!tpu.dma_semaphore, #tpu.memory_space<semaphore_mem>>
      %dma_start3A = arith.constant 0 : i32
      %dma_start3A_49 = tpu.memref_slice %arg23[%add3A_35, %dma_start3A] : memref<10240x128xf32, #tpu.memory_space<vmem_shared>> -> memref<40x128xf32, #tpu.memory_space<vmem_shared>>
      %dma_start3A_50 = arith.constant 0 : i32
      %dma_start3A_51 = tpu.memref_slice %arg23[%add3A_35, %dma_start3A_50] : memref<10240x128xf32, #tpu.memory_space<vmem_shared>> -> memref<40x128xf32, #tpu.memory_space<vmem_shared>>
      tpu.enqueue_dma source(%arg16 : memref<40x128xf32, #tpu.memory_space<vmem>>) target(%dma_start3A_51 : memref<40x128xf32, #tpu.memory_space<vmem_shared>>) target_semaphore(%run_scoped3A : memref<!tpu.dma_semaphore, #tpu.memory_space<semaphore_mem>>)
      %dma_wait3A = arith.constant 0 : i32
      %dma_wait3A_52 = tpu.memref_slice %arg23[%add3A_35, %dma_wait3A] : memref<10240x128xf32, #tpu.memory_space<vmem_shared>> -> memref<40x128xf32, #tpu.memory_space<vmem_shared>>
      %dma_wait3A_53 = arith.constant 0 : i32
      %dma_wait3A_54 = tpu.memref_slice %arg23[%add3A_35, %dma_wait3A_53] : memref<10240x128xf32, #tpu.memory_space<vmem_shared>> -> memref<40x128xf32, #tpu.memory_space<vmem_shared>>
      tpu.wait_dma2 semaphore(%run_scoped3A : memref<!tpu.dma_semaphore, #tpu.memory_space<semaphore_mem>>) src(%arg16 : memref<40x128xf32, #tpu.memory_space<vmem>>) dst(%dma_wait3A_54 : memref<40x128xf32, #tpu.memory_space<vmem_shared>>)
      tpu.yield
    }) : () -> ()
    %add3A_36 = arith.constant 560 : i32
    %add3A_37 = arith.addi %mul3A_8, %add3A_36 : i32
    "tpu.region"() ({
      %run_scoped3A = tpu.sem_alloc : memref<!tpu.dma_semaphore, #tpu.memory_space<semaphore_mem>>
      %dma_start3A = arith.constant 0 : i32
      %dma_start3A_49 = tpu.memref_slice %arg23[%add3A_37, %dma_start3A] : memref<10240x128xf32, #tpu.memory_space<vmem_shared>> -> memref<40x128xf32, #tpu.memory_space<vmem_shared>>
      %dma_start3A_50 = arith.constant 0 : i32
      %dma_start3A_51 = tpu.memref_slice %arg23[%add3A_37, %dma_start3A_50] : memref<10240x128xf32, #tpu.memory_space<vmem_shared>> -> memref<40x128xf32, #tpu.memory_space<vmem_shared>>
      tpu.enqueue_dma source(%arg16 : memref<40x128xf32, #tpu.memory_space<vmem>>) target(%dma_start3A_51 : memref<40x128xf32, #tpu.memory_space<vmem_shared>>) target_semaphore(%run_scoped3A : memref<!tpu.dma_semaphore, #tpu.memory_space<semaphore_mem>>)
      %dma_wait3A = arith.constant 0 : i32
      %dma_wait3A_52 = tpu.memref_slice %arg23[%add3A_37, %dma_wait3A] : memref<10240x128xf32, #tpu.memory_space<vmem_shared>> -> memref<40x128xf32, #tpu.memory_space<vmem_shared>>
      %dma_wait3A_53 = arith.constant 0 : i32
      %dma_wait3A_54 = tpu.memref_slice %arg23[%add3A_37, %dma_wait3A_53] : memref<10240x128xf32, #tpu.memory_space<vmem_shared>> -> memref<40x128xf32, #tpu.memory_space<vmem_shared>>
      tpu.wait_dma2 semaphore(%run_scoped3A : memref<!tpu.dma_semaphore, #tpu.memory_space<semaphore_mem>>) src(%arg16 : memref<40x128xf32, #tpu.memory_space<vmem>>) dst(%dma_wait3A_54 : memref<40x128xf32, #tpu.memory_space<vmem_shared>>)
      tpu.yield
    }) : () -> ()
    %add3A_38 = arith.constant 600 : i32
    %add3A_39 = arith.addi %mul3A_8, %add3A_38 : i32
    "tpu.region"() ({
      %run_scoped3A = tpu.sem_alloc : memref<!tpu.dma_semaphore, #tpu.memory_space<semaphore_mem>>
      %dma_start3A = arith.constant 0 : i32
      %dma_start3A_49 = tpu.memref_slice %arg23[%add3A_39, %dma_start3A] : memref<10240x128xf32, #tpu.memory_space<vmem_shared>> -> memref<40x128xf32, #tpu.memory_space<vmem_shared>>
      %dma_start3A_50 = arith.constant 0 : i32
      %dma_start3A_51 = tpu.memref_slice %arg23[%add3A_39, %dma_start3A_50] : memref<10240x128xf32, #tpu.memory_space<vmem_shared>> -> memref<40x128xf32, #tpu.memory_space<vmem_shared>>
      tpu.enqueue_dma source(%arg16 : memref<40x128xf32, #tpu.memory_space<vmem>>) target(%dma_start3A_51 : memref<40x128xf32, #tpu.memory_space<vmem_shared>>) target_semaphore(%run_scoped3A : memref<!tpu.dma_semaphore, #tpu.memory_space<semaphore_mem>>)
      %dma_wait3A = arith.constant 0 : i32
      %dma_wait3A_52 = tpu.memref_slice %arg23[%add3A_39, %dma_wait3A] : memref<10240x128xf32, #tpu.memory_space<vmem_shared>> -> memref<40x128xf32, #tpu.memory_space<vmem_shared>>
      %dma_wait3A_53 = arith.constant 0 : i32
      %dma_wait3A_54 = tpu.memref_slice %arg23[%add3A_39, %dma_wait3A_53] : memref<10240x128xf32, #tpu.memory_space<vmem_shared>> -> memref<40x128xf32, #tpu.memory_space<vmem_shared>>
      tpu.wait_dma2 semaphore(%run_scoped3A : memref<!tpu.dma_semaphore, #tpu.memory_space<semaphore_mem>>) src(%arg16 : memref<40x128xf32, #tpu.memory_space<vmem>>) dst(%dma_wait3A_54 : memref<40x128xf32, #tpu.memory_space<vmem_shared>>)
      tpu.yield
    }) : () -> ()
    %barrier3A = arith.constant 0 : index
    tpu.barrier barrier_id(%barrier3A)
    %scan3A_40 = arith.constant -65536 : i32
    %scan3A_41 = arith.constant 0 : i32
    %scan3A_42 = arith.constant 0 : i32
    %scan3A_43 = arith.constant 20 : i32
    %scan3A_44 = arith.addi %scan3A_42, %scan3A_43 : i32
    %scan3A_45 = arith.constant 1 : i32
    %scan3A_46 = scf.for %scan3A_49 = %scan3A_42 to %scan3A_44 step %scan3A_45 iter_args(%scan3A_50 = %scan3A_41) -> (i32)  : i32 {
      "tpu.region"() ({
        %run_scoped3A_134 = tpu.sem_alloc : memref<!tpu.dma_semaphore, #tpu.memory_space<semaphore_mem>>
        %dma_start3A_135 = arith.constant 0 : i32
        %dma_start3A_136 = arith.constant 0 : i32
        %dma_start3A_137 = tpu.memref_slice %arg5[%arg1, %scan3A_49, %dma_start3A_135, %dma_start3A_136] : memref<16x20x25x40xi32, #tpu.memory_space<hbm>> -> memref<1x1x25x40xi32, #tpu.memory_space<hbm>>
        %dma_start3A_138 = tpu.memref_squeeze %dma_start3A_137 : memref<1x1x25x40xi32, #tpu.memory_space<hbm>> -> memref<25x40xi32, #tpu.memory_space<hbm>>
        %dma_start3A_139 = arith.constant 0 : i32
        %dma_start3A_140 = arith.constant 0 : i32
        %dma_start3A_141 = tpu.memref_slice %arg5[%arg1, %scan3A_49, %dma_start3A_139, %dma_start3A_140] : memref<16x20x25x40xi32, #tpu.memory_space<hbm>> -> memref<1x1x25x40xi32, #tpu.memory_space<hbm>>
        %dma_start3A_142 = tpu.memref_squeeze %dma_start3A_141 : memref<1x1x25x40xi32, #tpu.memory_space<hbm>> -> memref<25x40xi32, #tpu.memory_space<hbm>>
        tpu.enqueue_dma source(%dma_start3A_142 : memref<25x40xi32, #tpu.memory_space<hbm>>) target(%arg8 : memref<25x40xi32, #tpu.memory_space<vmem>>) target_semaphore(%run_scoped3A_134 : memref<!tpu.dma_semaphore, #tpu.memory_space<semaphore_mem>>)
        %dma_wait3A_143 = arith.constant 0 : i32
        %dma_wait3A_144 = arith.constant 0 : i32
        %dma_wait3A_145 = tpu.memref_slice %arg5[%arg1, %scan3A_49, %dma_wait3A_143, %dma_wait3A_144] : memref<16x20x25x40xi32, #tpu.memory_space<hbm>> -> memref<1x1x25x40xi32, #tpu.memory_space<hbm>>
        %dma_wait3A_146 = tpu.memref_squeeze %dma_wait3A_145 : memref<1x1x25x40xi32, #tpu.memory_space<hbm>> -> memref<25x40xi32, #tpu.memory_space<hbm>>
        %dma_wait3A_147 = arith.constant 0 : i32
        %dma_wait3A_148 = arith.constant 0 : i32
        %dma_wait3A_149 = tpu.memref_slice %arg5[%arg1, %scan3A_49, %dma_wait3A_147, %dma_wait3A_148] : memref<16x20x25x40xi32, #tpu.memory_space<hbm>> -> memref<1x1x25x40xi32, #tpu.memory_space<hbm>>
        %dma_wait3A_150 = tpu.memref_squeeze %dma_wait3A_149 : memref<1x1x25x40xi32, #tpu.memory_space<hbm>> -> memref<25x40xi32, #tpu.memory_space<hbm>>
        tpu.wait_dma2 semaphore(%run_scoped3A_134 : memref<!tpu.dma_semaphore, #tpu.memory_space<semaphore_mem>>) src(%dma_wait3A_150 : memref<25x40xi32, #tpu.memory_space<hbm>>) dst(%arg8 : memref<25x40xi32, #tpu.memory_space<vmem>>)
        tpu.yield
      }) : () -> ()
      "tpu.region"() ({
        %run_scoped3A_134 = tpu.sem_alloc : memref<!tpu.dma_semaphore, #tpu.memory_space<semaphore_mem>>
        %dma_start3A_135 = arith.constant 0 : i32
        %dma_start3A_136 = arith.constant 0 : i32
        %dma_start3A_137 = tpu.memref_slice %arg6[%arg1, %scan3A_49, %dma_start3A_135, %dma_start3A_136] : memref<16x20x25x40xi32, #tpu.memory_space<hbm>> -> memref<1x1x25x40xi32, #tpu.memory_space<hbm>>
        %dma_start3A_138 = tpu.memref_squeeze %dma_start3A_137 : memref<1x1x25x40xi32, #tpu.memory_space<hbm>> -> memref<25x40xi32, #tpu.memory_space<hbm>>
        %dma_start3A_139 = arith.constant 0 : i32
        %dma_start3A_140 = arith.constant 0 : i32
        %dma_start3A_141 = tpu.memref_slice %arg6[%arg1, %scan3A_49, %dma_start3A_139, %dma_start3A_140] : memref<16x20x25x40xi32, #tpu.memory_space<hbm>> -> memref<1x1x25x40xi32, #tpu.memory_space<hbm>>
        %dma_start3A_142 = tpu.memref_squeeze %dma_start3A_141 : memref<1x1x25x40xi32, #tpu.memory_space<hbm>> -> memref<25x40xi32, #tpu.memory_space<hbm>>
        tpu.enqueue_dma source(%dma_start3A_142 : memref<25x40xi32, #tpu.memory_space<hbm>>) target(%arg9 : memref<25x40xi32, #tpu.memory_space<vmem>>) target_semaphore(%run_scoped3A_134 : memref<!tpu.dma_semaphore, #tpu.memory_space<semaphore_mem>>)
        %dma_wait3A_143 = arith.constant 0 : i32
        %dma_wait3A_144 = arith.constant 0 : i32
        %dma_wait3A_145 = tpu.memref_slice %arg6[%arg1, %scan3A_49, %dma_wait3A_143, %dma_wait3A_144] : memref<16x20x25x40xi32, #tpu.memory_space<hbm>> -> memref<1x1x25x40xi32, #tpu.memory_space<hbm>>
        %dma_wait3A_146 = tpu.memref_squeeze %dma_wait3A_145 : memref<1x1x25x40xi32, #tpu.memory_space<hbm>> -> memref<25x40xi32, #tpu.memory_space<hbm>>
        %dma_wait3A_147 = arith.constant 0 : i32
        %dma_wait3A_148 = arith.constant 0 : i32
        %dma_wait3A_149 = tpu.memref_slice %arg6[%arg1, %scan3A_49, %dma_wait3A_147, %dma_wait3A_148] : memref<16x20x25x40xi32, #tpu.memory_space<hbm>> -> memref<1x1x25x40xi32, #tpu.memory_space<hbm>>
        %dma_wait3A_150 = tpu.memref_squeeze %dma_wait3A_149 : memref<1x1x25x40xi32, #tpu.memory_space<hbm>> -> memref<25x40xi32, #tpu.memory_space<hbm>>
        tpu.wait_dma2 semaphore(%run_scoped3A_134 : memref<!tpu.dma_semaphore, #tpu.memory_space<semaphore_mem>>) src(%dma_wait3A_150 : memref<25x40xi32, #tpu.memory_space<hbm>>) dst(%arg9 : memref<25x40xi32, #tpu.memory_space<vmem>>)
        tpu.yield
      }) : () -> ()
      %dma_start3A = arith.constant 0 : i32
      %dma_start3A_51 = arith.constant 0 : i32
      %dma_start3A_52 = tpu.memref_slice %arg8[%dma_start3A, %dma_start3A_51] : memref<25x40xi32, #tpu.memory_space<vmem>> -> memref<1x40xi32, #tpu.memory_space<vmem>>
      %dma_start3A_53 = tpu.memref_squeeze %dma_start3A_52 : memref<1x40xi32, #tpu.memory_space<vmem>> -> memref<40xi32, #tpu.memory_space<vmem>>
      %dma_start3A_54 = arith.constant 0 : i32
      %dma_start3A_55 = arith.constant 0 : i32
      %dma_start3A_56 = tpu.memref_slice %arg2[%arg0, %dma_start3A_54, %dma_start3A_55] : memref<2x10000x128xf32, #tpu.memory_space<hbm>> -> memref<1x10000x128xf32, #tpu.memory_space<hbm>>
      %dma_start3A_57 = tpu.memref_squeeze %dma_start3A_56 : memref<1x10000x128xf32, #tpu.memory_space<hbm>> -> memref<10000x128xf32, #tpu.memory_space<hbm>>
      %dma_start3A_58 = arith.constant 0 : i32
      %dma_start3A_59 = arith.constant 0 : i32
      %dma_start3A_60 = tpu.memref_slice %dma_start3A_57[%dma_start3A_58, %dma_start3A_59] : memref<10000x128xf32, #tpu.memory_space<hbm>> -> memref<10000x128xf32, #tpu.memory_space<hbm>>
      tpu.enqueue_indirect_dma source(%dma_start3A_60 : memref<10000x128xf32, #tpu.memory_space<hbm>>) target(%arg10 : memref<40x128xf32, #tpu.memory_space<vmem>>) offsets(%dma_start3A_53 : memref<40xi32, #tpu.memory_space<vmem>>) semaphore(%arg17 : memref<!tpu.dma_semaphore, #tpu.memory_space<semaphore_mem>>)
      %dma_start3A_61 = arith.constant 0 : i32
      %dma_start3A_62 = arith.constant 0 : i32
      %dma_start3A_63 = tpu.memref_slice %arg9[%dma_start3A_61, %dma_start3A_62] : memref<25x40xi32, #tpu.memory_space<vmem>> -> memref<1x40xi32, #tpu.memory_space<vmem>>
      %dma_start3A_64 = tpu.memref_squeeze %dma_start3A_63 : memref<1x40xi32, #tpu.memory_space<vmem>> -> memref<40xi32, #tpu.memory_space<vmem>>
      %dma_start3A_65 = arith.constant 0 : i32
      %dma_start3A_66 = arith.constant 0 : i32
      %dma_start3A_67 = tpu.memref_slice %arg3[%arg0, %dma_start3A_65, %dma_start3A_66] : memref<2x10000x128xf32, #tpu.memory_space<hbm>> -> memref<1x10000x128xf32, #tpu.memory_space<hbm>>
      %dma_start3A_68 = tpu.memref_squeeze %dma_start3A_67 : memref<1x10000x128xf32, #tpu.memory_space<hbm>> -> memref<10000x128xf32, #tpu.memory_space<hbm>>
      %dma_start3A_69 = arith.constant 0 : i32
      %dma_start3A_70 = arith.constant 0 : i32
      %dma_start3A_71 = tpu.memref_slice %dma_start3A_68[%dma_start3A_69, %dma_start3A_70] : memref<10000x128xf32, #tpu.memory_space<hbm>> -> memref<10000x128xf32, #tpu.memory_space<hbm>>
      tpu.enqueue_indirect_dma source(%dma_start3A_71 : memref<10000x128xf32, #tpu.memory_space<hbm>>) target(%arg11 : memref<40x128xf32, #tpu.memory_space<vmem>>) offsets(%dma_start3A_64 : memref<40xi32, #tpu.memory_space<vmem>>) semaphore(%arg18 : memref<!tpu.dma_semaphore, #tpu.memory_space<semaphore_mem>>)
      %mul3A_72 = arith.constant 25 : i32
      %mul3A_73 = arith.muli %scan3A_49, %mul3A_72 : i32
      %add3A_74 = arith.constant 0 : i32
      %add3A_75 = arith.addi %mul3A_73, %add3A_74 : i32
      %mul3A_76 = arith.constant 40 : i32
      %mul3A_77 = arith.muli %add3A_75, %mul3A_76 : i32
      %add3A_78 = arith.addi %mul3A_0, %mul3A_77 : i32
      %dma_start3A_79 = arith.constant 0 : i32
      %dma_start3A_80 = tpu.memref_slice %arg4[%arg0, %add3A_78, %dma_start3A_79] : memref<2x320000x64xi32, #tpu.memory_space<hbm>> -> memref<1x40x64xi32, #tpu.memory_space<hbm>>
      %dma_start3A_81 = tpu.memref_squeeze %dma_start3A_80 : memref<1x40x64xi32, #tpu.memory_space<hbm>> -> memref<40x64xi32, #tpu.memory_space<hbm>>
      %dma_start3A_82 = arith.constant 0 : i32
      %dma_start3A_83 = tpu.memref_slice %arg4[%arg0, %add3A_78, %dma_start3A_82] : memref<2x320000x64xi32, #tpu.memory_space<hbm>> -> memref<1x40x64xi32, #tpu.memory_space<hbm>>
      %dma_start3A_84 = tpu.memref_squeeze %dma_start3A_83 : memref<1x40x64xi32, #tpu.memory_space<hbm>> -> memref<40x64xi32, #tpu.memory_space<hbm>>
      tpu.enqueue_dma source(%dma_start3A_84 : memref<40x64xi32, #tpu.memory_space<hbm>>) target(%arg12 : memref<40x64xi32, #tpu.memory_space<vmem>>) target_semaphore(%arg19 : memref<!tpu.dma_semaphore, #tpu.memory_space<semaphore_mem>>)
      %scan3A_85 = arith.constant 0 : i32
      %scan3A_86 = arith.constant 0 : i32
      %scan3A_87 = arith.constant 12 : i32
      %scan3A_88 = arith.addi %scan3A_86, %scan3A_87 : i32
      %scan3A_89 = arith.constant 1 : i32
      %scan3A_90 = scf.for %scan3A_134 = %scan3A_86 to %scan3A_88 step %scan3A_89 iter_args(%scan3A_135 = %scan3A_85) -> (i32)  : i32 {
        %mul3A_136 = arith.constant 2 : i32
        %mul3A_137 = arith.muli %mul3A_136, %scan3A_134 : i32
        %add3A_138 = arith.constant 1 : i32
        %add3A_139 = arith.addi %mul3A_137, %add3A_138 : i32
        %dma_start3A_140 = arith.constant 0 : i32
        %dma_start3A_141 = tpu.memref_slice %arg8[%add3A_139, %dma_start3A_140] : memref<25x40xi32, #tpu.memory_space<vmem>> -> memref<1x40xi32, #tpu.memory_space<vmem>>
        %dma_start3A_142 = tpu.memref_squeeze %dma_start3A_141 : memref<1x40xi32, #tpu.memory_space<vmem>> -> memref<40xi32, #tpu.memory_space<vmem>>
        %dma_start3A_143 = arith.constant 0 : i32
        %dma_start3A_144 = arith.constant 0 : i32
        %dma_start3A_145 = tpu.memref_slice %arg2[%arg0, %dma_start3A_143, %dma_start3A_144] : memref<2x10000x128xf32, #tpu.memory_space<hbm>> -> memref<1x10000x128xf32, #tpu.memory_space<hbm>>
        %dma_start3A_146 = tpu.memref_squeeze %dma_start3A_145 : memref<1x10000x128xf32, #tpu.memory_space<hbm>> -> memref<10000x128xf32, #tpu.memory_space<hbm>>
        %dma_start3A_147 = arith.constant 0 : i32
        %dma_start3A_148 = arith.constant 0 : i32
        %dma_start3A_149 = tpu.memref_slice %dma_start3A_146[%dma_start3A_147, %dma_start3A_148] : memref<10000x128xf32, #tpu.memory_space<hbm>> -> memref<10000x128xf32, #tpu.memory_space<hbm>>
        tpu.enqueue_indirect_dma source(%dma_start3A_149 : memref<10000x128xf32, #tpu.memory_space<hbm>>) target(%arg13 : memref<40x128xf32, #tpu.memory_space<vmem>>) offsets(%dma_start3A_142 : memref<40xi32, #tpu.memory_space<vmem>>) semaphore(%arg20 : memref<!tpu.dma_semaphore, #tpu.memory_space<semaphore_mem>>)
        %dma_start3A_150 = arith.constant 0 : i32
        %dma_start3A_151 = tpu.memref_slice %arg9[%add3A_139, %dma_start3A_150] : memref<25x40xi32, #tpu.memory_space<vmem>> -> memref<1x40xi32, #tpu.memory_space<vmem>>
        %dma_start3A_152 = tpu.memref_squeeze %dma_start3A_151 : memref<1x40xi32, #tpu.memory_space<vmem>> -> memref<40xi32, #tpu.memory_space<vmem>>
        %dma_start3A_153 = arith.constant 0 : i32
        %dma_start3A_154 = arith.constant 0 : i32
        %dma_start3A_155 = tpu.memref_slice %arg3[%arg0, %dma_start3A_153, %dma_start3A_154] : memref<2x10000x128xf32, #tpu.memory_space<hbm>> -> memref<1x10000x128xf32, #tpu.memory_space<hbm>>
        %dma_start3A_156 = tpu.memref_squeeze %dma_start3A_155 : memref<1x10000x128xf32, #tpu.memory_space<hbm>> -> memref<10000x128xf32, #tpu.memory_space<hbm>>
        %dma_start3A_157 = arith.constant 0 : i32
        %dma_start3A_158 = arith.constant 0 : i32
        %dma_start3A_159 = tpu.memref_slice %dma_start3A_156[%dma_start3A_157, %dma_start3A_158] : memref<10000x128xf32, #tpu.memory_space<hbm>> -> memref<10000x128xf32, #tpu.memory_space<hbm>>
        tpu.enqueue_indirect_dma source(%dma_start3A_159 : memref<10000x128xf32, #tpu.memory_space<hbm>>) target(%arg14 : memref<40x128xf32, #tpu.memory_space<vmem>>) offsets(%dma_start3A_152 : memref<40xi32, #tpu.memory_space<vmem>>) semaphore(%arg21 : memref<!tpu.dma_semaphore, #tpu.memory_space<semaphore_mem>>)
        %mul3A_160 = arith.constant 25 : i32
        %mul3A_161 = arith.muli %scan3A_49, %mul3A_160 : i32
        %add3A_162 = arith.addi %mul3A_161, %add3A_139 : i32
        %mul3A_163 = arith.constant 40 : i32
        %mul3A_164 = arith.muli %add3A_162, %mul3A_163 : i32
        %add3A_165 = arith.addi %mul3A_0, %mul3A_164 : i32
        %dma_start3A_166 = arith.constant 0 : i32
        %dma_start3A_167 = tpu.memref_slice %arg4[%arg0, %add3A_165, %dma_start3A_166] : memref<2x320000x64xi32, #tpu.memory_space<hbm>> -> memref<1x40x64xi32, #tpu.memory_space<hbm>>
        %dma_start3A_168 = tpu.memref_squeeze %dma_start3A_167 : memref<1x40x64xi32, #tpu.memory_space<hbm>> -> memref<40x64xi32, #tpu.memory_space<hbm>>
        %dma_start3A_169 = arith.constant 0 : i32
        %dma_start3A_170 = tpu.memref_slice %arg4[%arg0, %add3A_165, %dma_start3A_169] : memref<2x320000x64xi32, #tpu.memory_space<hbm>> -> memref<1x40x64xi32, #tpu.memory_space<hbm>>
        %dma_start3A_171 = tpu.memref_squeeze %dma_start3A_170 : memref<1x40x64xi32, #tpu.memory_space<hbm>> -> memref<40x64xi32, #tpu.memory_space<hbm>>
        tpu.enqueue_dma source(%dma_start3A_171 : memref<40x64xi32, #tpu.memory_space<hbm>>) target(%arg15 : memref<40x64xi32, #tpu.memory_space<vmem>>) target_semaphore(%arg22 : memref<!tpu.dma_semaphore, #tpu.memory_space<semaphore_mem>>)
        %mul3A_172 = arith.constant 25 : i32
        %mul3A_173 = arith.muli %scan3A_49, %mul3A_172 : i32
        %add3A_174 = arith.addi %mul3A_173, %mul3A_137 : i32
        %mul3A_175 = arith.constant 40 : i32
        %mul3A_176 = arith.muli %add3A_174, %mul3A_175 : i32
        %add3A_177 = arith.addi %mul3A_0, %mul3A_176 : i32
        %dma_wait3A_178 = arith.constant 0 : i32
        %dma_wait3A_179 = tpu.memref_slice %arg8[%mul3A_137, %dma_wait3A_178] : memref<25x40xi32, #tpu.memory_space<vmem>> -> memref<1x40xi32, #tpu.memory_space<vmem>>
        %dma_wait3A_180 = tpu.memref_squeeze %dma_wait3A_179 : memref<1x40xi32, #tpu.memory_space<vmem>> -> memref<40xi32, #tpu.memory_space<vmem>>
        %dma_wait3A_181 = arith.constant 0 : i32
        %dma_wait3A_182 = arith.constant 0 : i32
        %dma_wait3A_183 = tpu.memref_slice %arg2[%arg0, %dma_wait3A_181, %dma_wait3A_182] : memref<2x10000x128xf32, #tpu.memory_space<hbm>> -> memref<1x10000x128xf32, #tpu.memory_space<hbm>>
        %dma_wait3A_184 = tpu.memref_squeeze %dma_wait3A_183 : memref<1x10000x128xf32, #tpu.memory_space<hbm>> -> memref<10000x128xf32, #tpu.memory_space<hbm>>
        %dma_wait3A_185 = arith.constant 0 : i32
        %dma_wait3A_186 = arith.constant 0 : i32
        %dma_wait3A_187 = tpu.memref_slice %dma_wait3A_184[%dma_wait3A_185, %dma_wait3A_186] : memref<10000x128xf32, #tpu.memory_space<hbm>> -> memref<10000x128xf32, #tpu.memory_space<hbm>>
        tpu.wait_indirect_dma semaphore(%arg17 : memref<!tpu.dma_semaphore, #tpu.memory_space<semaphore_mem>>) src(%dma_wait3A_187 : memref<10000x128xf32, #tpu.memory_space<hbm>>) dst(%arg10 : memref<40x128xf32, #tpu.memory_space<vmem>>)
        %dma_wait3A_188 = arith.constant 0 : i32
        %dma_wait3A_189 = tpu.memref_slice %arg9[%mul3A_137, %dma_wait3A_188] : memref<25x40xi32, #tpu.memory_space<vmem>> -> memref<1x40xi32, #tpu.memory_space<vmem>>
        %dma_wait3A_190 = tpu.memref_squeeze %dma_wait3A_189 : memref<1x40xi32, #tpu.memory_space<vmem>> -> memref<40xi32, #tpu.memory_space<vmem>>
        %dma_wait3A_191 = arith.constant 0 : i32
        %dma_wait3A_192 = arith.constant 0 : i32
        %dma_wait3A_193 = tpu.memref_slice %arg3[%arg0, %dma_wait3A_191, %dma_wait3A_192] : memref<2x10000x128xf32, #tpu.memory_space<hbm>> -> memref<1x10000x128xf32, #tpu.memory_space<hbm>>
        %dma_wait3A_194 = tpu.memref_squeeze %dma_wait3A_193 : memref<1x10000x128xf32, #tpu.memory_space<hbm>> -> memref<10000x128xf32, #tpu.memory_space<hbm>>
        %dma_wait3A_195 = arith.constant 0 : i32
        %dma_wait3A_196 = arith.constant 0 : i32
        %dma_wait3A_197 = tpu.memref_slice %dma_wait3A_194[%dma_wait3A_195, %dma_wait3A_196] : memref<10000x128xf32, #tpu.memory_space<hbm>> -> memref<10000x128xf32, #tpu.memory_space<hbm>>
        tpu.wait_indirect_dma semaphore(%arg18 : memref<!tpu.dma_semaphore, #tpu.memory_space<semaphore_mem>>) src(%dma_wait3A_197 : memref<10000x128xf32, #tpu.memory_space<hbm>>) dst(%arg11 : memref<40x128xf32, #tpu.memory_space<vmem>>)
        %dma_wait3A_198 = arith.constant 0 : i32
        %dma_wait3A_199 = tpu.memref_slice %arg4[%arg0, %add3A_177, %dma_wait3A_198] : memref<2x320000x64xi32, #tpu.memory_space<hbm>> -> memref<1x40x64xi32, #tpu.memory_space<hbm>>
        %dma_wait3A_200 = tpu.memref_squeeze %dma_wait3A_199 : memref<1x40x64xi32, #tpu.memory_space<hbm>> -> memref<40x64xi32, #tpu.memory_space<hbm>>
        %dma_wait3A_201 = arith.constant 0 : i32
        %dma_wait3A_202 = tpu.memref_slice %arg4[%arg0, %add3A_177, %dma_wait3A_201] : memref<2x320000x64xi32, #tpu.memory_space<hbm>> -> memref<1x40x64xi32, #tpu.memory_space<hbm>>
        %dma_wait3A_203 = tpu.memref_squeeze %dma_wait3A_202 : memref<1x40x64xi32, #tpu.memory_space<hbm>> -> memref<40x64xi32, #tpu.memory_space<hbm>>
        tpu.wait_dma2 semaphore(%arg19 : memref<!tpu.dma_semaphore, #tpu.memory_space<semaphore_mem>>) src(%dma_wait3A_203 : memref<40x64xi32, #tpu.memory_space<hbm>>) dst(%arg12 : memref<40x64xi32, #tpu.memory_space<vmem>>)
        %scan3A_204 = arith.constant 0 : i32
        %scan3A_205 = arith.constant 0 : i32
        %scan3A_206 = arith.constant 40 : i32
        %scan3A_207 = arith.addi %scan3A_205, %scan3A_206 : i32
        %scan3A_208 = arith.constant 1 : i32
        %scan3A_209 = scf.for %scan3A_257 = %scan3A_205 to %scan3A_207 step %scan3A_208 iter_args(%scan3A_258 = %scan3A_204) -> (i32)  : i32 {
          %get3A = arith.index_cast %scan3A_257 : i32 to index
          %get3A_259 = arith.constant 0 : index
          %get3A_260 = tpu.vector_load %arg12[%get3A, %get3A_259] {strides = array<i32>} : memref<40x64xi32, #tpu.memory_space<vmem>>, vector<1x16xi32>,
          %get3A_261 = vector.shape_cast %get3A_260 : vector<1x16xi32> to vector<16xi32>
          %shift_left3A = arith.constant 16 : i32
          %shift_left3A_262 = vector.broadcast %shift_left3A : i32 to vector<16xi32>
          %shift_left3A_263 = arith.shli %get3A_261, %shift_left3A_262 : vector<16xi32>
          %bitcast_convert_type3A = tpu.bitcast %shift_left3A_263 : vector<16xi32> -> vector<16xf32>
          %and3A = vector.broadcast %scan3A_40 : i32 to vector<16xi32>
          %and3A_264 = arith.andi %get3A_261, %and3A : vector<16xi32>
          %bitcast_convert_type3A_265 = tpu.bitcast %and3A_264 : vector<16xi32> -> vector<16xf32>
          %get3A_266 = arith.index_cast %scan3A_257 : i32 to index
          %get3A_267 = arith.constant 0 : index
          %get3A_268 = tpu.vector_load %arg10[%get3A_266, %get3A_267] {strides = array<i32>} : memref<40x128xf32, #tpu.memory_space<vmem>>, vector<1x16xf32>,
          %get3A_269 = vector.shape_cast %get3A_268 : vector<1x16xf32> to vector<16xf32>
          %get3A_270 = arith.index_cast %scan3A_257 : i32 to index
          %get3A_271 = arith.constant 0 : index
          %get3A_272 = tpu.vector_load %arg11[%get3A_270, %get3A_271] {strides = array<i32>} : memref<40x128xf32, #tpu.memory_space<vmem>>, vector<1x16xf32>,
          %get3A_273 = vector.shape_cast %get3A_272 : vector<1x16xf32> to vector<16xf32>
          %add3A_274 = arith.addf %get3A_269, %get3A_273 : vector<16xf32>
          %add3A_275 = arith.addf %add3A_274, %bitcast_convert_type3A : vector<16xf32>
          %max3A = arith.constant 0.000000e+00 : f32
          %max3A_276 = vector.broadcast %max3A : f32 to vector<16xf32>
          %max3A_277 = arith.maximumf %add3A_275, %max3A_276 : vector<16xf32>
          %swap3A = arith.index_cast %scan3A_257 : i32 to index
          %swap3A_278 = arith.constant 0 : index
          %swap3A_279 = tpu.vector_load %arg16[%swap3A, %swap3A_278] {strides = array<i32>} : memref<40x128xf32, #tpu.memory_space<vmem>>, vector<1x16xf32>,
          %swap3A_280 = vector.shape_cast %swap3A_279 : vector<1x16xf32> to vector<16xf32>
          %swap3A_281 = vector.shape_cast %max3A_277 : vector<16xf32> to vector<1x16xf32>
          tpu.vector_store %arg16[%swap3A, %swap3A_278], %swap3A_281 {strides = array<i32>} : memref<40x128xf32, #tpu.memory_space<vmem>>, vector<1x16xf32>,
          %get3A_282 = arith.index_cast %scan3A_257 : i32 to index
          %get3A_283 = arith.constant 64 : index
          %get3A_284 = tpu.vector_load %arg10[%get3A_282, %get3A_283] {strides = array<i32>} : memref<40x128xf32, #tpu.memory_space<vmem>>, vector<1x16xf32>,
          %get3A_285 = vector.shape_cast %get3A_284 : vector<1x16xf32> to vector<16xf32>
          %get3A_286 = arith.index_cast %scan3A_257 : i32 to index
          %get3A_287 = arith.constant 64 : index
          %get3A_288 = tpu.vector_load %arg11[%get3A_286, %get3A_287] {strides = array<i32>} : memref<40x128xf32, #tpu.memory_space<vmem>>, vector<1x16xf32>,
          %get3A_289 = vector.shape_cast %get3A_288 : vector<1x16xf32> to vector<16xf32>
          %add3A_290 = arith.addf %get3A_285, %get3A_289 : vector<16xf32>
          %add3A_291 = arith.addf %add3A_290, %bitcast_convert_type3A_265 : vector<16xf32>
          %max3A_292 = arith.constant 0.000000e+00 : f32
          %max3A_293 = vector.broadcast %max3A_292 : f32 to vector<16xf32>
          %max3A_294 = arith.maximumf %add3A_291, %max3A_293 : vector<16xf32>
          %swap3A_295 = arith.index_cast %scan3A_257 : i32 to index
          %swap3A_296 = arith.constant 64 : index
          %swap3A_297 = tpu.vector_load %arg16[%swap3A_295, %swap3A_296] {strides = array<i32>} : memref<40x128xf32, #tpu.memory_space<vmem>>, vector<1x16xf32>,
          %swap3A_298 = vector.shape_cast %swap3A_297 : vector<1x16xf32> to vector<16xf32>
          %swap3A_299 = vector.shape_cast %max3A_294 : vector<16xf32> to vector<1x16xf32>
          tpu.vector_store %arg16[%swap3A_295, %swap3A_296], %swap3A_299 {strides = array<i32>} : memref<40x128xf32, #tpu.memory_space<vmem>>, vector<1x16xf32>,
          %get3A_300 = arith.index_cast %scan3A_257 : i32 to index
          %get3A_301 = arith.constant 16 : index
          %get3A_302 = tpu.vector_load %arg12[%get3A_300, %get3A_301] {strides = array<i32>} : memref<40x64xi32, #tpu.memory_space<vmem>>, vector<1x16xi32>,
          %get3A_303 = vector.shape_cast %get3A_302 : vector<1x16xi32> to vector<16xi32>
          %shift_left3A_304 = arith.constant 16 : i32
          %shift_left3A_305 = vector.broadcast %shift_left3A_304 : i32 to vector<16xi32>
          %shift_left3A_306 = arith.shli %get3A_303, %shift_left3A_305 : vector<16xi32>
          %bitcast_convert_type3A_307 = tpu.bitcast %shift_left3A_306 : vector<16xi32> -> vector<16xf32>
          %and3A_308 = vector.broadcast %scan3A_40 : i32 to vector<16xi32>
          %and3A_309 = arith.andi %get3A_303, %and3A_308 : vector<16xi32>
          %bitcast_convert_type3A_310 = tpu.bitcast %and3A_309 : vector<16xi32> -> vector<16xf32>
          %get3A_311 = arith.index_cast %scan3A_257 : i32 to index
          %get3A_312 = arith.constant 16 : index
          %get3A_313 = tpu.vector_load %arg10[%get3A_311, %get3A_312] {strides = array<i32>} : memref<40x128xf32, #tpu.memory_space<vmem>>, vector<1x16xf32>,
          %get3A_314 = vector.shape_cast %get3A_313 : vector<1x16xf32> to vector<16xf32>
          %get3A_315 = arith.index_cast %scan3A_257 : i32 to index
          %get3A_316 = arith.constant 16 : index
          %get3A_317 = tpu.vector_load %arg11[%get3A_315, %get3A_316] {strides = array<i32>} : memref<40x128xf32, #tpu.memory_space<vmem>>, vector<1x16xf32>,
          %get3A_318 = vector.shape_cast %get3A_317 : vector<1x16xf32> to vector<16xf32>
          %add3A_319 = arith.addf %get3A_314, %get3A_318 : vector<16xf32>
          %add3A_320 = arith.addf %add3A_319, %bitcast_convert_type3A_307 : vector<16xf32>
          %max3A_321 = arith.constant 0.000000e+00 : f32
          %max3A_322 = vector.broadcast %max3A_321 : f32 to vector<16xf32>
          %max3A_323 = arith.maximumf %add3A_320, %max3A_322 : vector<16xf32>
          %swap3A_324 = arith.index_cast %scan3A_257 : i32 to index
          %swap3A_325 = arith.constant 16 : index
          %swap3A_326 = tpu.vector_load %arg16[%swap3A_324, %swap3A_325] {strides = array<i32>} : memref<40x128xf32, #tpu.memory_space<vmem>>, vector<1x16xf32>,
          %swap3A_327 = vector.shape_cast %swap3A_326 : vector<1x16xf32> to vector<16xf32>
          %swap3A_328 = vector.shape_cast %max3A_323 : vector<16xf32> to vector<1x16xf32>
          tpu.vector_store %arg16[%swap3A_324, %swap3A_325], %swap3A_328 {strides = array<i32>} : memref<40x128xf32, #tpu.memory_space<vmem>>, vector<1x16xf32>,
          %get3A_329 = arith.index_cast %scan3A_257 : i32 to index
          %get3A_330 = arith.constant 80 : index
          %get3A_331 = tpu.vector_load %arg10[%get3A_329, %get3A_330] {strides = array<i32>} : memref<40x128xf32, #tpu.memory_space<vmem>>, vector<1x16xf32>,
          %get3A_332 = vector.shape_cast %get3A_331 : vector<1x16xf32> to vector<16xf32>
          %get3A_333 = arith.index_cast %scan3A_257 : i32 to index
          %get3A_334 = arith.constant 80 : index
          %get3A_335 = tpu.vector_load %arg11[%get3A_333, %get3A_334] {strides = array<i32>} : memref<40x128xf32, #tpu.memory_space<vmem>>, vector<1x16xf32>,
          %get3A_336 = vector.shape_cast %get3A_335 : vector<1x16xf32> to vector<16xf32>
          %add3A_337 = arith.addf %get3A_332, %get3A_336 : vector<16xf32>
          %add3A_338 = arith.addf %add3A_337, %bitcast_convert_type3A_310 : vector<16xf32>
          %max3A_339 = arith.constant 0.000000e+00 : f32
          %max3A_340 = vector.broadcast %max3A_339 : f32 to vector<16xf32>
          %max3A_341 = arith.maximumf %add3A_338, %max3A_340 : vector<16xf32>
          %swap3A_342 = arith.index_cast %scan3A_257 : i32 to index
          %swap3A_343 = arith.constant 80 : index
          %swap3A_344 = tpu.vector_load %arg16[%swap3A_342, %swap3A_343] {strides = array<i32>} : memref<40x128xf32, #tpu.memory_space<vmem>>, vector<1x16xf32>,
          %swap3A_345 = vector.shape_cast %swap3A_344 : vector<1x16xf32> to vector<16xf32>
          %swap3A_346 = vector.shape_cast %max3A_341 : vector<16xf32> to vector<1x16xf32>
          tpu.vector_store %arg16[%swap3A_342, %swap3A_343], %swap3A_346 {strides = array<i32>} : memref<40x128xf32, #tpu.memory_space<vmem>>, vector<1x16xf32>,
          %get3A_347 = arith.index_cast %scan3A_257 : i32 to index
          %get3A_348 = arith.constant 32 : index
          %get3A_349 = tpu.vector_load %arg12[%get3A_347, %get3A_348] {strides = array<i32>} : memref<40x64xi32, #tpu.memory_space<vmem>>, vector<1x16xi32>,
          %get3A_350 = vector.shape_cast %get3A_349 : vector<1x16xi32> to vector<16xi32>
          %shift_left3A_351 = arith.constant 16 : i32
          %shift_left3A_352 = vector.broadcast %shift_left3A_351 : i32 to vector<16xi32>
          %shift_left3A_353 = arith.shli %get3A_350, %shift_left3A_352 : vector<16xi32>
          %bitcast_convert_type3A_354 = tpu.bitcast %shift_left3A_353 : vector<16xi32> -> vector<16xf32>
          %and3A_355 = vector.broadcast %scan3A_40 : i32 to vector<16xi32>
          %and3A_356 = arith.andi %get3A_350, %and3A_355 : vector<16xi32>
          %bitcast_convert_type3A_357 = tpu.bitcast %and3A_356 : vector<16xi32> -> vector<16xf32>
          %get3A_358 = arith.index_cast %scan3A_257 : i32 to index
          %get3A_359 = arith.constant 32 : index
          %get3A_360 = tpu.vector_load %arg10[%get3A_358, %get3A_359] {strides = array<i32>} : memref<40x128xf32, #tpu.memory_space<vmem>>, vector<1x16xf32>,
          %get3A_361 = vector.shape_cast %get3A_360 : vector<1x16xf32> to vector<16xf32>
          %get3A_362 = arith.index_cast %scan3A_257 : i32 to index
          %get3A_363 = arith.constant 32 : index
          %get3A_364 = tpu.vector_load %arg11[%get3A_362, %get3A_363] {strides = array<i32>} : memref<40x128xf32, #tpu.memory_space<vmem>>, vector<1x16xf32>,
          %get3A_365 = vector.shape_cast %get3A_364 : vector<1x16xf32> to vector<16xf32>
          %add3A_366 = arith.addf %get3A_361, %get3A_365 : vector<16xf32>
          %add3A_367 = arith.addf %add3A_366, %bitcast_convert_type3A_354 : vector<16xf32>
          %max3A_368 = arith.constant 0.000000e+00 : f32
          %max3A_369 = vector.broadcast %max3A_368 : f32 to vector<16xf32>
          %max3A_370 = arith.maximumf %add3A_367, %max3A_369 : vector<16xf32>
          %swap3A_371 = arith.index_cast %scan3A_257 : i32 to index
          %swap3A_372 = arith.constant 32 : index
          %swap3A_373 = tpu.vector_load %arg16[%swap3A_371, %swap3A_372] {strides = array<i32>} : memref<40x128xf32, #tpu.memory_space<vmem>>, vector<1x16xf32>,
          %swap3A_374 = vector.shape_cast %swap3A_373 : vector<1x16xf32> to vector<16xf32>
          %swap3A_375 = vector.shape_cast %max3A_370 : vector<16xf32> to vector<1x16xf32>
          tpu.vector_store %arg16[%swap3A_371, %swap3A_372], %swap3A_375 {strides = array<i32>} : memref<40x128xf32, #tpu.memory_space<vmem>>, vector<1x16xf32>,
          %get3A_376 = arith.index_cast %scan3A_257 : i32 to index
          %get3A_377 = arith.constant 96 : index
          %get3A_378 = tpu.vector_load %arg10[%get3A_376, %get3A_377] {strides = array<i32>} : memref<40x128xf32, #tpu.memory_space<vmem>>, vector<1x16xf32>,
          %get3A_379 = vector.shape_cast %get3A_378 : vector<1x16xf32> to vector<16xf32>
          %get3A_380 = arith.index_cast %scan3A_257 : i32 to index
          %get3A_381 = arith.constant 96 : index
          %get3A_382 = tpu.vector_load %arg11[%get3A_380, %get3A_381] {strides = array<i32>} : memref<40x128xf32, #tpu.memory_space<vmem>>, vector<1x16xf32>,
          %get3A_383 = vector.shape_cast %get3A_382 : vector<1x16xf32> to vector<16xf32>
          %add3A_384 = arith.addf %get3A_379, %get3A_383 : vector<16xf32>
          %add3A_385 = arith.addf %add3A_384, %bitcast_convert_type3A_357 : vector<16xf32>
          %max3A_386 = arith.constant 0.000000e+00 : f32
          %max3A_387 = vector.broadcast %max3A_386 : f32 to vector<16xf32>
          %max3A_388 = arith.maximumf %add3A_385, %max3A_387 : vector<16xf32>
          %swap3A_389 = arith.index_cast %scan3A_257 : i32 to index
          %swap3A_390 = arith.constant 96 : index
          %swap3A_391 = tpu.vector_load %arg16[%swap3A_389, %swap3A_390] {strides = array<i32>} : memref<40x128xf32, #tpu.memory_space<vmem>>, vector<1x16xf32>,
          %swap3A_392 = vector.shape_cast %swap3A_391 : vector<1x16xf32> to vector<16xf32>
          %swap3A_393 = vector.shape_cast %max3A_388 : vector<16xf32> to vector<1x16xf32>
          tpu.vector_store %arg16[%swap3A_389, %swap3A_390], %swap3A_393 {strides = array<i32>} : memref<40x128xf32, #tpu.memory_space<vmem>>, vector<1x16xf32>,
          %get3A_394 = arith.index_cast %scan3A_257 : i32 to index
          %get3A_395 = arith.constant 48 : index
          %get3A_396 = tpu.vector_load %arg12[%get3A_394, %get3A_395] {strides = array<i32>} : memref<40x64xi32, #tpu.memory_space<vmem>>, vector<1x16xi32>,
          %get3A_397 = vector.shape_cast %get3A_396 : vector<1x16xi32> to vector<16xi32>
          %shift_left3A_398 = arith.constant 16 : i32
          %shift_left3A_399 = vector.broadcast %shift_left3A_398 : i32 to vector<16xi32>
          %shift_left3A_400 = arith.shli %get3A_397, %shift_left3A_399 : vector<16xi32>
          %bitcast_convert_type3A_401 = tpu.bitcast %shift_left3A_400 : vector<16xi32> -> vector<16xf32>
          %and3A_402 = vector.broadcast %scan3A_40 : i32 to vector<16xi32>
          %and3A_403 = arith.andi %get3A_397, %and3A_402 : vector<16xi32>
          %bitcast_convert_type3A_404 = tpu.bitcast %and3A_403 : vector<16xi32> -> vector<16xf32>
          %get3A_405 = arith.index_cast %scan3A_257 : i32 to index
          %get3A_406 = arith.constant 48 : index
          %get3A_407 = tpu.vector_load %arg10[%get3A_405, %get3A_406] {strides = array<i32>} : memref<40x128xf32, #tpu.memory_space<vmem>>, vector<1x16xf32>,
          %get3A_408 = vector.shape_cast %get3A_407 : vector<1x16xf32> to vector<16xf32>
          %get3A_409 = arith.index_cast %scan3A_257 : i32 to index
          %get3A_410 = arith.constant 48 : index
          %get3A_411 = tpu.vector_load %arg11[%get3A_409, %get3A_410] {strides = array<i32>} : memref<40x128xf32, #tpu.memory_space<vmem>>, vector<1x16xf32>,
          %get3A_412 = vector.shape_cast %get3A_411 : vector<1x16xf32> to vector<16xf32>
          %add3A_413 = arith.addf %get3A_408, %get3A_412 : vector<16xf32>
          %add3A_414 = arith.addf %add3A_413, %bitcast_convert_type3A_401 : vector<16xf32>
          %max3A_415 = arith.constant 0.000000e+00 : f32
          %max3A_416 = vector.broadcast %max3A_415 : f32 to vector<16xf32>
          %max3A_417 = arith.maximumf %add3A_414, %max3A_416 : vector<16xf32>
          %swap3A_418 = arith.index_cast %scan3A_257 : i32 to index
          %swap3A_419 = arith.constant 48 : index
          %swap3A_420 = tpu.vector_load %arg16[%swap3A_418, %swap3A_419] {strides = array<i32>} : memref<40x128xf32, #tpu.memory_space<vmem>>, vector<1x16xf32>,
          %swap3A_421 = vector.shape_cast %swap3A_420 : vector<1x16xf32> to vector<16xf32>
          %swap3A_422 = vector.shape_cast %max3A_417 : vector<16xf32> to vector<1x16xf32>
          tpu.vector_store %arg16[%swap3A_418, %swap3A_419], %swap3A_422 {strides = array<i32>} : memref<40x128xf32, #tpu.memory_space<vmem>>, vector<1x16xf32>,
          %get3A_423 = arith.index_cast %scan3A_257 : i32 to index
          %get3A_424 = arith.constant 112 : index
          %get3A_425 = tpu.vector_load %arg10[%get3A_423, %get3A_424] {strides = array<i32>} : memref<40x128xf32, #tpu.memory_space<vmem>>, vector<1x16xf32>,
          %get3A_426 = vector.shape_cast %get3A_425 : vector<1x16xf32> to vector<16xf32>
          %get3A_427 = arith.index_cast %scan3A_257 : i32 to index
          %get3A_428 = arith.constant 112 : index
          %get3A_429 = tpu.vector_load %arg11[%get3A_427, %get3A_428] {strides = array<i32>} : memref<40x128xf32, #tpu.memory_space<vmem>>, vector<1x16xf32>,
          %get3A_430 = vector.shape_cast %get3A_429 : vector<1x16xf32> to vector<16xf32>
          %add3A_431 = arith.addf %get3A_426, %get3A_430 : vector<16xf32>
          %add3A_432 = arith.addf %add3A_431, %bitcast_convert_type3A_404 : vector<16xf32>
          %max3A_433 = arith.constant 0.000000e+00 : f32
          %max3A_434 = vector.broadcast %max3A_433 : f32 to vector<16xf32>
          %max3A_435 = arith.maximumf %add3A_432, %max3A_434 : vector<16xf32>
          %swap3A_436 = arith.index_cast %scan3A_257 : i32 to index
          %swap3A_437 = arith.constant 112 : index
          %swap3A_438 = tpu.vector_load %arg16[%swap3A_436, %swap3A_437] {strides = array<i32>} : memref<40x128xf32, #tpu.memory_space<vmem>>, vector<1x16xf32>,
          %swap3A_439 = vector.shape_cast %swap3A_438 : vector<1x16xf32> to vector<16xf32>
          %swap3A_440 = vector.shape_cast %max3A_435 : vector<16xf32> to vector<1x16xf32>
          tpu.vector_store %arg16[%swap3A_436, %swap3A_437], %swap3A_440 {strides = array<i32>} : memref<40x128xf32, #tpu.memory_space<vmem>>, vector<1x16xf32>,
          %scan3A_441 = arith.constant 0 : i32
          scf.yield %scan3A_441 : i32
        }
        %scan3A_210 = arith.constant 40 : i32
        "tpu.region"() ({
          %run_scoped3A_257 = tpu.sem_alloc : memref<!tpu.dma_semaphore, #tpu.memory_space<semaphore_mem>>
          %dma_start3A_258 = arith.constant 0 : i32
          %dma_start3A_259 = tpu.memref_slice %arg9[%mul3A_137, %dma_start3A_258] : memref<25x40xi32, #tpu.memory_space<vmem>> -> memref<1x40xi32, #tpu.memory_space<vmem>>
          %dma_start3A_260 = tpu.memref_squeeze %dma_start3A_259 : memref<1x40xi32, #tpu.memory_space<vmem>> -> memref<40xi32, #tpu.memory_space<vmem>>
          %dma_start3A_261 = arith.constant 0 : i32
          %dma_start3A_262 = arith.constant 0 : i32
          %dma_start3A_263 = tpu.memref_slice %arg23[%dma_start3A_261, %dma_start3A_262] : memref<10240x128xf32, #tpu.memory_space<vmem_shared>> -> memref<10240x128xf32, #tpu.memory_space<vmem_shared>>
          tpu.enqueue_indirect_dma source(%arg16 : memref<40x128xf32, #tpu.memory_space<vmem>>) target(%dma_start3A_263 : memref<10240x128xf32, #tpu.memory_space<vmem_shared>>) offsets(%dma_start3A_260 : memref<40xi32, #tpu.memory_space<vmem>>) semaphore(%run_scoped3A_257 : memref<!tpu.dma_semaphore, #tpu.memory_space<semaphore_mem>>) {add = true}
          %dma_wait3A_264 = arith.constant 0 : i32
          %dma_wait3A_265 = tpu.memref_slice %arg9[%mul3A_137, %dma_wait3A_264] : memref<25x40xi32, #tpu.memory_space<vmem>> -> memref<1x40xi32, #tpu.memory_space<vmem>>
          %dma_wait3A_266 = tpu.memref_squeeze %dma_wait3A_265 : memref<1x40xi32, #tpu.memory_space<vmem>> -> memref<40xi32, #tpu.memory_space<vmem>>
          %dma_wait3A_267 = arith.constant 0 : i32
          %dma_wait3A_268 = arith.constant 0 : i32
          %dma_wait3A_269 = tpu.memref_slice %arg23[%dma_wait3A_267, %dma_wait3A_268] : memref<10240x128xf32, #tpu.memory_space<vmem_shared>> -> memref<10240x128xf32, #tpu.memory_space<vmem_shared>>
          tpu.wait_indirect_dma semaphore(%run_scoped3A_257 : memref<!tpu.dma_semaphore, #tpu.memory_space<semaphore_mem>>) src(%arg16 : memref<40x128xf32, #tpu.memory_space<vmem>>) dst(%dma_wait3A_269 : memref<10240x128xf32, #tpu.memory_space<vmem_shared>>)
          tpu.yield
        }) : () -> ()
        %add3A_211 = arith.constant 2 : i32
        %add3A_212 = arith.addi %mul3A_137, %add3A_211 : i32
        %lt3A = arith.constant 25 : i32
        %lt3A_213 = arith.cmpi slt, %add3A_212, %lt3A : i32
        %convert_element_type3A = arith.extui %lt3A_213 : i1 to i32
        %cond3A = arith.constant 0 : i32
        %cond3A_214 = arith.cmpi ne, %convert_element_type3A, %cond3A : i32
        scf.if %cond3A_214 {
          %add3A_257 = arith.constant 2 : i32
          %add3A_258 = arith.addi %mul3A_137, %add3A_257 : i32
          %dma_start3A_259 = arith.constant 0 : i32
          %dma_start3A_260 = tpu.memref_slice %arg8[%add3A_258, %dma_start3A_259] : memref<25x40xi32, #tpu.memory_space<vmem>> -> memref<1x40xi32, #tpu.memory_space<vmem>>
          %dma_start3A_261 = tpu.memref_squeeze %dma_start3A_260 : memref<1x40xi32, #tpu.memory_space<vmem>> -> memref<40xi32, #tpu.memory_space<vmem>>
          %dma_start3A_262 = arith.constant 0 : i32
          %dma_start3A_263 = arith.constant 0 : i32
          %dma_start3A_264 = tpu.memref_slice %arg2[%arg0, %dma_start3A_262, %dma_start3A_263] : memref<2x10000x128xf32, #tpu.memory_space<hbm>> -> memref<1x10000x128xf32, #tpu.memory_space<hbm>>
          %dma_start3A_265 = tpu.memref_squeeze %dma_start3A_264 : memref<1x10000x128xf32, #tpu.memory_space<hbm>> -> memref<10000x128xf32, #tpu.memory_space<hbm>>
          %dma_start3A_266 = arith.constant 0 : i32
          %dma_start3A_267 = arith.constant 0 : i32
          %dma_start3A_268 = tpu.memref_slice %dma_start3A_265[%dma_start3A_266, %dma_start3A_267] : memref<10000x128xf32, #tpu.memory_space<hbm>> -> memref<10000x128xf32, #tpu.memory_space<hbm>>
          tpu.enqueue_indirect_dma source(%dma_start3A_268 : memref<10000x128xf32, #tpu.memory_space<hbm>>) target(%arg10 : memref<40x128xf32, #tpu.memory_space<vmem>>) offsets(%dma_start3A_261 : memref<40xi32, #tpu.memory_space<vmem>>) semaphore(%arg17 : memref<!tpu.dma_semaphore, #tpu.memory_space<semaphore_mem>>)
          %dma_start3A_269 = arith.constant 0 : i32
          %dma_start3A_270 = tpu.memref_slice %arg9[%add3A_258, %dma_start3A_269] : memref<25x40xi32, #tpu.memory_space<vmem>> -> memref<1x40xi32, #tpu.memory_space<vmem>>
          %dma_start3A_271 = tpu.memref_squeeze %dma_start3A_270 : memref<1x40xi32, #tpu.memory_space<vmem>> -> memref<40xi32, #tpu.memory_space<vmem>>
          %dma_start3A_272 = arith.constant 0 : i32
          %dma_start3A_273 = arith.constant 0 : i32
          %dma_start3A_274 = tpu.memref_slice %arg3[%arg0, %dma_start3A_272, %dma_start3A_273] : memref<2x10000x128xf32, #tpu.memory_space<hbm>> -> memref<1x10000x128xf32, #tpu.memory_space<hbm>>
          %dma_start3A_275 = tpu.memref_squeeze %dma_start3A_274 : memref<1x10000x128xf32, #tpu.memory_space<hbm>> -> memref<10000x128xf32, #tpu.memory_space<hbm>>
          %dma_start3A_276 = arith.constant 0 : i32
          %dma_start3A_277 = arith.constant 0 : i32
          %dma_start3A_278 = tpu.memref_slice %dma_start3A_275[%dma_start3A_276, %dma_start3A_277] : memref<10000x128xf32, #tpu.memory_space<hbm>> -> memref<10000x128xf32, #tpu.memory_space<hbm>>
          tpu.enqueue_indirect_dma source(%dma_start3A_278 : memref<10000x128xf32, #tpu.memory_space<hbm>>) target(%arg11 : memref<40x128xf32, #tpu.memory_space<vmem>>) offsets(%dma_start3A_271 : memref<40xi32, #tpu.memory_space<vmem>>) semaphore(%arg18 : memref<!tpu.dma_semaphore, #tpu.memory_space<semaphore_mem>>)
          %mul3A_279 = arith.constant 25 : i32
          %mul3A_280 = arith.muli %scan3A_49, %mul3A_279 : i32
          %add3A_281 = arith.addi %mul3A_280, %add3A_258 : i32
          %mul3A_282 = arith.constant 40 : i32
          %mul3A_283 = arith.muli %add3A_281, %mul3A_282 : i32
          %add3A_284 = arith.addi %mul3A_0, %mul3A_283 : i32
          %dma_start3A_285 = arith.constant 0 : i32
          %dma_start3A_286 = tpu.memref_slice %arg4[%arg0, %add3A_284, %dma_start3A_285] : memref<2x320000x64xi32, #tpu.memory_space<hbm>> -> memref<1x40x64xi32, #tpu.memory_space<hbm>>
          %dma_start3A_287 = tpu.memref_squeeze %dma_start3A_286 : memref<1x40x64xi32, #tpu.memory_space<hbm>> -> memref<40x64xi32, #tpu.memory_space<hbm>>
          %dma_start3A_288 = arith.constant 0 : i32
          %dma_start3A_289 = tpu.memref_slice %arg4[%arg0, %add3A_284, %dma_start3A_288] : memref<2x320000x64xi32, #tpu.memory_space<hbm>> -> memref<1x40x64xi32, #tpu.memory_space<hbm>>
          %dma_start3A_290 = tpu.memref_squeeze %dma_start3A_289 : memref<1x40x64xi32, #tpu.memory_space<hbm>> -> memref<40x64xi32, #tpu.memory_space<hbm>>
          tpu.enqueue_dma source(%dma_start3A_290 : memref<40x64xi32, #tpu.memory_space<hbm>>) target(%arg12 : memref<40x64xi32, #tpu.memory_space<vmem>>) target_semaphore(%arg19 : memref<!tpu.dma_semaphore, #tpu.memory_space<semaphore_mem>>)
        } else {
        }
        %add3A_215 = arith.constant 1 : i32
        %add3A_216 = arith.addi %mul3A_137, %add3A_215 : i32
        %mul3A_217 = arith.constant 25 : i32
        %mul3A_218 = arith.muli %scan3A_49, %mul3A_217 : i32
        %add3A_219 = arith.addi %mul3A_218, %add3A_216 : i32
        %mul3A_220 = arith.constant 40 : i32
        %mul3A_221 = arith.muli %add3A_219, %mul3A_220 : i32
        %add3A_222 = arith.addi %mul3A_0, %mul3A_221 : i32
        %dma_wait3A_223 = arith.constant 0 : i32
        %dma_wait3A_224 = tpu.memref_slice %arg8[%add3A_216, %dma_wait3A_223] : memref<25x40xi32, #tpu.memory_space<vmem>> -> memref<1x40xi32, #tpu.memory_space<vmem>>
        %dma_wait3A_225 = tpu.memref_squeeze %dma_wait3A_224 : memref<1x40xi32, #tpu.memory_space<vmem>> -> memref<40xi32, #tpu.memory_space<vmem>>
        %dma_wait3A_226 = arith.constant 0 : i32
        %dma_wait3A_227 = arith.constant 0 : i32
        %dma_wait3A_228 = tpu.memref_slice %arg2[%arg0, %dma_wait3A_226, %dma_wait3A_227] : memref<2x10000x128xf32, #tpu.memory_space<hbm>> -> memref<1x10000x128xf32, #tpu.memory_space<hbm>>
        %dma_wait3A_229 = tpu.memref_squeeze %dma_wait3A_228 : memref<1x10000x128xf32, #tpu.memory_space<hbm>> -> memref<10000x128xf32, #tpu.memory_space<hbm>>
        %dma_wait3A_230 = arith.constant 0 : i32
        %dma_wait3A_231 = arith.constant 0 : i32
        %dma_wait3A_232 = tpu.memref_slice %dma_wait3A_229[%dma_wait3A_230, %dma_wait3A_231] : memref<10000x128xf32, #tpu.memory_space<hbm>> -> memref<10000x128xf32, #tpu.memory_space<hbm>>
        tpu.wait_indirect_dma semaphore(%arg20 : memref<!tpu.dma_semaphore, #tpu.memory_space<semaphore_mem>>) src(%dma_wait3A_232 : memref<10000x128xf32, #tpu.memory_space<hbm>>) dst(%arg13 : memref<40x128xf32, #tpu.memory_space<vmem>>)
        %dma_wait3A_233 = arith.constant 0 : i32
        %dma_wait3A_234 = tpu.memref_slice %arg9[%add3A_216, %dma_wait3A_233] : memref<25x40xi32, #tpu.memory_space<vmem>> -> memref<1x40xi32, #tpu.memory_space<vmem>>
        %dma_wait3A_235 = tpu.memref_squeeze %dma_wait3A_234 : memref<1x40xi32, #tpu.memory_space<vmem>> -> memref<40xi32, #tpu.memory_space<vmem>>
        %dma_wait3A_236 = arith.constant 0 : i32
        %dma_wait3A_237 = arith.constant 0 : i32
        %dma_wait3A_238 = tpu.memref_slice %arg3[%arg0, %dma_wait3A_236, %dma_wait3A_237] : memref<2x10000x128xf32, #tpu.memory_space<hbm>> -> memref<1x10000x128xf32, #tpu.memory_space<hbm>>
        %dma_wait3A_239 = tpu.memref_squeeze %dma_wait3A_238 : memref<1x10000x128xf32, #tpu.memory_space<hbm>> -> memref<10000x128xf32, #tpu.memory_space<hbm>>
        %dma_wait3A_240 = arith.constant 0 : i32
        %dma_wait3A_241 = arith.constant 0 : i32
        %dma_wait3A_242 = tpu.memref_slice %dma_wait3A_239[%dma_wait3A_240, %dma_wait3A_241] : memref<10000x128xf32, #tpu.memory_space<hbm>> -> memref<10000x128xf32, #tpu.memory_space<hbm>>
        tpu.wait_indirect_dma semaphore(%arg21 : memref<!tpu.dma_semaphore, #tpu.memory_space<semaphore_mem>>) src(%dma_wait3A_242 : memref<10000x128xf32, #tpu.memory_space<hbm>>) dst(%arg14 : memref<40x128xf32, #tpu.memory_space<vmem>>)
        %dma_wait3A_243 = arith.constant 0 : i32
        %dma_wait3A_244 = tpu.memref_slice %arg4[%arg0, %add3A_222, %dma_wait3A_243] : memref<2x320000x64xi32, #tpu.memory_space<hbm>> -> memref<1x40x64xi32, #tpu.memory_space<hbm>>
        %dma_wait3A_245 = tpu.memref_squeeze %dma_wait3A_244 : memref<1x40x64xi32, #tpu.memory_space<hbm>> -> memref<40x64xi32, #tpu.memory_space<hbm>>
        %dma_wait3A_246 = arith.constant 0 : i32
        %dma_wait3A_247 = tpu.memref_slice %arg4[%arg0, %add3A_222, %dma_wait3A_246] : memref<2x320000x64xi32, #tpu.memory_space<hbm>> -> memref<1x40x64xi32, #tpu.memory_space<hbm>>
        %dma_wait3A_248 = tpu.memref_squeeze %dma_wait3A_247 : memref<1x40x64xi32, #tpu.memory_space<hbm>> -> memref<40x64xi32, #tpu.memory_space<hbm>>
        tpu.wait_dma2 semaphore(%arg22 : memref<!tpu.dma_semaphore, #tpu.memory_space<semaphore_mem>>) src(%dma_wait3A_248 : memref<40x64xi32, #tpu.memory_space<hbm>>) dst(%arg15 : memref<40x64xi32, #tpu.memory_space<vmem>>)
        %scan3A_249 = arith.constant 0 : i32
        %scan3A_250 = arith.constant 0 : i32
        %scan3A_251 = arith.constant 40 : i32
        %scan3A_252 = arith.addi %scan3A_250, %scan3A_251 : i32
        %scan3A_253 = arith.constant 1 : i32
        %scan3A_254 = scf.for %scan3A_257 = %scan3A_250 to %scan3A_252 step %scan3A_253 iter_args(%scan3A_258 = %scan3A_249) -> (i32)  : i32 {
          %get3A = arith.index_cast %scan3A_257 : i32 to index
          %get3A_259 = arith.constant 0 : index
          %get3A_260 = tpu.vector_load %arg15[%get3A, %get3A_259] {strides = array<i32>} : memref<40x64xi32, #tpu.memory_space<vmem>>, vector<1x16xi32>,
          %get3A_261 = vector.shape_cast %get3A_260 : vector<1x16xi32> to vector<16xi32>
          %shift_left3A = arith.constant 16 : i32
          %shift_left3A_262 = vector.broadcast %shift_left3A : i32 to vector<16xi32>
          %shift_left3A_263 = arith.shli %get3A_261, %shift_left3A_262 : vector<16xi32>
          %bitcast_convert_type3A = tpu.bitcast %shift_left3A_263 : vector<16xi32> -> vector<16xf32>
          %and3A = vector.broadcast %scan3A_40 : i32 to vector<16xi32>
          %and3A_264 = arith.andi %get3A_261, %and3A : vector<16xi32>
          %bitcast_convert_type3A_265 = tpu.bitcast %and3A_264 : vector<16xi32> -> vector<16xf32>
          %get3A_266 = arith.index_cast %scan3A_257 : i32 to index
          %get3A_267 = arith.constant 0 : index
          %get3A_268 = tpu.vector_load %arg13[%get3A_266, %get3A_267] {strides = array<i32>} : memref<40x128xf32, #tpu.memory_space<vmem>>, vector<1x16xf32>,
          %get3A_269 = vector.shape_cast %get3A_268 : vector<1x16xf32> to vector<16xf32>
          %get3A_270 = arith.index_cast %scan3A_257 : i32 to index
          %get3A_271 = arith.constant 0 : index
          %get3A_272 = tpu.vector_load %arg14[%get3A_270, %get3A_271] {strides = array<i32>} : memref<40x128xf32, #tpu.memory_space<vmem>>, vector<1x16xf32>,
          %get3A_273 = vector.shape_cast %get3A_272 : vector<1x16xf32> to vector<16xf32>
          %add3A_274 = arith.addf %get3A_269, %get3A_273 : vector<16xf32>
          %add3A_275 = arith.addf %add3A_274, %bitcast_convert_type3A : vector<16xf32>
          %max3A = arith.constant 0.000000e+00 : f32
          %max3A_276 = vector.broadcast %max3A : f32 to vector<16xf32>
          %max3A_277 = arith.maximumf %add3A_275, %max3A_276 : vector<16xf32>
          %swap3A = arith.index_cast %scan3A_257 : i32 to index
          %swap3A_278 = arith.constant 0 : index
          %swap3A_279 = tpu.vector_load %arg16[%swap3A, %swap3A_278] {strides = array<i32>} : memref<40x128xf32, #tpu.memory_space<vmem>>, vector<1x16xf32>,
          %swap3A_280 = vector.shape_cast %swap3A_279 : vector<1x16xf32> to vector<16xf32>
          %swap3A_281 = vector.shape_cast %max3A_277 : vector<16xf32> to vector<1x16xf32>
          tpu.vector_store %arg16[%swap3A, %swap3A_278], %swap3A_281 {strides = array<i32>} : memref<40x128xf32, #tpu.memory_space<vmem>>, vector<1x16xf32>,
          %get3A_282 = arith.index_cast %scan3A_257 : i32 to index
          %get3A_283 = arith.constant 64 : index
          %get3A_284 = tpu.vector_load %arg13[%get3A_282, %get3A_283] {strides = array<i32>} : memref<40x128xf32, #tpu.memory_space<vmem>>, vector<1x16xf32>,
          %get3A_285 = vector.shape_cast %get3A_284 : vector<1x16xf32> to vector<16xf32>
          %get3A_286 = arith.index_cast %scan3A_257 : i32 to index
          %get3A_287 = arith.constant 64 : index
          %get3A_288 = tpu.vector_load %arg14[%get3A_286, %get3A_287] {strides = array<i32>} : memref<40x128xf32, #tpu.memory_space<vmem>>, vector<1x16xf32>,
          %get3A_289 = vector.shape_cast %get3A_288 : vector<1x16xf32> to vector<16xf32>
          %add3A_290 = arith.addf %get3A_285, %get3A_289 : vector<16xf32>
          %add3A_291 = arith.addf %add3A_290, %bitcast_convert_type3A_265 : vector<16xf32>
          %max3A_292 = arith.constant 0.000000e+00 : f32
          %max3A_293 = vector.broadcast %max3A_292 : f32 to vector<16xf32>
          %max3A_294 = arith.maximumf %add3A_291, %max3A_293 : vector<16xf32>
          %swap3A_295 = arith.index_cast %scan3A_257 : i32 to index
          %swap3A_296 = arith.constant 64 : index
          %swap3A_297 = tpu.vector_load %arg16[%swap3A_295, %swap3A_296] {strides = array<i32>} : memref<40x128xf32, #tpu.memory_space<vmem>>, vector<1x16xf32>,
          %swap3A_298 = vector.shape_cast %swap3A_297 : vector<1x16xf32> to vector<16xf32>
          %swap3A_299 = vector.shape_cast %max3A_294 : vector<16xf32> to vector<1x16xf32>
          tpu.vector_store %arg16[%swap3A_295, %swap3A_296], %swap3A_299 {strides = array<i32>} : memref<40x128xf32, #tpu.memory_space<vmem>>, vector<1x16xf32>,
          %get3A_300 = arith.index_cast %scan3A_257 : i32 to index
          %get3A_301 = arith.constant 16 : index
          %get3A_302 = tpu.vector_load %arg15[%get3A_300, %get3A_301] {strides = array<i32>} : memref<40x64xi32, #tpu.memory_space<vmem>>, vector<1x16xi32>,
          %get3A_303 = vector.shape_cast %get3A_302 : vector<1x16xi32> to vector<16xi32>
          %shift_left3A_304 = arith.constant 16 : i32
          %shift_left3A_305 = vector.broadcast %shift_left3A_304 : i32 to vector<16xi32>
          %shift_left3A_306 = arith.shli %get3A_303, %shift_left3A_305 : vector<16xi32>
          %bitcast_convert_type3A_307 = tpu.bitcast %shift_left3A_306 : vector<16xi32> -> vector<16xf32>
          %and3A_308 = vector.broadcast %scan3A_40 : i32 to vector<16xi32>
          %and3A_309 = arith.andi %get3A_303, %and3A_308 : vector<16xi32>
          %bitcast_convert_type3A_310 = tpu.bitcast %and3A_309 : vector<16xi32> -> vector<16xf32>
          %get3A_311 = arith.index_cast %scan3A_257 : i32 to index
          %get3A_312 = arith.constant 16 : index
          %get3A_313 = tpu.vector_load %arg13[%get3A_311, %get3A_312] {strides = array<i32>} : memref<40x128xf32, #tpu.memory_space<vmem>>, vector<1x16xf32>,
          %get3A_314 = vector.shape_cast %get3A_313 : vector<1x16xf32> to vector<16xf32>
          %get3A_315 = arith.index_cast %scan3A_257 : i32 to index
          %get3A_316 = arith.constant 16 : index
          %get3A_317 = tpu.vector_load %arg14[%get3A_315, %get3A_316] {strides = array<i32>} : memref<40x128xf32, #tpu.memory_space<vmem>>, vector<1x16xf32>,
          %get3A_318 = vector.shape_cast %get3A_317 : vector<1x16xf32> to vector<16xf32>
          %add3A_319 = arith.addf %get3A_314, %get3A_318 : vector<16xf32>
          %add3A_320 = arith.addf %add3A_319, %bitcast_convert_type3A_307 : vector<16xf32>
          %max3A_321 = arith.constant 0.000000e+00 : f32
          %max3A_322 = vector.broadcast %max3A_321 : f32 to vector<16xf32>
          %max3A_323 = arith.maximumf %add3A_320, %max3A_322 : vector<16xf32>
          %swap3A_324 = arith.index_cast %scan3A_257 : i32 to index
          %swap3A_325 = arith.constant 16 : index
          %swap3A_326 = tpu.vector_load %arg16[%swap3A_324, %swap3A_325] {strides = array<i32>} : memref<40x128xf32, #tpu.memory_space<vmem>>, vector<1x16xf32>,
          %swap3A_327 = vector.shape_cast %swap3A_326 : vector<1x16xf32> to vector<16xf32>
          %swap3A_328 = vector.shape_cast %max3A_323 : vector<16xf32> to vector<1x16xf32>
          tpu.vector_store %arg16[%swap3A_324, %swap3A_325], %swap3A_328 {strides = array<i32>} : memref<40x128xf32, #tpu.memory_space<vmem>>, vector<1x16xf32>,
          %get3A_329 = arith.index_cast %scan3A_257 : i32 to index
          %get3A_330 = arith.constant 80 : index
          %get3A_331 = tpu.vector_load %arg13[%get3A_329, %get3A_330] {strides = array<i32>} : memref<40x128xf32, #tpu.memory_space<vmem>>, vector<1x16xf32>,
          %get3A_332 = vector.shape_cast %get3A_331 : vector<1x16xf32> to vector<16xf32>
          %get3A_333 = arith.index_cast %scan3A_257 : i32 to index
          %get3A_334 = arith.constant 80 : index
          %get3A_335 = tpu.vector_load %arg14[%get3A_333, %get3A_334] {strides = array<i32>} : memref<40x128xf32, #tpu.memory_space<vmem>>, vector<1x16xf32>,
          %get3A_336 = vector.shape_cast %get3A_335 : vector<1x16xf32> to vector<16xf32>
          %add3A_337 = arith.addf %get3A_332, %get3A_336 : vector<16xf32>
          %add3A_338 = arith.addf %add3A_337, %bitcast_convert_type3A_310 : vector<16xf32>
          %max3A_339 = arith.constant 0.000000e+00 : f32
          %max3A_340 = vector.broadcast %max3A_339 : f32 to vector<16xf32>
          %max3A_341 = arith.maximumf %add3A_338, %max3A_340 : vector<16xf32>
          %swap3A_342 = arith.index_cast %scan3A_257 : i32 to index
          %swap3A_343 = arith.constant 80 : index
          %swap3A_344 = tpu.vector_load %arg16[%swap3A_342, %swap3A_343] {strides = array<i32>} : memref<40x128xf32, #tpu.memory_space<vmem>>, vector<1x16xf32>,
          %swap3A_345 = vector.shape_cast %swap3A_344 : vector<1x16xf32> to vector<16xf32>
          %swap3A_346 = vector.shape_cast %max3A_341 : vector<16xf32> to vector<1x16xf32>
          tpu.vector_store %arg16[%swap3A_342, %swap3A_343], %swap3A_346 {strides = array<i32>} : memref<40x128xf32, #tpu.memory_space<vmem>>, vector<1x16xf32>,
          %get3A_347 = arith.index_cast %scan3A_257 : i32 to index
          %get3A_348 = arith.constant 32 : index
          %get3A_349 = tpu.vector_load %arg15[%get3A_347, %get3A_348] {strides = array<i32>} : memref<40x64xi32, #tpu.memory_space<vmem>>, vector<1x16xi32>,
          %get3A_350 = vector.shape_cast %get3A_349 : vector<1x16xi32> to vector<16xi32>
          %shift_left3A_351 = arith.constant 16 : i32
          %shift_left3A_352 = vector.broadcast %shift_left3A_351 : i32 to vector<16xi32>
          %shift_left3A_353 = arith.shli %get3A_350, %shift_left3A_352 : vector<16xi32>
          %bitcast_convert_type3A_354 = tpu.bitcast %shift_left3A_353 : vector<16xi32> -> vector<16xf32>
          %and3A_355 = vector.broadcast %scan3A_40 : i32 to vector<16xi32>
          %and3A_356 = arith.andi %get3A_350, %and3A_355 : vector<16xi32>
          %bitcast_convert_type3A_357 = tpu.bitcast %and3A_356 : vector<16xi32> -> vector<16xf32>
          %get3A_358 = arith.index_cast %scan3A_257 : i32 to index
          %get3A_359 = arith.constant 32 : index
          %get3A_360 = tpu.vector_load %arg13[%get3A_358, %get3A_359] {strides = array<i32>} : memref<40x128xf32, #tpu.memory_space<vmem>>, vector<1x16xf32>,
          %get3A_361 = vector.shape_cast %get3A_360 : vector<1x16xf32> to vector<16xf32>
          %get3A_362 = arith.index_cast %scan3A_257 : i32 to index
          %get3A_363 = arith.constant 32 : index
          %get3A_364 = tpu.vector_load %arg14[%get3A_362, %get3A_363] {strides = array<i32>} : memref<40x128xf32, #tpu.memory_space<vmem>>, vector<1x16xf32>,
          %get3A_365 = vector.shape_cast %get3A_364 : vector<1x16xf32> to vector<16xf32>
          %add3A_366 = arith.addf %get3A_361, %get3A_365 : vector<16xf32>
          %add3A_367 = arith.addf %add3A_366, %bitcast_convert_type3A_354 : vector<16xf32>
          %max3A_368 = arith.constant 0.000000e+00 : f32
          %max3A_369 = vector.broadcast %max3A_368 : f32 to vector<16xf32>
          %max3A_370 = arith.maximumf %add3A_367, %max3A_369 : vector<16xf32>
          %swap3A_371 = arith.index_cast %scan3A_257 : i32 to index
          %swap3A_372 = arith.constant 32 : index
          %swap3A_373 = tpu.vector_load %arg16[%swap3A_371, %swap3A_372] {strides = array<i32>} : memref<40x128xf32, #tpu.memory_space<vmem>>, vector<1x16xf32>,
          %swap3A_374 = vector.shape_cast %swap3A_373 : vector<1x16xf32> to vector<16xf32>
          %swap3A_375 = vector.shape_cast %max3A_370 : vector<16xf32> to vector<1x16xf32>
          tpu.vector_store %arg16[%swap3A_371, %swap3A_372], %swap3A_375 {strides = array<i32>} : memref<40x128xf32, #tpu.memory_space<vmem>>, vector<1x16xf32>,
          %get3A_376 = arith.index_cast %scan3A_257 : i32 to index
          %get3A_377 = arith.constant 96 : index
          %get3A_378 = tpu.vector_load %arg13[%get3A_376, %get3A_377] {strides = array<i32>} : memref<40x128xf32, #tpu.memory_space<vmem>>, vector<1x16xf32>,
          %get3A_379 = vector.shape_cast %get3A_378 : vector<1x16xf32> to vector<16xf32>
          %get3A_380 = arith.index_cast %scan3A_257 : i32 to index
          %get3A_381 = arith.constant 96 : index
          %get3A_382 = tpu.vector_load %arg14[%get3A_380, %get3A_381] {strides = array<i32>} : memref<40x128xf32, #tpu.memory_space<vmem>>, vector<1x16xf32>,
          %get3A_383 = vector.shape_cast %get3A_382 : vector<1x16xf32> to vector<16xf32>
          %add3A_384 = arith.addf %get3A_379, %get3A_383 : vector<16xf32>
          %add3A_385 = arith.addf %add3A_384, %bitcast_convert_type3A_357 : vector<16xf32>
          %max3A_386 = arith.constant 0.000000e+00 : f32
          %max3A_387 = vector.broadcast %max3A_386 : f32 to vector<16xf32>
          %max3A_388 = arith.maximumf %add3A_385, %max3A_387 : vector<16xf32>
          %swap3A_389 = arith.index_cast %scan3A_257 : i32 to index
          %swap3A_390 = arith.constant 96 : index
          %swap3A_391 = tpu.vector_load %arg16[%swap3A_389, %swap3A_390] {strides = array<i32>} : memref<40x128xf32, #tpu.memory_space<vmem>>, vector<1x16xf32>,
          %swap3A_392 = vector.shape_cast %swap3A_391 : vector<1x16xf32> to vector<16xf32>
          %swap3A_393 = vector.shape_cast %max3A_388 : vector<16xf32> to vector<1x16xf32>
          tpu.vector_store %arg16[%swap3A_389, %swap3A_390], %swap3A_393 {strides = array<i32>} : memref<40x128xf32, #tpu.memory_space<vmem>>, vector<1x16xf32>,
          %get3A_394 = arith.index_cast %scan3A_257 : i32 to index
          %get3A_395 = arith.constant 48 : index
          %get3A_396 = tpu.vector_load %arg15[%get3A_394, %get3A_395] {strides = array<i32>} : memref<40x64xi32, #tpu.memory_space<vmem>>, vector<1x16xi32>,
          %get3A_397 = vector.shape_cast %get3A_396 : vector<1x16xi32> to vector<16xi32>
          %shift_left3A_398 = arith.constant 16 : i32
          %shift_left3A_399 = vector.broadcast %shift_left3A_398 : i32 to vector<16xi32>
          %shift_left3A_400 = arith.shli %get3A_397, %shift_left3A_399 : vector<16xi32>
          %bitcast_convert_type3A_401 = tpu.bitcast %shift_left3A_400 : vector<16xi32> -> vector<16xf32>
          %and3A_402 = vector.broadcast %scan3A_40 : i32 to vector<16xi32>
          %and3A_403 = arith.andi %get3A_397, %and3A_402 : vector<16xi32>
          %bitcast_convert_type3A_404 = tpu.bitcast %and3A_403 : vector<16xi32> -> vector<16xf32>
          %get3A_405 = arith.index_cast %scan3A_257 : i32 to index
          %get3A_406 = arith.constant 48 : index
          %get3A_407 = tpu.vector_load %arg13[%get3A_405, %get3A_406] {strides = array<i32>} : memref<40x128xf32, #tpu.memory_space<vmem>>, vector<1x16xf32>,
          %get3A_408 = vector.shape_cast %get3A_407 : vector<1x16xf32> to vector<16xf32>
          %get3A_409 = arith.index_cast %scan3A_257 : i32 to index
          %get3A_410 = arith.constant 48 : index
          %get3A_411 = tpu.vector_load %arg14[%get3A_409, %get3A_410] {strides = array<i32>} : memref<40x128xf32, #tpu.memory_space<vmem>>, vector<1x16xf32>,
          %get3A_412 = vector.shape_cast %get3A_411 : vector<1x16xf32> to vector<16xf32>
          %add3A_413 = arith.addf %get3A_408, %get3A_412 : vector<16xf32>
          %add3A_414 = arith.addf %add3A_413, %bitcast_convert_type3A_401 : vector<16xf32>
          %max3A_415 = arith.constant 0.000000e+00 : f32
          %max3A_416 = vector.broadcast %max3A_415 : f32 to vector<16xf32>
          %max3A_417 = arith.maximumf %add3A_414, %max3A_416 : vector<16xf32>
          %swap3A_418 = arith.index_cast %scan3A_257 : i32 to index
          %swap3A_419 = arith.constant 48 : index
          %swap3A_420 = tpu.vector_load %arg16[%swap3A_418, %swap3A_419] {strides = array<i32>} : memref<40x128xf32, #tpu.memory_space<vmem>>, vector<1x16xf32>,
          %swap3A_421 = vector.shape_cast %swap3A_420 : vector<1x16xf32> to vector<16xf32>
          %swap3A_422 = vector.shape_cast %max3A_417 : vector<16xf32> to vector<1x16xf32>
          tpu.vector_store %arg16[%swap3A_418, %swap3A_419], %swap3A_422 {strides = array<i32>} : memref<40x128xf32, #tpu.memory_space<vmem>>, vector<1x16xf32>,
          %get3A_423 = arith.index_cast %scan3A_257 : i32 to index
          %get3A_424 = arith.constant 112 : index
          %get3A_425 = tpu.vector_load %arg13[%get3A_423, %get3A_424] {strides = array<i32>} : memref<40x128xf32, #tpu.memory_space<vmem>>, vector<1x16xf32>,
          %get3A_426 = vector.shape_cast %get3A_425 : vector<1x16xf32> to vector<16xf32>
          %get3A_427 = arith.index_cast %scan3A_257 : i32 to index
          %get3A_428 = arith.constant 112 : index
          %get3A_429 = tpu.vector_load %arg14[%get3A_427, %get3A_428] {strides = array<i32>} : memref<40x128xf32, #tpu.memory_space<vmem>>, vector<1x16xf32>,
          %get3A_430 = vector.shape_cast %get3A_429 : vector<1x16xf32> to vector<16xf32>
          %add3A_431 = arith.addf %get3A_426, %get3A_430 : vector<16xf32>
          %add3A_432 = arith.addf %add3A_431, %bitcast_convert_type3A_404 : vector<16xf32>
          %max3A_433 = arith.constant 0.000000e+00 : f32
          %max3A_434 = vector.broadcast %max3A_433 : f32 to vector<16xf32>
          %max3A_435 = arith.maximumf %add3A_432, %max3A_434 : vector<16xf32>
          %swap3A_436 = arith.index_cast %scan3A_257 : i32 to index
          %swap3A_437 = arith.constant 112 : index
          %swap3A_438 = tpu.vector_load %arg16[%swap3A_436, %swap3A_437] {strides = array<i32>} : memref<40x128xf32, #tpu.memory_space<vmem>>, vector<1x16xf32>,
          %swap3A_439 = vector.shape_cast %swap3A_438 : vector<1x16xf32> to vector<16xf32>
          %swap3A_440 = vector.shape_cast %max3A_435 : vector<16xf32> to vector<1x16xf32>
          tpu.vector_store %arg16[%swap3A_436, %swap3A_437], %swap3A_440 {strides = array<i32>} : memref<40x128xf32, #tpu.memory_space<vmem>>, vector<1x16xf32>,
          %scan3A_441 = arith.constant 0 : i32
          scf.yield %scan3A_441 : i32
        }
        %scan3A_255 = arith.constant 40 : i32
        "tpu.region"() ({
          %run_scoped3A_257 = tpu.sem_alloc : memref<!tpu.dma_semaphore, #tpu.memory_space<semaphore_mem>>
          %dma_start3A_258 = arith.constant 0 : i32
          %dma_start3A_259 = tpu.memref_slice %arg9[%add3A_216, %dma_start3A_258] : memref<25x40xi32, #tpu.memory_space<vmem>> -> memref<1x40xi32, #tpu.memory_space<vmem>>
          %dma_start3A_260 = tpu.memref_squeeze %dma_start3A_259 : memref<1x40xi32, #tpu.memory_space<vmem>> -> memref<40xi32, #tpu.memory_space<vmem>>
          %dma_start3A_261 = arith.constant 0 : i32
          %dma_start3A_262 = arith.constant 0 : i32
          %dma_start3A_263 = tpu.memref_slice %arg23[%dma_start3A_261, %dma_start3A_262] : memref<10240x128xf32, #tpu.memory_space<vmem_shared>> -> memref<10240x128xf32, #tpu.memory_space<vmem_shared>>
          tpu.enqueue_indirect_dma source(%arg16 : memref<40x128xf32, #tpu.memory_space<vmem>>) target(%dma_start3A_263 : memref<10240x128xf32, #tpu.memory_space<vmem_shared>>) offsets(%dma_start3A_260 : memref<40xi32, #tpu.memory_space<vmem>>) semaphore(%run_scoped3A_257 : memref<!tpu.dma_semaphore, #tpu.memory_space<semaphore_mem>>) {add = true}
          %dma_wait3A_264 = arith.constant 0 : i32
          %dma_wait3A_265 = tpu.memref_slice %arg9[%add3A_216, %dma_wait3A_264] : memref<25x40xi32, #tpu.memory_space<vmem>> -> memref<1x40xi32, #tpu.memory_space<vmem>>
          %dma_wait3A_266 = tpu.memref_squeeze %dma_wait3A_265 : memref<1x40xi32, #tpu.memory_space<vmem>> -> memref<40xi32, #tpu.memory_space<vmem>>
          %dma_wait3A_267 = arith.constant 0 : i32
          %dma_wait3A_268 = arith.constant 0 : i32
          %dma_wait3A_269 = tpu.memref_slice %arg23[%dma_wait3A_267, %dma_wait3A_268] : memref<10240x128xf32, #tpu.memory_space<vmem_shared>> -> memref<10240x128xf32, #tpu.memory_space<vmem_shared>>
          tpu.wait_indirect_dma semaphore(%run_scoped3A_257 : memref<!tpu.dma_semaphore, #tpu.memory_space<semaphore_mem>>) src(%arg16 : memref<40x128xf32, #tpu.memory_space<vmem>>) dst(%dma_wait3A_269 : memref<10240x128xf32, #tpu.memory_space<vmem_shared>>)
          tpu.yield
        }) : () -> ()
        %scan3A_256 = arith.constant 0 : i32
        scf.yield %scan3A_256 : i32
      }
      %scan3A_91 = arith.constant 12 : i32
      %mul3A_92 = arith.constant 25 : i32
      %mul3A_93 = arith.muli %scan3A_49, %mul3A_92 : i32
      %add3A_94 = arith.constant 24 : i32
      %add3A_95 = arith.addi %mul3A_93, %add3A_94 : i32
      %mul3A_96 = arith.constant 40 : i32
      %mul3A_97 = arith.muli %add3A_95, %mul3A_96 : i32
      %add3A_98 = arith.addi %mul3A_0, %mul3A_97 : i32
      %dma_wait3A = arith.constant 24 : i32
      %dma_wait3A_99 = arith.constant 0 : i32
      %dma_wait3A_100 = tpu.memref_slice %arg8[%dma_wait3A, %dma_wait3A_99] : memref<25x40xi32, #tpu.memory_space<vmem>> -> memref<1x40xi32, #tpu.memory_space<vmem>>
      %dma_wait3A_101 = tpu.memref_squeeze %dma_wait3A_100 : memref<1x40xi32, #tpu.memory_space<vmem>> -> memref<40xi32, #tpu.memory_space<vmem>>
      %dma_wait3A_102 = arith.constant 0 : i32
      %dma_wait3A_103 = arith.constant 0 : i32
      %dma_wait3A_104 = tpu.memref_slice %arg2[%arg0, %dma_wait3A_102, %dma_wait3A_103] : memref<2x10000x128xf32, #tpu.memory_space<hbm>> -> memref<1x10000x128xf32, #tpu.memory_space<hbm>>
      %dma_wait3A_105 = tpu.memref_squeeze %dma_wait3A_104 : memref<1x10000x128xf32, #tpu.memory_space<hbm>> -> memref<10000x128xf32, #tpu.memory_space<hbm>>
      %dma_wait3A_106 = arith.constant 0 : i32
      %dma_wait3A_107 = arith.constant 0 : i32
      %dma_wait3A_108 = tpu.memref_slice %dma_wait3A_105[%dma_wait3A_106, %dma_wait3A_107] : memref<10000x128xf32, #tpu.memory_space<hbm>> -> memref<10000x128xf32, #tpu.memory_space<hbm>>
      tpu.wait_indirect_dma semaphore(%arg17 : memref<!tpu.dma_semaphore, #tpu.memory_space<semaphore_mem>>) src(%dma_wait3A_108 : memref<10000x128xf32, #tpu.memory_space<hbm>>) dst(%arg10 : memref<40x128xf32, #tpu.memory_space<vmem>>)
      %dma_wait3A_109 = arith.constant 24 : i32
      %dma_wait3A_110 = arith.constant 0 : i32
      %dma_wait3A_111 = tpu.memref_slice %arg9[%dma_wait3A_109, %dma_wait3A_110] : memref<25x40xi32, #tpu.memory_space<vmem>> -> memref<1x40xi32, #tpu.memory_space<vmem>>
      %dma_wait3A_112 = tpu.memref_squeeze %dma_wait3A_111 : memref<1x40xi32, #tpu.memory_space<vmem>> -> memref<40xi32, #tpu.memory_space<vmem>>
      %dma_wait3A_113 = arith.constant 0 : i32
      %dma_wait3A_114 = arith.constant 0 : i32
      %dma_wait3A_115 = tpu.memref_slice %arg3[%arg0, %dma_wait3A_113, %dma_wait3A_114] : memref<2x10000x128xf32, #tpu.memory_space<hbm>> -> memref<1x10000x128xf32, #tpu.memory_space<hbm>>
      %dma_wait3A_116 = tpu.memref_squeeze %dma_wait3A_115 : memref<1x10000x128xf32, #tpu.memory_space<hbm>> -> memref<10000x128xf32, #tpu.memory_space<hbm>>
      %dma_wait3A_117 = arith.constant 0 : i32
      %dma_wait3A_118 = arith.constant 0 : i32
      %dma_wait3A_119 = tpu.memref_slice %dma_wait3A_116[%dma_wait3A_117, %dma_wait3A_118] : memref<10000x128xf32, #tpu.memory_space<hbm>> -> memref<10000x128xf32, #tpu.memory_space<hbm>>
      tpu.wait_indirect_dma semaphore(%arg18 : memref<!tpu.dma_semaphore, #tpu.memory_space<semaphore_mem>>) src(%dma_wait3A_119 : memref<10000x128xf32, #tpu.memory_space<hbm>>) dst(%arg11 : memref<40x128xf32, #tpu.memory_space<vmem>>)
      %dma_wait3A_120 = arith.constant 0 : i32
      %dma_wait3A_121 = tpu.memref_slice %arg4[%arg0, %add3A_98, %dma_wait3A_120] : memref<2x320000x64xi32, #tpu.memory_space<hbm>> -> memref<1x40x64xi32, #tpu.memory_space<hbm>>
      %dma_wait3A_122 = tpu.memref_squeeze %dma_wait3A_121 : memref<1x40x64xi32, #tpu.memory_space<hbm>> -> memref<40x64xi32, #tpu.memory_space<hbm>>
      %dma_wait3A_123 = arith.constant 0 : i32
      %dma_wait3A_124 = tpu.memref_slice %arg4[%arg0, %add3A_98, %dma_wait3A_123] : memref<2x320000x64xi32, #tpu.memory_space<hbm>> -> memref<1x40x64xi32, #tpu.memory_space<hbm>>
      %dma_wait3A_125 = tpu.memref_squeeze %dma_wait3A_124 : memref<1x40x64xi32, #tpu.memory_space<hbm>> -> memref<40x64xi32, #tpu.memory_space<hbm>>
      tpu.wait_dma2 semaphore(%arg19 : memref<!tpu.dma_semaphore, #tpu.memory_space<semaphore_mem>>) src(%dma_wait3A_125 : memref<40x64xi32, #tpu.memory_space<hbm>>) dst(%arg12 : memref<40x64xi32, #tpu.memory_space<vmem>>)
      %scan3A_126 = arith.constant 0 : i32
      %scan3A_127 = arith.constant 0 : i32
      %scan3A_128 = arith.constant 40 : i32
      %scan3A_129 = arith.addi %scan3A_127, %scan3A_128 : i32
      %scan3A_130 = arith.constant 1 : i32
      %scan3A_131 = scf.for %scan3A_134 = %scan3A_127 to %scan3A_129 step %scan3A_130 iter_args(%scan3A_135 = %scan3A_126) -> (i32)  : i32 {
        %get3A = arith.index_cast %scan3A_134 : i32 to index
        %get3A_136 = arith.constant 0 : index
        %get3A_137 = tpu.vector_load %arg12[%get3A, %get3A_136] {strides = array<i32>} : memref<40x64xi32, #tpu.memory_space<vmem>>, vector<1x16xi32>,
        %get3A_138 = vector.shape_cast %get3A_137 : vector<1x16xi32> to vector<16xi32>
        %shift_left3A = arith.constant 16 : i32
        %shift_left3A_139 = vector.broadcast %shift_left3A : i32 to vector<16xi32>
        %shift_left3A_140 = arith.shli %get3A_138, %shift_left3A_139 : vector<16xi32>
        %bitcast_convert_type3A = tpu.bitcast %shift_left3A_140 : vector<16xi32> -> vector<16xf32>
        %and3A = vector.broadcast %scan3A_40 : i32 to vector<16xi32>
        %and3A_141 = arith.andi %get3A_138, %and3A : vector<16xi32>
        %bitcast_convert_type3A_142 = tpu.bitcast %and3A_141 : vector<16xi32> -> vector<16xf32>
        %get3A_143 = arith.index_cast %scan3A_134 : i32 to index
        %get3A_144 = arith.constant 0 : index
        %get3A_145 = tpu.vector_load %arg10[%get3A_143, %get3A_144] {strides = array<i32>} : memref<40x128xf32, #tpu.memory_space<vmem>>, vector<1x16xf32>,
        %get3A_146 = vector.shape_cast %get3A_145 : vector<1x16xf32> to vector<16xf32>
        %get3A_147 = arith.index_cast %scan3A_134 : i32 to index
        %get3A_148 = arith.constant 0 : index
        %get3A_149 = tpu.vector_load %arg11[%get3A_147, %get3A_148] {strides = array<i32>} : memref<40x128xf32, #tpu.memory_space<vmem>>, vector<1x16xf32>,
        %get3A_150 = vector.shape_cast %get3A_149 : vector<1x16xf32> to vector<16xf32>
        %add3A_151 = arith.addf %get3A_146, %get3A_150 : vector<16xf32>
        %add3A_152 = arith.addf %add3A_151, %bitcast_convert_type3A : vector<16xf32>
        %max3A = arith.constant 0.000000e+00 : f32
        %max3A_153 = vector.broadcast %max3A : f32 to vector<16xf32>
        %max3A_154 = arith.maximumf %add3A_152, %max3A_153 : vector<16xf32>
        %swap3A = arith.index_cast %scan3A_134 : i32 to index
        %swap3A_155 = arith.constant 0 : index
        %swap3A_156 = tpu.vector_load %arg16[%swap3A, %swap3A_155] {strides = array<i32>} : memref<40x128xf32, #tpu.memory_space<vmem>>, vector<1x16xf32>,
        %swap3A_157 = vector.shape_cast %swap3A_156 : vector<1x16xf32> to vector<16xf32>
        %swap3A_158 = vector.shape_cast %max3A_154 : vector<16xf32> to vector<1x16xf32>
        tpu.vector_store %arg16[%swap3A, %swap3A_155], %swap3A_158 {strides = array<i32>} : memref<40x128xf32, #tpu.memory_space<vmem>>, vector<1x16xf32>,
        %get3A_159 = arith.index_cast %scan3A_134 : i32 to index
        %get3A_160 = arith.constant 64 : index
        %get3A_161 = tpu.vector_load %arg10[%get3A_159, %get3A_160] {strides = array<i32>} : memref<40x128xf32, #tpu.memory_space<vmem>>, vector<1x16xf32>,
        %get3A_162 = vector.shape_cast %get3A_161 : vector<1x16xf32> to vector<16xf32>
        %get3A_163 = arith.index_cast %scan3A_134 : i32 to index
        %get3A_164 = arith.constant 64 : index
        %get3A_165 = tpu.vector_load %arg11[%get3A_163, %get3A_164] {strides = array<i32>} : memref<40x128xf32, #tpu.memory_space<vmem>>, vector<1x16xf32>,
        %get3A_166 = vector.shape_cast %get3A_165 : vector<1x16xf32> to vector<16xf32>
        %add3A_167 = arith.addf %get3A_162, %get3A_166 : vector<16xf32>
        %add3A_168 = arith.addf %add3A_167, %bitcast_convert_type3A_142 : vector<16xf32>
        %max3A_169 = arith.constant 0.000000e+00 : f32
        %max3A_170 = vector.broadcast %max3A_169 : f32 to vector<16xf32>
        %max3A_171 = arith.maximumf %add3A_168, %max3A_170 : vector<16xf32>
        %swap3A_172 = arith.index_cast %scan3A_134 : i32 to index
        %swap3A_173 = arith.constant 64 : index
        %swap3A_174 = tpu.vector_load %arg16[%swap3A_172, %swap3A_173] {strides = array<i32>} : memref<40x128xf32, #tpu.memory_space<vmem>>, vector<1x16xf32>,
        %swap3A_175 = vector.shape_cast %swap3A_174 : vector<1x16xf32> to vector<16xf32>
        %swap3A_176 = vector.shape_cast %max3A_171 : vector<16xf32> to vector<1x16xf32>
        tpu.vector_store %arg16[%swap3A_172, %swap3A_173], %swap3A_176 {strides = array<i32>} : memref<40x128xf32, #tpu.memory_space<vmem>>, vector<1x16xf32>,
        %get3A_177 = arith.index_cast %scan3A_134 : i32 to index
        %get3A_178 = arith.constant 16 : index
        %get3A_179 = tpu.vector_load %arg12[%get3A_177, %get3A_178] {strides = array<i32>} : memref<40x64xi32, #tpu.memory_space<vmem>>, vector<1x16xi32>,
        %get3A_180 = vector.shape_cast %get3A_179 : vector<1x16xi32> to vector<16xi32>
        %shift_left3A_181 = arith.constant 16 : i32
        %shift_left3A_182 = vector.broadcast %shift_left3A_181 : i32 to vector<16xi32>
        %shift_left3A_183 = arith.shli %get3A_180, %shift_left3A_182 : vector<16xi32>
        %bitcast_convert_type3A_184 = tpu.bitcast %shift_left3A_183 : vector<16xi32> -> vector<16xf32>
        %and3A_185 = vector.broadcast %scan3A_40 : i32 to vector<16xi32>
        %and3A_186 = arith.andi %get3A_180, %and3A_185 : vector<16xi32>
        %bitcast_convert_type3A_187 = tpu.bitcast %and3A_186 : vector<16xi32> -> vector<16xf32>
        %get3A_188 = arith.index_cast %scan3A_134 : i32 to index
        %get3A_189 = arith.constant 16 : index
        %get3A_190 = tpu.vector_load %arg10[%get3A_188, %get3A_189] {strides = array<i32>} : memref<40x128xf32, #tpu.memory_space<vmem>>, vector<1x16xf32>,
        %get3A_191 = vector.shape_cast %get3A_190 : vector<1x16xf32> to vector<16xf32>
        %get3A_192 = arith.index_cast %scan3A_134 : i32 to index
        %get3A_193 = arith.constant 16 : index
        %get3A_194 = tpu.vector_load %arg11[%get3A_192, %get3A_193] {strides = array<i32>} : memref<40x128xf32, #tpu.memory_space<vmem>>, vector<1x16xf32>,
        %get3A_195 = vector.shape_cast %get3A_194 : vector<1x16xf32> to vector<16xf32>
        %add3A_196 = arith.addf %get3A_191, %get3A_195 : vector<16xf32>
        %add3A_197 = arith.addf %add3A_196, %bitcast_convert_type3A_184 : vector<16xf32>
        %max3A_198 = arith.constant 0.000000e+00 : f32
        %max3A_199 = vector.broadcast %max3A_198 : f32 to vector<16xf32>
        %max3A_200 = arith.maximumf %add3A_197, %max3A_199 : vector<16xf32>
        %swap3A_201 = arith.index_cast %scan3A_134 : i32 to index
        %swap3A_202 = arith.constant 16 : index
        %swap3A_203 = tpu.vector_load %arg16[%swap3A_201, %swap3A_202] {strides = array<i32>} : memref<40x128xf32, #tpu.memory_space<vmem>>, vector<1x16xf32>,
        %swap3A_204 = vector.shape_cast %swap3A_203 : vector<1x16xf32> to vector<16xf32>
        %swap3A_205 = vector.shape_cast %max3A_200 : vector<16xf32> to vector<1x16xf32>
        tpu.vector_store %arg16[%swap3A_201, %swap3A_202], %swap3A_205 {strides = array<i32>} : memref<40x128xf32, #tpu.memory_space<vmem>>, vector<1x16xf32>,
        %get3A_206 = arith.index_cast %scan3A_134 : i32 to index
        %get3A_207 = arith.constant 80 : index
        %get3A_208 = tpu.vector_load %arg10[%get3A_206, %get3A_207] {strides = array<i32>} : memref<40x128xf32, #tpu.memory_space<vmem>>, vector<1x16xf32>,
        %get3A_209 = vector.shape_cast %get3A_208 : vector<1x16xf32> to vector<16xf32>
        %get3A_210 = arith.index_cast %scan3A_134 : i32 to index
        %get3A_211 = arith.constant 80 : index
        %get3A_212 = tpu.vector_load %arg11[%get3A_210, %get3A_211] {strides = array<i32>} : memref<40x128xf32, #tpu.memory_space<vmem>>, vector<1x16xf32>,
        %get3A_213 = vector.shape_cast %get3A_212 : vector<1x16xf32> to vector<16xf32>
        %add3A_214 = arith.addf %get3A_209, %get3A_213 : vector<16xf32>
        %add3A_215 = arith.addf %add3A_214, %bitcast_convert_type3A_187 : vector<16xf32>
        %max3A_216 = arith.constant 0.000000e+00 : f32
        %max3A_217 = vector.broadcast %max3A_216 : f32 to vector<16xf32>
        %max3A_218 = arith.maximumf %add3A_215, %max3A_217 : vector<16xf32>
        %swap3A_219 = arith.index_cast %scan3A_134 : i32 to index
        %swap3A_220 = arith.constant 80 : index
        %swap3A_221 = tpu.vector_load %arg16[%swap3A_219, %swap3A_220] {strides = array<i32>} : memref<40x128xf32, #tpu.memory_space<vmem>>, vector<1x16xf32>,
        %swap3A_222 = vector.shape_cast %swap3A_221 : vector<1x16xf32> to vector<16xf32>
        %swap3A_223 = vector.shape_cast %max3A_218 : vector<16xf32> to vector<1x16xf32>
        tpu.vector_store %arg16[%swap3A_219, %swap3A_220], %swap3A_223 {strides = array<i32>} : memref<40x128xf32, #tpu.memory_space<vmem>>, vector<1x16xf32>,
        %get3A_224 = arith.index_cast %scan3A_134 : i32 to index
        %get3A_225 = arith.constant 32 : index
        %get3A_226 = tpu.vector_load %arg12[%get3A_224, %get3A_225] {strides = array<i32>} : memref<40x64xi32, #tpu.memory_space<vmem>>, vector<1x16xi32>,
        %get3A_227 = vector.shape_cast %get3A_226 : vector<1x16xi32> to vector<16xi32>
        %shift_left3A_228 = arith.constant 16 : i32
        %shift_left3A_229 = vector.broadcast %shift_left3A_228 : i32 to vector<16xi32>
        %shift_left3A_230 = arith.shli %get3A_227, %shift_left3A_229 : vector<16xi32>
        %bitcast_convert_type3A_231 = tpu.bitcast %shift_left3A_230 : vector<16xi32> -> vector<16xf32>
        %and3A_232 = vector.broadcast %scan3A_40 : i32 to vector<16xi32>
        %and3A_233 = arith.andi %get3A_227, %and3A_232 : vector<16xi32>
        %bitcast_convert_type3A_234 = tpu.bitcast %and3A_233 : vector<16xi32> -> vector<16xf32>
        %get3A_235 = arith.index_cast %scan3A_134 : i32 to index
        %get3A_236 = arith.constant 32 : index
        %get3A_237 = tpu.vector_load %arg10[%get3A_235, %get3A_236] {strides = array<i32>} : memref<40x128xf32, #tpu.memory_space<vmem>>, vector<1x16xf32>,
        %get3A_238 = vector.shape_cast %get3A_237 : vector<1x16xf32> to vector<16xf32>
        %get3A_239 = arith.index_cast %scan3A_134 : i32 to index
        %get3A_240 = arith.constant 32 : index
        %get3A_241 = tpu.vector_load %arg11[%get3A_239, %get3A_240] {strides = array<i32>} : memref<40x128xf32, #tpu.memory_space<vmem>>, vector<1x16xf32>,
        %get3A_242 = vector.shape_cast %get3A_241 : vector<1x16xf32> to vector<16xf32>
        %add3A_243 = arith.addf %get3A_238, %get3A_242 : vector<16xf32>
        %add3A_244 = arith.addf %add3A_243, %bitcast_convert_type3A_231 : vector<16xf32>
        %max3A_245 = arith.constant 0.000000e+00 : f32
        %max3A_246 = vector.broadcast %max3A_245 : f32 to vector<16xf32>
        %max3A_247 = arith.maximumf %add3A_244, %max3A_246 : vector<16xf32>
        %swap3A_248 = arith.index_cast %scan3A_134 : i32 to index
        %swap3A_249 = arith.constant 32 : index
        %swap3A_250 = tpu.vector_load %arg16[%swap3A_248, %swap3A_249] {strides = array<i32>} : memref<40x128xf32, #tpu.memory_space<vmem>>, vector<1x16xf32>,
        %swap3A_251 = vector.shape_cast %swap3A_250 : vector<1x16xf32> to vector<16xf32>
        %swap3A_252 = vector.shape_cast %max3A_247 : vector<16xf32> to vector<1x16xf32>
        tpu.vector_store %arg16[%swap3A_248, %swap3A_249], %swap3A_252 {strides = array<i32>} : memref<40x128xf32, #tpu.memory_space<vmem>>, vector<1x16xf32>,
        %get3A_253 = arith.index_cast %scan3A_134 : i32 to index
        %get3A_254 = arith.constant 96 : index
        %get3A_255 = tpu.vector_load %arg10[%get3A_253, %get3A_254] {strides = array<i32>} : memref<40x128xf32, #tpu.memory_space<vmem>>, vector<1x16xf32>,
        %get3A_256 = vector.shape_cast %get3A_255 : vector<1x16xf32> to vector<16xf32>
        %get3A_257 = arith.index_cast %scan3A_134 : i32 to index
        %get3A_258 = arith.constant 96 : index
        %get3A_259 = tpu.vector_load %arg11[%get3A_257, %get3A_258] {strides = array<i32>} : memref<40x128xf32, #tpu.memory_space<vmem>>, vector<1x16xf32>,
        %get3A_260 = vector.shape_cast %get3A_259 : vector<1x16xf32> to vector<16xf32>
        %add3A_261 = arith.addf %get3A_256, %get3A_260 : vector<16xf32>
        %add3A_262 = arith.addf %add3A_261, %bitcast_convert_type3A_234 : vector<16xf32>
        %max3A_263 = arith.constant 0.000000e+00 : f32
        %max3A_264 = vector.broadcast %max3A_263 : f32 to vector<16xf32>
        %max3A_265 = arith.maximumf %add3A_262, %max3A_264 : vector<16xf32>
        %swap3A_266 = arith.index_cast %scan3A_134 : i32 to index
        %swap3A_267 = arith.constant 96 : index
        %swap3A_268 = tpu.vector_load %arg16[%swap3A_266, %swap3A_267] {strides = array<i32>} : memref<40x128xf32, #tpu.memory_space<vmem>>, vector<1x16xf32>,
        %swap3A_269 = vector.shape_cast %swap3A_268 : vector<1x16xf32> to vector<16xf32>
        %swap3A_270 = vector.shape_cast %max3A_265 : vector<16xf32> to vector<1x16xf32>
        tpu.vector_store %arg16[%swap3A_266, %swap3A_267], %swap3A_270 {strides = array<i32>} : memref<40x128xf32, #tpu.memory_space<vmem>>, vector<1x16xf32>,
        %get3A_271 = arith.index_cast %scan3A_134 : i32 to index
        %get3A_272 = arith.constant 48 : index
        %get3A_273 = tpu.vector_load %arg12[%get3A_271, %get3A_272] {strides = array<i32>} : memref<40x64xi32, #tpu.memory_space<vmem>>, vector<1x16xi32>,
        %get3A_274 = vector.shape_cast %get3A_273 : vector<1x16xi32> to vector<16xi32>
        %shift_left3A_275 = arith.constant 16 : i32
        %shift_left3A_276 = vector.broadcast %shift_left3A_275 : i32 to vector<16xi32>
        %shift_left3A_277 = arith.shli %get3A_274, %shift_left3A_276 : vector<16xi32>
        %bitcast_convert_type3A_278 = tpu.bitcast %shift_left3A_277 : vector<16xi32> -> vector<16xf32>
        %and3A_279 = vector.broadcast %scan3A_40 : i32 to vector<16xi32>
        %and3A_280 = arith.andi %get3A_274, %and3A_279 : vector<16xi32>
        %bitcast_convert_type3A_281 = tpu.bitcast %and3A_280 : vector<16xi32> -> vector<16xf32>
        %get3A_282 = arith.index_cast %scan3A_134 : i32 to index
        %get3A_283 = arith.constant 48 : index
        %get3A_284 = tpu.vector_load %arg10[%get3A_282, %get3A_283] {strides = array<i32>} : memref<40x128xf32, #tpu.memory_space<vmem>>, vector<1x16xf32>,
        %get3A_285 = vector.shape_cast %get3A_284 : vector<1x16xf32> to vector<16xf32>
        %get3A_286 = arith.index_cast %scan3A_134 : i32 to index
        %get3A_287 = arith.constant 48 : index
        %get3A_288 = tpu.vector_load %arg11[%get3A_286, %get3A_287] {strides = array<i32>} : memref<40x128xf32, #tpu.memory_space<vmem>>, vector<1x16xf32>,
        %get3A_289 = vector.shape_cast %get3A_288 : vector<1x16xf32> to vector<16xf32>
        %add3A_290 = arith.addf %get3A_285, %get3A_289 : vector<16xf32>
        %add3A_291 = arith.addf %add3A_290, %bitcast_convert_type3A_278 : vector<16xf32>
        %max3A_292 = arith.constant 0.000000e+00 : f32
        %max3A_293 = vector.broadcast %max3A_292 : f32 to vector<16xf32>
        %max3A_294 = arith.maximumf %add3A_291, %max3A_293 : vector<16xf32>
        %swap3A_295 = arith.index_cast %scan3A_134 : i32 to index
        %swap3A_296 = arith.constant 48 : index
        %swap3A_297 = tpu.vector_load %arg16[%swap3A_295, %swap3A_296] {strides = array<i32>} : memref<40x128xf32, #tpu.memory_space<vmem>>, vector<1x16xf32>,
        %swap3A_298 = vector.shape_cast %swap3A_297 : vector<1x16xf32> to vector<16xf32>
        %swap3A_299 = vector.shape_cast %max3A_294 : vector<16xf32> to vector<1x16xf32>
        tpu.vector_store %arg16[%swap3A_295, %swap3A_296], %swap3A_299 {strides = array<i32>} : memref<40x128xf32, #tpu.memory_space<vmem>>, vector<1x16xf32>,
        %get3A_300 = arith.index_cast %scan3A_134 : i32 to index
        %get3A_301 = arith.constant 112 : index
        %get3A_302 = tpu.vector_load %arg10[%get3A_300, %get3A_301] {strides = array<i32>} : memref<40x128xf32, #tpu.memory_space<vmem>>, vector<1x16xf32>,
        %get3A_303 = vector.shape_cast %get3A_302 : vector<1x16xf32> to vector<16xf32>
        %get3A_304 = arith.index_cast %scan3A_134 : i32 to index
        %get3A_305 = arith.constant 112 : index
        %get3A_306 = tpu.vector_load %arg11[%get3A_304, %get3A_305] {strides = array<i32>} : memref<40x128xf32, #tpu.memory_space<vmem>>, vector<1x16xf32>,
        %get3A_307 = vector.shape_cast %get3A_306 : vector<1x16xf32> to vector<16xf32>
        %add3A_308 = arith.addf %get3A_303, %get3A_307 : vector<16xf32>
        %add3A_309 = arith.addf %add3A_308, %bitcast_convert_type3A_281 : vector<16xf32>
        %max3A_310 = arith.constant 0.000000e+00 : f32
        %max3A_311 = vector.broadcast %max3A_310 : f32 to vector<16xf32>
        %max3A_312 = arith.maximumf %add3A_309, %max3A_311 : vector<16xf32>
        %swap3A_313 = arith.index_cast %scan3A_134 : i32 to index
        %swap3A_314 = arith.constant 112 : index
        %swap3A_315 = tpu.vector_load %arg16[%swap3A_313, %swap3A_314] {strides = array<i32>} : memref<40x128xf32, #tpu.memory_space<vmem>>, vector<1x16xf32>,
        %swap3A_316 = vector.shape_cast %swap3A_315 : vector<1x16xf32> to vector<16xf32>
        %swap3A_317 = vector.shape_cast %max3A_312 : vector<16xf32> to vector<1x16xf32>
        tpu.vector_store %arg16[%swap3A_313, %swap3A_314], %swap3A_317 {strides = array<i32>} : memref<40x128xf32, #tpu.memory_space<vmem>>, vector<1x16xf32>,
        %scan3A_318 = arith.constant 0 : i32
        scf.yield %scan3A_318 : i32
      }
      %scan3A_132 = arith.constant 40 : i32
      %run_scoped3A = arith.constant 24 : i32
      "tpu.region"() ({
        %run_scoped3A_134 = tpu.sem_alloc : memref<!tpu.dma_semaphore, #tpu.memory_space<semaphore_mem>>
        %dma_start3A_135 = arith.constant 0 : i32
        %dma_start3A_136 = tpu.memref_slice %arg9[%run_scoped3A, %dma_start3A_135] : memref<25x40xi32, #tpu.memory_space<vmem>> -> memref<1x40xi32, #tpu.memory_space<vmem>>
        %dma_start3A_137 = tpu.memref_squeeze %dma_start3A_136 : memref<1x40xi32, #tpu.memory_space<vmem>> -> memref<40xi32, #tpu.memory_space<vmem>>
        %dma_start3A_138 = arith.constant 0 : i32
        %dma_start3A_139 = arith.constant 0 : i32
        %dma_start3A_140 = tpu.memref_slice %arg23[%dma_start3A_138, %dma_start3A_139] : memref<10240x128xf32, #tpu.memory_space<vmem_shared>> -> memref<10240x128xf32, #tpu.memory_space<vmem_shared>>
        tpu.enqueue_indirect_dma source(%arg16 : memref<40x128xf32, #tpu.memory_space<vmem>>) target(%dma_start3A_140 : memref<10240x128xf32, #tpu.memory_space<vmem_shared>>) offsets(%dma_start3A_137 : memref<40xi32, #tpu.memory_space<vmem>>) semaphore(%run_scoped3A_134 : memref<!tpu.dma_semaphore, #tpu.memory_space<semaphore_mem>>) {add = true}
        %dma_wait3A_141 = arith.constant 0 : i32
        %dma_wait3A_142 = tpu.memref_slice %arg9[%run_scoped3A, %dma_wait3A_141] : memref<25x40xi32, #tpu.memory_space<vmem>> -> memref<1x40xi32, #tpu.memory_space<vmem>>
        %dma_wait3A_143 = tpu.memref_squeeze %dma_wait3A_142 : memref<1x40xi32, #tpu.memory_space<vmem>> -> memref<40xi32, #tpu.memory_space<vmem>>
        %dma_wait3A_144 = arith.constant 0 : i32
        %dma_wait3A_145 = arith.constant 0 : i32
        %dma_wait3A_146 = tpu.memref_slice %arg23[%dma_wait3A_144, %dma_wait3A_145] : memref<10240x128xf32, #tpu.memory_space<vmem_shared>> -> memref<10240x128xf32, #tpu.memory_space<vmem_shared>>
        tpu.wait_indirect_dma semaphore(%run_scoped3A_134 : memref<!tpu.dma_semaphore, #tpu.memory_space<semaphore_mem>>) src(%arg16 : memref<40x128xf32, #tpu.memory_space<vmem>>) dst(%dma_wait3A_146 : memref<10240x128xf32, #tpu.memory_space<vmem_shared>>)
        tpu.yield
      }) : () -> ()
      %scan3A_133 = arith.constant 0 : i32
      scf.yield %scan3A_133 : i32
    }
    %scan3A_47 = arith.constant 20 : i32
    %barrier3A_48 = arith.constant 0 : index
    tpu.barrier barrier_id(%barrier3A_48)
    "tpu.region"() ({
      %run_scoped3A = tpu.sem_alloc : memref<!tpu.dma_semaphore, #tpu.memory_space<semaphore_mem>>
      %dma_start3A = arith.constant 0 : i32
      %dma_start3A_49 = tpu.memref_slice %arg7[%arg0, %mul3A_8, %dma_start3A] : memref<2x10240x128xf32, #tpu.memory_space<hbm>> -> memref<1x640x128xf32, #tpu.memory_space<hbm>>
      %dma_start3A_50 = tpu.memref_squeeze %dma_start3A_49 : memref<1x640x128xf32, #tpu.memory_space<hbm>> -> memref<640x128xf32, #tpu.memory_space<hbm>>
      %dma_start3A_51 = arith.constant 0 : i32
      %dma_start3A_52 = tpu.memref_slice %arg23[%mul3A_8, %dma_start3A_51] : memref<10240x128xf32, #tpu.memory_space<vmem_shared>> -> memref<640x128xf32, #tpu.memory_space<vmem_shared>>
      tpu.enqueue_dma source(%dma_start3A_52 : memref<640x128xf32, #tpu.memory_space<vmem_shared>>) target(%dma_start3A_50 : memref<640x128xf32, #tpu.memory_space<hbm>>) target_semaphore(%run_scoped3A : memref<!tpu.dma_semaphore, #tpu.memory_space<semaphore_mem>>)
      %dma_wait3A = arith.constant 0 : i32
      %dma_wait3A_53 = tpu.memref_slice %arg7[%arg0, %mul3A_8, %dma_wait3A] : memref<2x10240x128xf32, #tpu.memory_space<hbm>> -> memref<1x640x128xf32, #tpu.memory_space<hbm>>
      %dma_wait3A_54 = tpu.memref_squeeze %dma_wait3A_53 : memref<1x640x128xf32, #tpu.memory_space<hbm>> -> memref<640x128xf32, #tpu.memory_space<hbm>>
      %dma_wait3A_55 = arith.constant 0 : i32
      %dma_wait3A_56 = tpu.memref_slice %arg23[%mul3A_8, %dma_wait3A_55] : memref<10240x128xf32, #tpu.memory_space<vmem_shared>> -> memref<640x128xf32, #tpu.memory_space<vmem_shared>>
      tpu.wait_dma2 semaphore(%run_scoped3A : memref<!tpu.dma_semaphore, #tpu.memory_space<semaphore_mem>>) src(%dma_wait3A_56 : memref<640x128xf32, #tpu.memory_space<vmem_shared>>) dst(%dma_wait3A_54 : memref<640x128xf32, #tpu.memory_space<hbm>>)
      tpu.yield
    }) : () -> ()
    return
  }
}

module attributes {stable_mosaic.version = 14 : i64} {
  func.func @_tables_body(%arg0: i32, %arg1: memref<3200x16xf32, #tpu.memory_space<vmem>>, %arg2: memref<1000x128xf32, #tpu.memory_space<vmem>>, %arg3: memref<4x128x128xf32, #tpu.memory_space<vmem>>, %arg4: memref<2x16x128xf32, #tpu.memory_space<vmem>>, %arg5: memref<2x1x128xf32, #tpu.memory_space<vmem>>, %arg6: memref<2x3200x64xi32, #tpu.memory_space<vmem>>, %arg7: memref<2x1000x128xf32, #tpu.memory_space<vmem>>, %arg8: memref<2x1000x128xf32, #tpu.memory_space<vmem>>) attributes {dimension_semantics = [#tpu.dimension_semantics<arbitrary>], iteration_bounds = array<i64: 110>, scalar_prefetch = 0 : i64, scratch_operands = 0 : i64, tpu.core_type = #tpu.core_type<tc>, window_params = [{transform_indices = @transform_0, window_bounds = array<i64: 3200, 16>}, {transform_indices = @transform_1, window_bounds = array<i64: 1000, 128>}, {pipeline_mode = #tpu.pipeline_mode<synchronous>, transform_indices = @transform_2, window_bounds = array<i64: 4, 128, 128>}, {pipeline_mode = #tpu.pipeline_mode<synchronous>, transform_indices = @transform_3, window_bounds = array<i64: 2, 16, 128>}, {pipeline_mode = #tpu.pipeline_mode<synchronous>, transform_indices = @transform_4, window_bounds = array<i64: 2, 1, 128>}, {transform_indices = @transform_5, window_bounds = array<i64: 2, 3200, 64>}, {transform_indices = @transform_6, window_bounds = array<i64: 2, 1000, 128>}, {transform_indices = @transform_7, window_bounds = array<i64: 2, 1000, 128>}]} {
    %lt3A = arith.constant 100 : i32
    %lt3A_0 = arith.cmpi slt, %arg0, %lt3A : i32
    %convert_element_type3A = arith.extui %lt3A_0 : i1 to i32
    %cond3A = arith.constant 0 : i32
    %cond3A_1 = arith.cmpi ne, %convert_element_type3A, %cond3A : i32
    scf.if %cond3A_1 {
      %get3A = arith.constant 0 : index
      %get3A_6 = arith.constant 0 : index
      %get3A_7 = vector.load %arg1[%get3A, %get3A_6] : memref<3200x16xf32, #tpu.memory_space<vmem>>, vector<3200x16xf32>
      %get3A_8 = arith.constant 0 : index
      %get3A_9 = arith.constant 0 : index
      %get3A_10 = arith.constant 0 : index
      %get3A_11 = vector.load %arg4[%get3A_8, %get3A_9, %get3A_10] : memref<2x16x128xf32, #tpu.memory_space<vmem>>, vector<1x16x128xf32>
      %get3A_12 = vector.shape_cast %get3A_11 : vector<1x16x128xf32> to vector<16x128xf32>
      %dot_general3A = arith.constant dense<0.000000e+00> : vector<3200x128xf32>
      %dot_general3A_13 = tpu.matmul %get3A_7, %get3A_12, %dot_general3A {dimension_numbers = #tpu.dot_dimension_numbers<[1], [0], [0], [1], [0, 0, 1, 1], [], []>, transpose_lhs_hint = false} : vector<3200x16xf32>, vector<16x128xf32>, vector<3200x128xf32> -> vector<3200x128xf32>
      %get3A_14 = arith.constant 0 : index
      %get3A_15 = arith.constant 0 : index
      %get3A_16 = arith.constant 0 : index
      %get3A_17 = vector.load %arg5[%get3A_14, %get3A_15, %get3A_16] : memref<2x1x128xf32, #tpu.memory_space<vmem>>, vector<1x1x128xf32>
      %get3A_18 = vector.shape_cast %get3A_17 : vector<1x1x128xf32> to vector<1x128xf32>
      %add3A = vector.broadcast %get3A_18 : vector<1x128xf32> to vector<3200x128xf32>
      %add3A_19 = arith.addf %dot_general3A_13, %add3A : vector<3200x128xf32>
      %slice3A = vector.extract_strided_slice %add3A_19 {offsets = [0, 0], sizes = [3200, 64], strides = [1, 1]} : vector<3200x128xf32> to vector<3200x64xf32>
      %convert_element_type3A_20 = arith.truncf %slice3A : vector<3200x64xf32> to vector<3200x64xbf16>
      %bitcast_convert_type3A = tpu.bitcast %convert_element_type3A_20 : vector<3200x64xbf16> -> vector<3200x64xi16>
      %convert_element_type3A_21 = arith.extui %bitcast_convert_type3A : vector<3200x64xi16> to vector<3200x64xi32>
      %slice3A_22 = vector.extract_strided_slice %add3A_19 {offsets = [0, 64], sizes = [3200, 64], strides = [1, 1]} : vector<3200x128xf32> to vector<3200x64xf32>
      %convert_element_type3A_23 = arith.truncf %slice3A_22 : vector<3200x64xf32> to vector<3200x64xbf16>
      %bitcast_convert_type3A_24 = tpu.bitcast %convert_element_type3A_23 : vector<3200x64xbf16> -> vector<3200x64xi16>
      %convert_element_type3A_25 = arith.extui %bitcast_convert_type3A_24 : vector<3200x64xi16> to vector<3200x64xi32>
      %shift_left3A = arith.constant 16 : i32
      %shift_left3A_26 = vector.broadcast %shift_left3A : i32 to vector<3200x64xi32>
      %shift_left3A_27 = arith.shli %convert_element_type3A_25, %shift_left3A_26 : vector<3200x64xi32>
      %or3A = arith.ori %convert_element_type3A_21, %shift_left3A_27 : vector<3200x64xi32>
      %swap3A = arith.constant 0 : index
      %swap3A_28 = arith.constant 0 : index
      %swap3A_29 = arith.constant 0 : index
      %swap3A_30 = vector.load %arg6[%swap3A, %swap3A_28, %swap3A_29] : memref<2x3200x64xi32, #tpu.memory_space<vmem>>, vector<1x3200x64xi32>
      %swap3A_31 = vector.shape_cast %swap3A_30 : vector<1x3200x64xi32> to vector<3200x64xi32>
      %swap3A_32 = vector.shape_cast %or3A : vector<3200x64xi32> to vector<1x3200x64xi32>
      tpu.vector_store %arg6[%swap3A, %swap3A_28, %swap3A_29], %swap3A_32 {strides = array<i32>} : memref<2x3200x64xi32, #tpu.memory_space<vmem>>, vector<1x3200x64xi32>,
      %get3A_33 = arith.constant 1 : index
      %get3A_34 = arith.constant 0 : index
      %get3A_35 = arith.constant 0 : index
      %get3A_36 = vector.load %arg4[%get3A_33, %get3A_34, %get3A_35] : memref<2x16x128xf32, #tpu.memory_space<vmem>>, vector<1x16x128xf32>
      %get3A_37 = vector.shape_cast %get3A_36 : vector<1x16x128xf32> to vector<16x128xf32>
      %dot_general3A_38 = arith.constant dense<0.000000e+00> : vector<3200x128xf32>
      %dot_general3A_39 = tpu.matmul %get3A_7, %get3A_37, %dot_general3A_38 {dimension_numbers = #tpu.dot_dimension_numbers<[1], [0], [0], [1], [0, 0, 1, 1], [], []>, transpose_lhs_hint = false} : vector<3200x16xf32>, vector<16x128xf32>, vector<3200x128xf32> -> vector<3200x128xf32>
      %get3A_40 = arith.constant 1 : index
      %get3A_41 = arith.constant 0 : index
      %get3A_42 = arith.constant 0 : index
      %get3A_43 = vector.load %arg5[%get3A_40, %get3A_41, %get3A_42] : memref<2x1x128xf32, #tpu.memory_space<vmem>>, vector<1x1x128xf32>
      %get3A_44 = vector.shape_cast %get3A_43 : vector<1x1x128xf32> to vector<1x128xf32>
      %add3A_45 = vector.broadcast %get3A_44 : vector<1x128xf32> to vector<3200x128xf32>
      %add3A_46 = arith.addf %dot_general3A_39, %add3A_45 : vector<3200x128xf32>
      %slice3A_47 = vector.extract_strided_slice %add3A_46 {offsets = [0, 0], sizes = [3200, 64], strides = [1, 1]} : vector<3200x128xf32> to vector<3200x64xf32>
      %convert_element_type3A_48 = arith.truncf %slice3A_47 : vector<3200x64xf32> to vector<3200x64xbf16>
      %bitcast_convert_type3A_49 = tpu.bitcast %convert_element_type3A_48 : vector<3200x64xbf16> -> vector<3200x64xi16>
      %convert_element_type3A_50 = arith.extui %bitcast_convert_type3A_49 : vector<3200x64xi16> to vector<3200x64xi32>
      %slice3A_51 = vector.extract_strided_slice %add3A_46 {offsets = [0, 64], sizes = [3200, 64], strides = [1, 1]} : vector<3200x128xf32> to vector<3200x64xf32>
      %convert_element_type3A_52 = arith.truncf %slice3A_51 : vector<3200x64xf32> to vector<3200x64xbf16>
      %bitcast_convert_type3A_53 = tpu.bitcast %convert_element_type3A_52 : vector<3200x64xbf16> -> vector<3200x64xi16>
      %convert_element_type3A_54 = arith.extui %bitcast_convert_type3A_53 : vector<3200x64xi16> to vector<3200x64xi32>
      %shift_left3A_55 = arith.constant 16 : i32
      %shift_left3A_56 = vector.broadcast %shift_left3A_55 : i32 to vector<3200x64xi32>
      %shift_left3A_57 = arith.shli %convert_element_type3A_54, %shift_left3A_56 : vector<3200x64xi32>
      %or3A_58 = arith.ori %convert_element_type3A_50, %shift_left3A_57 : vector<3200x64xi32>
      %swap3A_59 = arith.constant 1 : index
      %swap3A_60 = arith.constant 0 : index
      %swap3A_61 = arith.constant 0 : index
      %swap3A_62 = vector.load %arg6[%swap3A_59, %swap3A_60, %swap3A_61] : memref<2x3200x64xi32, #tpu.memory_space<vmem>>, vector<1x3200x64xi32>
      %swap3A_63 = vector.shape_cast %swap3A_62 : vector<1x3200x64xi32> to vector<3200x64xi32>
      %swap3A_64 = vector.shape_cast %or3A_58 : vector<3200x64xi32> to vector<1x3200x64xi32>
      tpu.vector_store %arg6[%swap3A_59, %swap3A_60, %swap3A_61], %swap3A_64 {strides = array<i32>} : memref<2x3200x64xi32, #tpu.memory_space<vmem>>, vector<1x3200x64xi32>,
    } else {
    }
    %ge3A = arith.constant 100 : i32
    %ge3A_2 = arith.cmpi sge, %arg0, %ge3A : i32
    %convert_element_type3A_3 = arith.extui %ge3A_2 : i1 to i32
    %cond3A_4 = arith.constant 0 : i32
    %cond3A_5 = arith.cmpi ne, %convert_element_type3A_3, %cond3A_4 : i32
    scf.if %cond3A_5 {
      %get3A = arith.constant 0 : index
      %get3A_6 = arith.constant 0 : index
      %get3A_7 = vector.load %arg2[%get3A, %get3A_6] : memref<1000x128xf32, #tpu.memory_space<vmem>>, vector<1000x128xf32>
      %get3A_8 = arith.constant 0 : index
      %get3A_9 = arith.constant 0 : index
      %get3A_10 = arith.constant 0 : index
      %get3A_11 = vector.load %arg3[%get3A_8, %get3A_9, %get3A_10] : memref<4x128x128xf32, #tpu.memory_space<vmem>>, vector<1x128x128xf32>
      %get3A_12 = vector.shape_cast %get3A_11 : vector<1x128x128xf32> to vector<128x128xf32>
      %dot_general3A = arith.constant dense<0.000000e+00> : vector<1000x128xf32>
      %dot_general3A_13 = tpu.matmul %get3A_7, %get3A_12, %dot_general3A {dimension_numbers = #tpu.dot_dimension_numbers<[1], [0], [0], [1], [0, 0, 1, 1], [], []>, transpose_lhs_hint = false} : vector<1000x128xf32>, vector<128x128xf32>, vector<1000x128xf32> -> vector<1000x128xf32>
      %swap3A = arith.constant 0 : index
      %swap3A_14 = arith.constant 0 : index
      %swap3A_15 = arith.constant 0 : index
      %swap3A_16 = vector.load %arg7[%swap3A, %swap3A_14, %swap3A_15] : memref<2x1000x128xf32, #tpu.memory_space<vmem>>, vector<1x1000x128xf32>
      %swap3A_17 = vector.shape_cast %swap3A_16 : vector<1x1000x128xf32> to vector<1000x128xf32>
      %swap3A_18 = vector.shape_cast %dot_general3A_13 : vector<1000x128xf32> to vector<1x1000x128xf32>
      tpu.vector_store %arg7[%swap3A, %swap3A_14, %swap3A_15], %swap3A_18 {strides = array<i32>} : memref<2x1000x128xf32, #tpu.memory_space<vmem>>, vector<1x1000x128xf32>,
      %get3A_19 = arith.constant 1 : index
      %get3A_20 = arith.constant 0 : index
      %get3A_21 = arith.constant 0 : index
      %get3A_22 = vector.load %arg3[%get3A_19, %get3A_20, %get3A_21] : memref<4x128x128xf32, #tpu.memory_space<vmem>>, vector<1x128x128xf32>
      %get3A_23 = vector.shape_cast %get3A_22 : vector<1x128x128xf32> to vector<128x128xf32>
      %dot_general3A_24 = arith.constant dense<0.000000e+00> : vector<1000x128xf32>
      %dot_general3A_25 = tpu.matmul %get3A_7, %get3A_23, %dot_general3A_24 {dimension_numbers = #tpu.dot_dimension_numbers<[1], [0], [0], [1], [0, 0, 1, 1], [], []>, transpose_lhs_hint = false} : vector<1000x128xf32>, vector<128x128xf32>, vector<1000x128xf32> -> vector<1000x128xf32>
      %swap3A_26 = arith.constant 0 : index
      %swap3A_27 = arith.constant 0 : index
      %swap3A_28 = arith.constant 0 : index
      %swap3A_29 = vector.load %arg8[%swap3A_26, %swap3A_27, %swap3A_28] : memref<2x1000x128xf32, #tpu.memory_space<vmem>>, vector<1x1000x128xf32>
      %swap3A_30 = vector.shape_cast %swap3A_29 : vector<1x1000x128xf32> to vector<1000x128xf32>
      %swap3A_31 = vector.shape_cast %dot_general3A_25 : vector<1000x128xf32> to vector<1x1000x128xf32>
      tpu.vector_store %arg8[%swap3A_26, %swap3A_27, %swap3A_28], %swap3A_31 {strides = array<i32>} : memref<2x1000x128xf32, #tpu.memory_space<vmem>>, vector<1x1000x128xf32>,
      %get3A_32 = arith.constant 2 : index
      %get3A_33 = arith.constant 0 : index
      %get3A_34 = arith.constant 0 : index
      %get3A_35 = vector.load %arg3[%get3A_32, %get3A_33, %get3A_34] : memref<4x128x128xf32, #tpu.memory_space<vmem>>, vector<1x128x128xf32>
      %get3A_36 = vector.shape_cast %get3A_35 : vector<1x128x128xf32> to vector<128x128xf32>
      %dot_general3A_37 = arith.constant dense<0.000000e+00> : vector<1000x128xf32>
      %dot_general3A_38 = tpu.matmul %get3A_7, %get3A_36, %dot_general3A_37 {dimension_numbers = #tpu.dot_dimension_numbers<[1], [0], [0], [1], [0, 0, 1, 1], [], []>, transpose_lhs_hint = false} : vector<1000x128xf32>, vector<128x128xf32>, vector<1000x128xf32> -> vector<1000x128xf32>
      %swap3A_39 = arith.constant 1 : index
      %swap3A_40 = arith.constant 0 : index
      %swap3A_41 = arith.constant 0 : index
      %swap3A_42 = vector.load %arg7[%swap3A_39, %swap3A_40, %swap3A_41] : memref<2x1000x128xf32, #tpu.memory_space<vmem>>, vector<1x1000x128xf32>
      %swap3A_43 = vector.shape_cast %swap3A_42 : vector<1x1000x128xf32> to vector<1000x128xf32>
      %swap3A_44 = vector.shape_cast %dot_general3A_38 : vector<1000x128xf32> to vector<1x1000x128xf32>
      tpu.vector_store %arg7[%swap3A_39, %swap3A_40, %swap3A_41], %swap3A_44 {strides = array<i32>} : memref<2x1000x128xf32, #tpu.memory_space<vmem>>, vector<1x1000x128xf32>,
      %get3A_45 = arith.constant 3 : index
      %get3A_46 = arith.constant 0 : index
      %get3A_47 = arith.constant 0 : index
      %get3A_48 = vector.load %arg3[%get3A_45, %get3A_46, %get3A_47] : memref<4x128x128xf32, #tpu.memory_space<vmem>>, vector<1x128x128xf32>
      %get3A_49 = vector.shape_cast %get3A_48 : vector<1x128x128xf32> to vector<128x128xf32>
      %dot_general3A_50 = arith.constant dense<0.000000e+00> : vector<1000x128xf32>
      %dot_general3A_51 = tpu.matmul %get3A_7, %get3A_49, %dot_general3A_50 {dimension_numbers = #tpu.dot_dimension_numbers<[1], [0], [0], [1], [0, 0, 1, 1], [], []>, transpose_lhs_hint = false} : vector<1000x128xf32>, vector<128x128xf32>, vector<1000x128xf32> -> vector<1000x128xf32>
      %swap3A_52 = arith.constant 1 : index
      %swap3A_53 = arith.constant 0 : index
      %swap3A_54 = arith.constant 0 : index
      %swap3A_55 = vector.load %arg8[%swap3A_52, %swap3A_53, %swap3A_54] : memref<2x1000x128xf32, #tpu.memory_space<vmem>>, vector<1x1000x128xf32>
      %swap3A_56 = vector.shape_cast %swap3A_55 : vector<1x1000x128xf32> to vector<1000x128xf32>
      %swap3A_57 = vector.shape_cast %dot_general3A_51 : vector<1000x128xf32> to vector<1x1000x128xf32>
      tpu.vector_store %arg8[%swap3A_52, %swap3A_53, %swap3A_54], %swap3A_57 {strides = array<i32>} : memref<2x1000x128xf32, #tpu.memory_space<vmem>>, vector<1x1000x128xf32>,
    } else {
    }
    return
  }
  func.func @transform_0(%arg0: i32) -> (i32, i32) {
    %min3A = arith.constant 99 : i32
    %min3A_0 = arith.minsi %arg0, %min3A : i32
    %c0_i32 = arith.constant 0 : i32
    %c0_i32_1 = arith.constant 0 : i32
    return %min3A_0, %c0_i32 : i32, i32
  }
  func.func @transform_1(%arg0: i32) -> (i32, i32) {
    %sub3A = arith.constant 100 : i32
    %sub3A_0 = arith.subi %arg0, %sub3A : i32
    %max3A = arith.constant 0 : i32
    %max3A_1 = arith.maxsi %sub3A_0, %max3A : i32
    %c0_i32 = arith.constant 0 : i32
    %c0_i32_2 = arith.constant 0 : i32
    return %max3A_1, %c0_i32 : i32, i32
  }
  func.func @transform_2(%arg0: i32) -> (i32, i32, i32) {
    %c0_i32 = arith.constant 0 : i32
    %c0_i32_0 = arith.constant 0 : i32
    %c0_i32_1 = arith.constant 0 : i32
    %c0_i32_2 = arith.constant 0 : i32
    return %c0_i32, %c0_i32_0, %c0_i32_1 : i32, i32, i32
  }
  func.func @transform_3(%arg0: i32) -> (i32, i32, i32) {
    %c0_i32 = arith.constant 0 : i32
    %c0_i32_0 = arith.constant 0 : i32
    %c0_i32_1 = arith.constant 0 : i32
    %c0_i32_2 = arith.constant 0 : i32
    return %c0_i32, %c0_i32_0, %c0_i32_1 : i32, i32, i32
  }
  func.func @transform_4(%arg0: i32) -> (i32, i32, i32) {
    %c0_i32 = arith.constant 0 : i32
    %c0_i32_0 = arith.constant 0 : i32
    %c0_i32_1 = arith.constant 0 : i32
    %c0_i32_2 = arith.constant 0 : i32
    return %c0_i32, %c0_i32_0, %c0_i32_1 : i32, i32, i32
  }
  func.func @transform_5(%arg0: i32) -> (i32, i32, i32) {
    %min3A = arith.constant 99 : i32
    %min3A_0 = arith.minsi %arg0, %min3A : i32
    %c0_i32 = arith.constant 0 : i32
    %c0_i32_1 = arith.constant 0 : i32
    %c0_i32_2 = arith.constant 0 : i32
    return %c0_i32, %min3A_0, %c0_i32_1 : i32, i32, i32
  }
  func.func @transform_6(%arg0: i32) -> (i32, i32, i32) {
    %sub3A = arith.constant 100 : i32
    %sub3A_0 = arith.subi %arg0, %sub3A : i32
    %max3A = arith.constant 0 : i32
    %max3A_1 = arith.maxsi %sub3A_0, %max3A : i32
    %c0_i32 = arith.constant 0 : i32
    %c0_i32_2 = arith.constant 0 : i32
    %c0_i32_3 = arith.constant 0 : i32
    return %c0_i32, %max3A_1, %c0_i32_2 : i32, i32, i32
  }
  func.func @transform_7(%arg0: i32) -> (i32, i32, i32) {
    %sub3A = arith.constant 100 : i32
    %sub3A_0 = arith.subi %arg0, %sub3A : i32
    %max3A = arith.constant 0 : i32
    %max3A_1 = arith.maxsi %sub3A_0, %max3A : i32
    %c0_i32 = arith.constant 0 : i32
    %c0_i32_2 = arith.constant 0 : i32
    %c0_i32_3 = arith.constant 0 : i32
    return %c0_i32, %max3A_1, %c0_i32_2 : i32, i32, i32
  }
}

module attributes {stable_mosaic.version = 14 : i64} {
  func.func @_update_body(%arg0: i32, %arg1: memref<1000x128xf32, #tpu.memory_space<vmem>>, %arg2: memref<2x1000x128xf32, #tpu.memory_space<vmem>>, %arg3: memref<4x128x128xf32, #tpu.memory_space<vmem>>, %arg4: memref<2x1x128xf32, #tpu.memory_space<vmem>>, %arg5: memref<2xf32, #tpu.memory_space<smem>>, %arg6: memref<1000x128xf32, #tpu.memory_space<vmem>>) attributes {dimension_semantics = [#tpu.dimension_semantics<arbitrary>], iteration_bounds = array<i64: 10>, scalar_prefetch = 0 : i64, scratch_operands = 0 : i64, tpu.core_type = #tpu.core_type<tc>, window_params = [{transform_indices = @transform_0, window_bounds = array<i64: 1000, 128>}, {transform_indices = @transform_1, window_bounds = array<i64: 2, 1000, 128>}, {pipeline_mode = #tpu.pipeline_mode<synchronous>, transform_indices = @transform_2, window_bounds = array<i64: 4, 128, 128>}, {pipeline_mode = #tpu.pipeline_mode<synchronous>, transform_indices = @transform_3, window_bounds = array<i64: 2, 1, 128>}, {transform_indices = @transform_4, window_bounds = array<i64: 2>}, {transform_indices = @transform_5, window_bounds = array<i64: 1000, 128>}]} {
    %get3A = arith.constant 0 : index
    %get3A_0 = arith.constant 0 : index
    %get3A_1 = vector.load %arg1[%get3A, %get3A_0] : memref<1000x128xf32, #tpu.memory_space<vmem>>, vector<1000x128xf32>
    %get3A_2 = arith.constant 0 : index
    %get3A_3 = arith.constant 0 : index
    %get3A_4 = arith.constant 0 : index
    %get3A_5 = vector.load %arg3[%get3A_2, %get3A_3, %get3A_4] : memref<4x128x128xf32, #tpu.memory_space<vmem>>, vector<1x128x128xf32>
    %get3A_6 = vector.shape_cast %get3A_5 : vector<1x128x128xf32> to vector<128x128xf32>
    %dot_general3A = arith.constant dense<0.000000e+00> : vector<1000x128xf32>
    %dot_general3A_7 = tpu.matmul %get3A_1, %get3A_6, %dot_general3A {dimension_numbers = #tpu.dot_dimension_numbers<[1], [0], [0], [1], [0, 0, 1, 1], [], []>, transpose_lhs_hint = false} : vector<1000x128xf32>, vector<128x128xf32>, vector<1000x128xf32> -> vector<1000x128xf32>
    %get3A_8 = arith.constant 0 : index
    %get3A_9 = arith.constant 0 : index
    %get3A_10 = arith.constant 0 : index
    %get3A_11 = vector.load %arg2[%get3A_8, %get3A_9, %get3A_10] : memref<2x1000x128xf32, #tpu.memory_space<vmem>>, vector<1x1000x128xf32>
    %get3A_12 = vector.shape_cast %get3A_11 : vector<1x1000x128xf32> to vector<1000x128xf32>
    %get3A_13 = arith.constant 1 : index
    %get3A_14 = arith.constant 0 : index
    %get3A_15 = arith.constant 0 : index
    %get3A_16 = vector.load %arg3[%get3A_13, %get3A_14, %get3A_15] : memref<4x128x128xf32, #tpu.memory_space<vmem>>, vector<1x128x128xf32>
    %get3A_17 = vector.shape_cast %get3A_16 : vector<1x128x128xf32> to vector<128x128xf32>
    %dot_general3A_18 = arith.constant dense<0.000000e+00> : vector<1000x128xf32>
    %dot_general3A_19 = tpu.matmul %get3A_12, %get3A_17, %dot_general3A_18 {dimension_numbers = #tpu.dot_dimension_numbers<[1], [0], [0], [1], [0, 0, 1, 1], [], []>, transpose_lhs_hint = false} : vector<1000x128xf32>, vector<128x128xf32>, vector<1000x128xf32> -> vector<1000x128xf32>
    %add3A = arith.addf %dot_general3A_7, %dot_general3A_19 : vector<1000x128xf32>
    %get3A_20 = arith.constant 0 : index
    %get3A_21 = arith.constant 0 : index
    %get3A_22 = arith.constant 0 : index
    %get3A_23 = vector.load %arg4[%get3A_20, %get3A_21, %get3A_22] : memref<2x1x128xf32, #tpu.memory_space<vmem>>, vector<1x1x128xf32>
    %get3A_24 = vector.shape_cast %get3A_23 : vector<1x1x128xf32> to vector<1x128xf32>
    %add3A_25 = vector.broadcast %get3A_24 : vector<1x128xf32> to vector<1000x128xf32>
    %add3A_26 = arith.addf %add3A, %add3A_25 : vector<1000x128xf32>
    %get3A_27 = arith.constant 2 : index
    %get3A_28 = arith.constant 0 : index
    %get3A_29 = arith.constant 0 : index
    %get3A_30 = vector.load %arg3[%get3A_27, %get3A_28, %get3A_29] : memref<4x128x128xf32, #tpu.memory_space<vmem>>, vector<1x128x128xf32>
    %get3A_31 = vector.shape_cast %get3A_30 : vector<1x128x128xf32> to vector<128x128xf32>
    %dot_general3A_32 = arith.constant dense<0.000000e+00> : vector<1000x128xf32>
    %dot_general3A_33 = tpu.matmul %get3A_1, %get3A_31, %dot_general3A_32 {dimension_numbers = #tpu.dot_dimension_numbers<[1], [0], [0], [1], [0, 0, 1, 1], [], []>, transpose_lhs_hint = false} : vector<1000x128xf32>, vector<128x128xf32>, vector<1000x128xf32> -> vector<1000x128xf32>
    %get3A_34 = arith.constant 1 : index
    %get3A_35 = arith.constant 0 : index
    %get3A_36 = arith.constant 0 : index
    %get3A_37 = vector.load %arg2[%get3A_34, %get3A_35, %get3A_36] : memref<2x1000x128xf32, #tpu.memory_space<vmem>>, vector<1x1000x128xf32>
    %get3A_38 = vector.shape_cast %get3A_37 : vector<1x1000x128xf32> to vector<1000x128xf32>
    %get3A_39 = arith.constant 3 : index
    %get3A_40 = arith.constant 0 : index
    %get3A_41 = arith.constant 0 : index
    %get3A_42 = vector.load %arg3[%get3A_39, %get3A_40, %get3A_41] : memref<4x128x128xf32, #tpu.memory_space<vmem>>, vector<1x128x128xf32>
    %get3A_43 = vector.shape_cast %get3A_42 : vector<1x128x128xf32> to vector<128x128xf32>
    %dot_general3A_44 = arith.constant dense<0.000000e+00> : vector<1000x128xf32>
    %dot_general3A_45 = tpu.matmul %get3A_38, %get3A_43, %dot_general3A_44 {dimension_numbers = #tpu.dot_dimension_numbers<[1], [0], [0], [1], [0, 0, 1, 1], [], []>, transpose_lhs_hint = false} : vector<1000x128xf32>, vector<128x128xf32>, vector<1000x128xf32> -> vector<1000x128xf32>
    %add3A_46 = arith.addf %dot_general3A_33, %dot_general3A_45 : vector<1000x128xf32>
    %get3A_47 = arith.constant 1 : index
    %get3A_48 = arith.constant 0 : index
    %get3A_49 = arith.constant 0 : index
    %get3A_50 = vector.load %arg4[%get3A_47, %get3A_48, %get3A_49] : memref<2x1x128xf32, #tpu.memory_space<vmem>>, vector<1x1x128xf32>
    %get3A_51 = vector.shape_cast %get3A_50 : vector<1x1x128xf32> to vector<1x128xf32>
    %add3A_52 = vector.broadcast %get3A_51 : vector<1x128xf32> to vector<1000x128xf32>
    %add3A_53 = arith.addf %add3A_46, %add3A_52 : vector<1000x128xf32>
    %get3A_54 = arith.constant 0 : index
    %get3A_55 = memref.load %arg5[%get3A_54] : memref<2xf32, #tpu.memory_space<smem>>
    %max3A = arith.constant 0.000000e+00 : f32
    %max3A_56 = vector.broadcast %max3A : f32 to vector<1000x128xf32>
    %max3A_57 = arith.maximumf %add3A_26, %max3A_56 : vector<1000x128xf32>
    %mul3A = vector.broadcast %get3A_55 : f32 to vector<1000x128xf32>
    %mul3A_58 = arith.mulf %mul3A, %max3A_57 : vector<1000x128xf32>
    %get3A_59 = arith.constant 1 : index
    %get3A_60 = memref.load %arg5[%get3A_59] : memref<2xf32, #tpu.memory_space<smem>>
    %max3A_61 = arith.constant 0.000000e+00 : f32
    %max3A_62 = vector.broadcast %max3A_61 : f32 to vector<1000x128xf32>
    %max3A_63 = arith.maximumf %add3A_53, %max3A_62 : vector<1000x128xf32>
    %mul3A_64 = vector.broadcast %get3A_60 : f32 to vector<1000x128xf32>
    %mul3A_65 = arith.mulf %mul3A_64, %max3A_63 : vector<1000x128xf32>
    %add3A_66 = arith.addf %mul3A_58, %mul3A_65 : vector<1000x128xf32>
    %swap3A = arith.constant 0 : index
    %swap3A_67 = arith.constant 0 : index
    %swap3A_68 = vector.load %arg6[%swap3A, %swap3A_67] : memref<1000x128xf32, #tpu.memory_space<vmem>>, vector<1000x128xf32>
    tpu.vector_store %arg6[%swap3A, %swap3A_67], %add3A_66 {strides = array<i32>} : memref<1000x128xf32, #tpu.memory_space<vmem>>, vector<1000x128xf32>,
    return
  }
  func.func @transform_0(%arg0: i32) -> (i32, i32) {
    %c0_i32 = arith.constant 0 : i32
    %c0_i32_0 = arith.constant 0 : i32
    return %arg0, %c0_i32 : i32, i32
  }
  func.func @transform_1(%arg0: i32) -> (i32, i32, i32) {
    %c0_i32 = arith.constant 0 : i32
    %c0_i32_0 = arith.constant 0 : i32
    %c0_i32_1 = arith.constant 0 : i32
    return %c0_i32, %arg0, %c0_i32_0 : i32, i32, i32
  }
  func.func @transform_2(%arg0: i32) -> (i32, i32, i32) {
    %c0_i32 = arith.constant 0 : i32
    %c0_i32_0 = arith.constant 0 : i32
    %c0_i32_1 = arith.constant 0 : i32
    %c0_i32_2 = arith.constant 0 : i32
    return %c0_i32, %c0_i32_0, %c0_i32_1 : i32, i32, i32
  }
  func.func @transform_3(%arg0: i32) -> (i32, i32, i32) {
    %c0_i32 = arith.constant 0 : i32
    %c0_i32_0 = arith.constant 0 : i32
    %c0_i32_1 = arith.constant 0 : i32
    %c0_i32_2 = arith.constant 0 : i32
    return %c0_i32, %c0_i32_0, %c0_i32_1 : i32, i32, i32
  }
  func.func @transform_4(%arg0: i32) -> i32 {
    %c0_i32 = arith.constant 0 : i32
    %c0_i32_0 = arith.constant 0 : i32
    return %c0_i32 : i32
  }
  func.func @transform_5(%arg0: i32) -> (i32, i32) {
    %c0_i32 = arith.constant 0 : i32
    %c0_i32_0 = arith.constant 0 : i32
    return %arg0, %c0_i32 : i32, i32
  }
}

</mosaic_0001>

<sc_bundles>
// kernel: kernel.5.cloned.1.call-start
scs
__scs_entry_jumppad:
0x0: {  	(pc) =	sbr.rel $0x88, $3  }
0x1: {  	(tag) =	ssettag $0x0;
	lr =	simm.s32 $0x1  }
0x2: {  	[smem:$0x3F94] =	sst lr;
	_ =	strace $0xD0000000  }
0x3: {  	_ = 	snop  }
0x4: {  	_ = 	snop  }
0x5: {  	_ = 	snop  }
0x6: {  	_ = 	snop  }
0x7: {  	_ = 	snop  }
__scs_overlays_trampoline_lowered:
0x8: {  	[smem:$0x3FA3] =	sst s0  }
0x9: {  	[smem:$0x3FA4] =	sst s1  }
0xa: {  	[smem:$0x3FA5] =	sst s2  }
0xb: {  	[smem:$0x3FA6] =	sst s3  }
0xc: {  	[smem:$0x3FA7] =	sst s4  }
0xd: {  	[smem:$0x3FA8] =	sst s5  }
0xe: {  	[smem:$0x3FA9] =	sst s6  }
0xf: {  	[smem:$0x3FAA] =	sst s7  }
0x10: {  	[smem:$0x3FAB] =	sst s8  }
0x11: {  	[smem:$0x3FAC] =	sst s9;
	s0 =	simm.s32 @!p0 $0x0  }
0x12: {  	s1 =	sld [smem:$0x3F92];
	s0 =	simm.s32 @p0 $0x1  }
0x13: {  	[smem:$0x3FAD] =	sst s0;
	s0 =	simm.s32 @!p1 $0x0  }
0x14: {  	s2 =	sld [smem:$0x3F91];
	s0 =	simm.s32 @p1 $0x1  }
0x15: {  	[smem:$0x3FAE] =	sst s0;
	s0 =	simm.s32 @!p2 $0x0  }
0x16: {  	s3 =	sld [smem:$0x3FDB];
	s0 =	simm.s32 @p2 $0x1  }
0x17: {  	s4 =	simm.s32 $0x1BF5;
	[smem:$0x3FB0] =	sst s0  }
0x18: {  	s0 =	sld [smem:$0x3F93];
	_ =	swait.ge [sflag:s4], $0x0  }
0x19: {  	s7 =	sld [smem:$0x3F94]  }
0x1a: {  	s8 =	sadd.s32 $0xFFFFE003, lr  }
0x1b: {  	s9 =	sadd.s32 $0xFFFFFEF7, lr;
	s5 =	simm.s32 $0xFFFFFFFF;
	p2 =	slt.u32 s8, $0xFFFFF086  }
0x1c: {  	p1 =	slt.u32 s9, $0xF7A;
	s5 =	simm.s32 @!p2 $0x0  }
0x1d: {  	s5 =	simm.s32 @p1 $0x1;
	p0 =	seq.s32 s7, s2  }
0x1e: {  	s7 =	smul.u32 @!p0 $0xF7A, s2;
	p2 =	seq.s32 @!p0 s5, $0x0  }
0x1f: {  	s9 =	smul.u32 $0xF7A, s1;
	s8 =	simm.s32 @!p0 $0x1BF5;
	p2 =	por !p2, p0  }
0x20: {  	[sflag:s8] =	ssyncset.s32 @!p0 $0xFFFFF086;
	s6 =	sadd.s32 @!p0 s3, s7;
	s7 =	simm.s32 @!p0 $0x108  }
0x21: {  	s3 =	sadd.s32 s3, s9;
	s6 =	sadd.s32 @!p0 $0x88, s6;
	s7 =	simm.s32 @p2 $0x1082  }
0x22: {  	[simem:s7], [sflag:s8] =	dma.local @!p0 [hbm:s6], $0xF7A  }
0x23: {  	s9 =	sor.u32 $0xD0000000, s2;
	s6 =	simm.s32 $0x108;
	_ =	swait.ge @!p0 [sflag:s8], $0x0  }
0x24: {  	s3 =	sadd.s32 $0x88, s3;
	s6 =	simm.s32 @!p1 $0x1082;
	[sflag:s4] =	ssyncset.s32 $0xFFFFF086  }
0x25: {  	[simem:s6], [sflag:s4] =	dma.local [hbm:s3], $0xF7A  }
0x26: {  	[smem:$0x3F94] =	sst s1;
	(tag) =	ssettag s2;
	_ =	strace s9  }
0x27: {  	s1 =	sld [smem:$0x3FA4]  }
0x28: {  	s2 =	sld [smem:$0x3FA5]  }
0x29: {  	s4 =	sld [smem:$0x3FA7]  }
0x2a: {  	p0 =	seq.s32 s5, $0x0;
	s5 =	sld [smem:$0x3FA8]  }
0x2b: {  	s6 =	sld [smem:$0x3FA9]  }
0x2c: {  	s7 =	sld [smem:$0x3FAA]  }
0x2d: {  	s3 =	simm.s32 $0x108;
	s8 =	sld [smem:$0x3FAB]  }
0x2e: {  	s3 =	simm.s32 @!p0 $0x1082;
	s9 =	sld [smem:$0x3FAC]  }
0x2f: {  	lr =	sadd.s32 s0, s3;
	s0 =	sld [smem:$0x3FA3]  }
0x30: {  	s3 =	sld [smem:$0x3FA6]  }
0x31: {  	[smem:$0x3FAF] =	sst s10  }
0x32: {  	s10 =	sld [smem:$0x3FAD];
	_ =	sdelay $0x3  }
0x33: {  	p0 =	seq.s32 s10, $0x1;
	s10 =	sld [smem:$0x3FAF];
	_ =	sdelay $0x3  }
0x34: {  	[smem:$0x3FAF] =	sst s10  }
0x35: {  	s10 =	sld [smem:$0x3FAE];
	_ =	sdelay $0x3  }
0x36: {  	p1 =	seq.s32 s10, $0x1;
	s10 =	sld [smem:$0x3FAF];
	_ =	sdelay $0x3  }
0x37: {  	[smem:$0x3FAF] =	sst s10  }
0x38: {  	s10 =	sld [smem:$0x3FB0]  }
0x39: {  	_ = 	snop;
	(pc) =	sbr.ind lr, $3  }
0x3a: {  	_ = 	snop  }
0x3b: {  	_ = 	snop  }
0x3c: {  	p2 =	seq.s32 s10, $0x1;
	s10 =	sld [smem:$0x3FAF]  }
0x3d: {  	_ =	shalt  }
0x3e: {  	_ =	shalt  }
0x3f: {  	_ =	shalt  }
0x40: {  	_ =	shalt  }
0x41: {  	_ =	shalt  }
0x42: {  	_ =	shalt  }
0x43: {  	_ =	shalt  }
0x44: {  	_ =	shalt  }
0x45: {  	_ =	shalt  }
0x46: {  	_ =	shalt  }
0x47: {  	_ =	shalt  }
0x48: {  	_ =	shalt  }
0x49: {  	_ =	shalt  }
0x4a: {  	_ =	shalt  }
0x4b: {  	_ =	shalt  }
0x4c: {  	_ =	shalt  }
0x4d: {  	_ =	shalt  }
0x4e: {  	_ =	shalt  }
0x4f: {  	_ =	shalt  }
0x50: {  	_ =	shalt  }
0x51: {  	_ =	shalt  }
0x52: {  	_ =	shalt  }
0x53: {  	_ =	shalt  }
0x54: {  	_ =	shalt  }
0x55: {  	_ =	shalt  }
0x56: {  	_ =	shalt  }
0x57: {  	_ =	shalt  }
0x58: {  	_ =	shalt  }
0x59: {  	_ =	shalt  }
0x5a: {  	_ =	shalt  }
0x5b: {  	_ =	shalt  }
0x5c: {  	_ =	shalt  }
0x5d: {  	_ =	shalt  }
0x5e: {  	_ =	shalt  }
0x5f: {  	_ =	shalt  }
0x60: {  	_ =	shalt  }
0x61: {  	_ =	shalt  }
0x62: {  	_ =	shalt  }
0x63: {  	_ =	shalt  }
0x64: {  	_ =	shalt  }
0x65: {  	_ =	shalt  }
0x66: {  	_ =	shalt  }
0x67: {  	_ =	shalt  }
0x68: {  	_ =	shalt  }
0x69: {  	_ =	shalt  }
0x6a: {  	_ =	shalt  }
0x6b: {  	_ =	shalt  }
0x6c: {  	_ =	shalt  }
0x6d: {  	_ =	shalt  }
0x6e: {  	_ =	shalt  }
0x6f: {  	_ =	shalt  }
0x70: {  	_ =	shalt  }
0x71: {  	_ =	shalt  }
0x72: {  	_ =	shalt  }
0x73: {  	_ =	shalt  }
0x74: {  	_ =	shalt  }
0x75: {  	_ =	shalt  }
0x76: {  	_ =	shalt  }
0x77: {  	_ =	shalt  }
0x78: {  	_ =	shalt  }
0x79: {  	_ =	shalt  }
0x7a: {  	_ =	shalt  }
0x7b: {  	_ =	shalt  }
0x7c: {  	_ =	shalt  }
0x7d: {  	_ =	shalt  }
0x7e: {  	_ =	shalt  }
0x7f: {  	_ =	shalt  }
0x80: {  	_ =	shalt  }
0x81: {  	_ =	shalt  }
0x82: {  	_ =	shalt  }
0x83: {  	_ =	shalt  }
0x84: {  	_ =	shalt  }
0x85: {  	_ =	shalt  }
0x86: {  	_ =	shalt  }
0x87: {  	_ =	shalt  }
.Lfunc_end0:
.L_simem_size_0:
called_computation_lowered:
.L_overlay_start_0:
0x88: {  	s2 =	sld [smem:$0x3FD9]  }
0x89: {  	s3 =	sld [smem:$0x3FFE];
	_ =	sdelay $0x1  }
0x8a: {  	s1 =	srdreg.scid  }
0x8b: {  	s0 =	sand.u32 $0x1, s1  }
0x8c: {  	s16 =	sshll.u32 s0, $0xA;
	s2 =	sadd.s32 s3, s2  }
0x8d: {  	s2 =	sadd.s32 s2, s16  }
0x8e: {  	[smem:$0x3FBB] =	sst s2  }
0x8f: {  	_ = 	snop  }
0x90: {  	(tm) =	ssettm $0x1  }
0x91: {  	s17 =	sld [smem:$0x3FFB];
	_ =	sdelay $0x3  }
0x92: {  	_ =	strace s17  }
0x93: {  	s2 =	sld [smem:$0x3FFC];
	_ =	sdelay $0x3  }
0x94: {  	_ =	strace s2  }
0x95: {  	s2 =	sld [smem:$0x3FFD];
	_ =	sdelay $0x3  }
0x96: {  	_ =	strace s2  }
0x97: {  	_ =	strace $0x8FFFFFFF  }
0x98: {  	s18 =	sld [smem:$0x3FDB];
	_ =	sdelay $0x1  }
0x99: {  	s19 =	simm.s32 $_scs_section_size  }
0x9a: {  	s4 =	simm.s32 $_size__tile_overlayer_lowered;
	s5 =	simm.s32 $_tile_overlayer_lowered  }
0x9b: {  	s22 =	simm.s32 $0x1BFF;
	s21 =	sshll.u32 s5, $0x1;
	s2 =	sadd.s32 s19, s18  }
0x9c: {  	s6 =	simm.s32 $0x0;
	s20 =	sshll.u32 s4, $0x1;
	s4 =	sadd.s32 s21, s2  }
0x9d: {  	[timem:s6], [sflag:s22] =	dma.local [hbm:s4], s20  }
0x9e: {  	_ =	swait.ge [sflag:s22], s20  }
0x9f: {  	s3 =	ssub.s32 $0x0, s20;
	[sflag:s22] =	ssyncset.done $0x0  }
0xa0: {  	[sflag:s22] =	ssyncadd.s32 s3;
	_ =	sdelay $0x1  }
0xa1: {  	s23 =	simm.s32 $0x1B8B  }
0xa2: {  	_ =	swait.ge [sflag:s23], $0x1  }
0xa3: {  	[sflag:s23] =	ssyncset.done $0x0  }
0xa4: {  	s25 =	simm.s32 $0x1B8E;
	s24 =	sld [smem:$0x3FFE];
	[sflag:s23] =	ssyncadd.s32 $0xFFFFFFFF  }
0xa5: {  	s26 =	simm.s32 $execute0_lowered;
	[smem:$0x3FD2] =	sst s25  }
0xa6: {  	s4 =	sshll.u32 s26, $0x1;
	_ =	strace $0x80000046;
	[dreg:$0x1] =	wrdreg $0xFFFFFFFF  }
0xa7: {  	s28 =	simm.s32 $_size_execute0_lowered;
	s2 =	sadd.s32 s2, s4;
	[dreg:$0x0] =	wrdreg $0x0  }
0xa8: {  	s4 =	sshll.u32 s28, $0x1;
	[dreg:$0x2] =	wrdreg s2  }
0xa9: {  	[dreg:$0x3] =	wrdreg s4  }
0xaa: {  	[dreg:$0x4] =	wrdreg $0xC0  }
0xab: {  	_ =	task [dreg:s6], $0x5FFFF  }
0xac: {  	[dreg:$0x1] =	wrdreg $0xFFFFFFFF  }
0xad: {  	[dreg:$0x0] =	wrdreg $0x60  }
0xae: {  	[dreg:$0x2] =	wrdreg s24  }
0xaf: {  	[dreg:$0x3] =	wrdreg $0xAC000  }
0xb0: {  	[dreg:$0x4] =	wrdreg $0x9  }
0xb1: {  	_ =	task.clear_ibuf [dreg:s6], $0x5FFFF;
	_ =	strace $0x90000046  }
0xb2: {  	s29 =	simm.s32 $0x9;
	_ =	strace $0x80000048  }
0xb3: {  	_ =	swait.ge [sflag:s29], $0x1  }
0xb4: {  	[sflag:s29] =	ssyncadd.s32 $0xFFFFFFFF  }
0xb5: {  	_ =	strace $0x90000048  }
0xb6: {  	_ =	sfence  }
0xb7: {  	s30 =	sld [smem:$0x0];
	_ =	sdelay $0x2  }
0xb8: {  	s31 =	sshll.u32 s1, $0xD;
	s1 =	sshrl.u32 s1, $0x2  }
0xb9: {  	s3 =	sand.u32 $0x4000, s31;
	s1 =	sadd.s32 s1, s30  }
0xba: {  	s0 =	sor.u32 s3, s0;
	s1 =	sshll.u32 s1, $0x11  }
0xbb: {  	s0 =	sor.u32 s1, s0  }
0xbc: {  	s0 =	sadd.s32 $0x8F2B, s0  }
0xbd: {  	[sflag:s0] =	ssyncadd.remote.s32 $0x1  }
0xbe: {  	_ =	sfence.sel $0xFFFF  }
0xbf: {  	[dreg:$0x0] =	wrdreg $0xFFFFFFFF;
	(pc) =	sbr.abs _section_cstart, $3  }
0xc0: {  	[dreg:$0x1] =	wrdreg $0xFFFFFFFF  }
0xc1: {  	_ =	task.clear_ibuf [dreg:s6], $0x2FFFF;
	_ =	strace $0x9FFFFFFF  }
0xc2: {  	(tm) =	ssettm $0x7FFFFFFF  }
0xc3: {  	_ =	shalt  }
tec
execute0_lowered:
.L_overlay_start_1:
0x0: {  	(tag) =	ssettag $0x1  }
0x1: {  	s0 =	rddreg [dreg:$0x0]  }
0x2: {  	s1 =	rddreg [dreg:$0x1]  }
0x3: {  	s2 =	srdreg.scid;
	s26 =	simm.s32 $0x0;
	s8 =	stileid.u32  }
0x4: {  	s31 =	simm.s32 $0x9800;
	s28 =	simm.s32 $0x0;
	s7 =	smul.u32 $0x14000, s8  }
0x5: {  	[smem:$0x7FF] =	sst s26;
	s6 =	smul.u32 $0x50000, s8;
	s9 =	sadd.s32 $0x4E4200, s0  }
0x6: {  	s25 =	sadd.s32 $0x50C200, s0;
	_ =	strace $0x80000047;
	[dreg:$0x5] =	wrdreg s9  }
0x7: {  	s2 =	sand.u32 $0x1, s2;
	[dreg:$0x6] =	wrdreg s25;
	s6 =	sshrl.u32 s6, $0x2  }
0x8: {  	s5 =	sadd.s32 $0x534200, s0;
	[dreg:$0x4] =	wrdreg s7;
	s6 =	sadd.s32 s6, s1  }
0x9: {  	s9 =	smul.u32 $0x4E20, s8;
	s8 =	sadd.s32 $0x1400, s6;
	[dreg:$0x7] =	wrdreg s6  }
0xa: {  	s3 =	smul.u32 $0x27100, s2;
	s10 =	sadd.s32 $0x2800, s6;
	[dreg:$0x8] =	wrdreg s8  }
0xb: {  	s4 =	smul.u32 $0x140000, s2;
	s11 =	sadd.s32 $0x3C00, s6;
	[dreg:$0x9] =	wrdreg s10  }
0xc: {  	s29 =	ssub.s32 $0x2, s2;
	s12 =	sadd.s32 $0x5000, s6;
	[dreg:$0xa] =	wrdreg s11  }
0xd: {  	s23 =	smul.u32 $0x2710000, s2;
	s13 =	sadd.s32 $0x6400, s6;
	[dreg:$0xb] =	wrdreg s12  }
0xe: {  	s2 =	simm.s32 $0x1000;
	s14 =	sadd.s32 $0x7800, s6;
	[dreg:$0xc] =	wrdreg s13  }
0xf: {  	s30 =	sshrl.u32 s29, $0x1;
	s15 =	sadd.s32 $0x8C00, s6;
	[dreg:$0xd] =	wrdreg s14  }
0x10: {  	s3 =	sadd.s32 s3, s0;
	s16 =	sadd.s32 $0xA000, s6;
	[dreg:$0xe] =	wrdreg s15  }
0x11: {  	s4 =	sadd.s32 s7, s4;
	s17 =	sadd.s32 $0xB400, s6;
	[dreg:$0xf] =	wrdreg s16  }
0x12: {  	s4 =	sshrl.u32 s4, $0x3;
	s18 =	sadd.s32 $0xC800, s6;
	[dreg:$0x10] =	wrdreg s17  }
0x13: {  	s19 =	sadd.s32 $0xDC00, s6;
	s21 =	sadd.s32 $0x2200, s3;
	[dreg:$0x11] =	wrdreg s18  }
0x14: {  	s22 =	sadd.s32 $0xEF8200, s3;
	s24 =	sadd.s32 $0xF000, s6;
	[dreg:$0x12] =	wrdreg s19  }
0x15: {  	s25 =	sadd.s32 $0x10400, s6;
	s0 =	sadd.s32 s4, s0;
	[dreg:$0x15] =	wrdreg s24  }
0x16: {  	s4 =	ssub.s32 s29, s30;
	[dreg:$0x16] =	wrdreg s25;
	s29 =	sadd.s32 $0x11800, s6  }
0x17: {  	s30 =	sadd.s32 $0x12C00, s6;
	s10 =	simm.s32 $0x28;
	s11 =	simm.s32 $0x2000  }
0x18: {  	s12 =	simm.s32 $0x3400;
	s13 =	simm.s32 $0x4800;
	s14 =	simm.s32 $0x5C00  }
0x19: {  	s15 =	simm.s32 $0x7000;
	s16 =	simm.s32 $0x8400;
	s17 =	simm.s32 $0x1  }
0x1a: {  	s18 =	simm.s32 $0x2;
	s19 =	simm.s32 $0x3;
	[dreg:$0x17] =	wrdreg s29  }
0x1b: {  	s24 =	simm.s32 $0x5;
	s0 =	sadd.s32 $0x50400, s0;
	[dreg:$0x18] =	wrdreg s30  }
0x1c: {  	s25 =	simm.s32 $0x6;
	s20 =	smax.u32 s4, $0x1;
	[dreg:$0x13] =	wrdreg s0  }
0x1d: {  	v0 =	vimm.f32 $0.0e+00;
	[dreg:$0x14] =	wrdreg s20;
	s0 =	simm.s32 $0x7;
	s20 =	simm.s32 $0x4  }
.LBB2_1:
0x1e: {  	[dreg:$0x3] =	wrdreg s26;
	s3 =	simm.s32 $0x0;
	s4 =	simm.s32 $0x200  }
.LBB2_2:
0x1f: {  	p0 =	sne.s32 s4, $0x4E00;
	[tilespmem:s3+$0x9870] =	vst v0  }
0x20: {  	[tilespmem:s3+$0x9800] =	vst v0  }
0x21: {  	[tilespmem:s3+$0x9810] =	vst v0  }
.Ltmp0:
0x22: {  	[tilespmem:s3+$0x9820] =	vst v0;
	(pc) =	sbr.rel @p0 .LBB2_2-.Ltmp0, $4  }
0x23: {  	[tilespmem:s3+$0x9830] =	vst v0  }
0x24: {  	[tilespmem:s3+$0x9840] =	vst v0  }
0x25: {  	[tilespmem:s3+$0x9850] =	vst v0  }
0x26: {  	[tilespmem:s3+$0x9860] =	vst v0;
	s3 =	sshra.s32 s4, $0x2;
	s4 =	sadd.s32 $0x200, s4  }
0x27: {  	[tilespmem:s3+$0x9870] =	vst v0  }
0x28: {  	[tilespmem:s3+$0x9800] =	vst v0  }
0x29: {  	[tilespmem:s3+$0x9810] =	vst v0  }
0x2a: {  	[tilespmem:s3+$0x9820] =	vst v0  }
0x2b: {  	[tilespmem:s3+$0x9830] =	vst v0  }
0x2c: {  	[tilespmem:s3+$0x9840] =	vst v0  }
0x2d: {  	[tilespmem:s3+$0x9850] =	vst v0  }
0x2e: {  	[tilespmem:s3+$0x9860] =	vst v0  }
0x2f: {  	[spmem:s6] =	stream.linear.scatter [tilespmem:s31], [sflag:$0x7], $0x1400, $0x38;
	[tilespmem:$0x1EC00] =	vst v63  }
0x30: {  	_ =	swait.ge [sflag:s0], $0x1400  }
0x31: {  	[sflag:s0] =	ssyncset.done $0x0  }
0x32: {  	s8 =	rddreg [dreg:$0x8];
	[sflag:s0] =	ssyncadd.s32 $0xFFFFEC00  }
0x33: {  	[spmem:s8] =	stream.linear.scatter [tilespmem:s31], [sflag:$0x7], $0x1400, $0x38;
	[tilespmem:$0x1EC00] =	vst v63  }
0x34: {  	_ =	swait.ge [sflag:s0], $0x1400  }
0x35: {  	[sflag:s0] =	ssyncset.done $0x0  }
0x36: {  	s26 =	rddreg [dreg:$0x9];
	[sflag:s0] =	ssyncadd.s32 $0xFFFFEC00  }
0x37: {  	[spmem:s26] =	stream.linear.scatter [tilespmem:s31], [sflag:$0x7], $0x1400, $0x38;
	[tilespmem:$0x1EC00] =	vst v63  }
0x38: {  	_ =	swait.ge [sflag:s0], $0x1400  }
0x39: {  	[sflag:s0] =	ssyncset.done $0x0  }
0x3a: {  	s30 =	rddreg [dreg:$0xa];
	[sflag:s0] =	ssyncadd.s32 $0xFFFFEC00  }
0x3b: {  	[spmem:s30] =	stream.linear.scatter [tilespmem:s31], [sflag:$0x7], $0x1400, $0x38;
	[tilespmem:$0x1EC00] =	vst v63  }
0x3c: {  	_ =	swait.ge [sflag:s0], $0x1400  }
0x3d: {  	[sflag:s0] =	ssyncset.done $0x0  }
0x3e: {  	s4 =	rddreg [dreg:$0xb];
	[sflag:s0] =	ssyncadd.s32 $0xFFFFEC00  }
0x3f: {  	[spmem:s4] =	stream.linear.scatter [tilespmem:s31], [sflag:$0x7], $0x1400, $0x38;
	[tilespmem:$0x1EC00] =	vst v63  }
0x40: {  	_ =	swait.ge [sflag:s0], $0x1400  }
0x41: {  	[sflag:s0] =	ssyncset.done $0x0  }
0x42: {  	s6 =	rddreg [dreg:$0xc];
	[sflag:s0] =	ssyncadd.s32 $0xFFFFEC00  }
0x43: {  	[spmem:s6] =	stream.linear.scatter [tilespmem:s31], [sflag:$0x7], $0x1400, $0x38;
	[tilespmem:$0x1EC00] =	vst v63  }
0x44: {  	_ =	swait.ge [sflag:s0], $0x1400  }
0x45: {  	[sflag:s0] =	ssyncset.done $0x0  }
0x46: {  	s7 =	rddreg [dreg:$0xd];
	[sflag:s0] =	ssyncadd.s32 $0xFFFFEC00  }
0x47: {  	[spmem:s7] =	stream.linear.scatter [tilespmem:s31], [sflag:$0x7], $0x1400, $0x38;
	[tilespmem:$0x1EC00] =	vst v63  }
0x48: {  	_ =	swait.ge [sflag:s0], $0x1400  }
0x49: {  	[sflag:s0] =	ssyncset.done $0x0  }
0x4a: {  	s8 =	rddreg [dreg:$0xe];
	[sflag:s0] =	ssyncadd.s32 $0xFFFFEC00  }
0x4b: {  	[spmem:s8] =	stream.linear.scatter [tilespmem:s31], [sflag:$0x7], $0x1400, $0x38;
	[tilespmem:$0x1EC00] =	vst v63  }
0x4c: {  	_ =	swait.ge [sflag:s0], $0x1400  }
0x4d: {  	[sflag:s0] =	ssyncset.done $0x0  }
0x4e: {  	s26 =	rddreg [dreg:$0xf];
	[sflag:s0] =	ssyncadd.s32 $0xFFFFEC00  }
0x4f: {  	[spmem:s26] =	stream.linear.scatter [tilespmem:s31], [sflag:$0x7], $0x1400, $0x38;
	[tilespmem:$0x1EC00] =	vst v63  }
0x50: {  	_ =	swait.ge [sflag:s0], $0x1400  }
0x51: {  	[sflag:s0] =	ssyncset.done $0x0  }
0x52: {  	s30 =	rddreg [dreg:$0x10];
	[sflag:s0] =	ssyncadd.s32 $0xFFFFEC00  }
0x53: {  	[spmem:s30] =	stream.linear.scatter [tilespmem:s31], [sflag:$0x7], $0x1400, $0x38;
	[tilespmem:$0x1EC00] =	vst v63  }
0x54: {  	_ =	swait.ge [sflag:s0], $0x1400  }
0x55: {  	[sflag:s0] =	ssyncset.done $0x0  }
0x56: {  	s4 =	rddreg [dreg:$0x11];
	[sflag:s0] =	ssyncadd.s32 $0xFFFFEC00  }
0x57: {  	[spmem:s4] =	stream.linear.scatter [tilespmem:s31], [sflag:$0x7], $0x1400, $0x38;
	[tilespmem:$0x1EC00] =	vst v63  }
0x58: {  	_ =	swait.ge [sflag:s0], $0x1400  }
0x59: {  	[sflag:s0] =	ssyncset.done $0x0  }
0x5a: {  	s6 =	rddreg [dreg:$0x12];
	[sflag:s0] =	ssyncadd.s32 $0xFFFFEC00  }
0x5b: {  	[spmem:s6] =	stream.linear.scatter [tilespmem:s31], [sflag:$0x7], $0x1400, $0x38;
	[tilespmem:$0x1EC00] =	vst v63  }
0x5c: {  	_ =	swait.ge [sflag:s0], $0x1400  }
0x5d: {  	[sflag:s0] =	ssyncset.done $0x0  }
0x5e: {  	s7 =	rddreg [dreg:$0x15];
	[sflag:s0] =	ssyncadd.s32 $0xFFFFEC00  }
0x5f: {  	[spmem:s7] =	stream.linear.scatter [tilespmem:s31], [sflag:$0x7], $0x1400, $0x38;
	[tilespmem:$0x1EC00] =	vst v63  }
0x60: {  	_ =	swait.ge [sflag:s0], $0x1400  }
0x61: {  	[sflag:s0] =	ssyncset.done $0x0  }
0x62: {  	s8 =	rddreg [dreg:$0x16];
	[sflag:s0] =	ssyncadd.s32 $0xFFFFEC00  }
0x63: {  	[spmem:s8] =	stream.linear.scatter [tilespmem:s31], [sflag:$0x7], $0x1400, $0x38;
	[tilespmem:$0x1EC00] =	vst v63  }
0x64: {  	_ =	swait.ge [sflag:s0], $0x1400  }
0x65: {  	[sflag:s0] =	ssyncset.done $0x0  }
0x66: {  	s26 =	rddreg [dreg:$0x17];
	[sflag:s0] =	ssyncadd.s32 $0xFFFFEC00  }
0x67: {  	[spmem:s26] =	stream.linear.scatter [tilespmem:s31], [sflag:$0x7], $0x1400, $0x38;
	[tilespmem:$0x1EC00] =	vst v63  }
0x68: {  	_ =	swait.ge [sflag:s0], $0x1400  }
0x69: {  	[sflag:s0] =	ssyncset.done $0x0  }
0x6a: {  	s30 =	rddreg [dreg:$0x18];
	[sflag:s0] =	ssyncadd.s32 $0xFFFFEC00  }
0x6b: {  	[spmem:s30] =	stream.linear.scatter [tilespmem:s31], [sflag:$0x7], $0x1400, $0x38;
	[tilespmem:$0x1EC00] =	vst v63  }
0x6c: {  	_ =	swait.ge [sflag:s0], $0x1400  }
0x6d: {  	[sflag:s0] =	ssyncset.done $0x0  }
0x6e: {  	[sflag:s0] =	ssyncadd.s32 $0xFFFFEC00  }
0x6f: {  	s29 =	simm.s32 $0x0;
	[bflag:$0x0] =	sbarrier.arrive $0xFFFF  }
.LBB2_4:
0x70: {  	s3 =	sshll.u32 s29, $0xC;
	s4 =	rddreg [dreg:$0x4]  }
0x71: {  	s3 =	sadd.s32 s4, s3  }
0x72: {  	s7 =	rddreg [dreg:$0x5];
	s3 =	sshrl.u32 s3, $0x3  }
0x73: {  	s4 =	sadd.s32 s7, s3  }
0x74: {  	[tilespmem:s28], [sflag:$0x7] =	stream.linear.gather [hbm4b:s4+s28], $0xC80, $0x38;
	[tilespmem:$0x1EC00] =	vst v63  }
0x75: {  	_ =	swait.ge [sflag:s0], $0xC80  }
0x76: {  	[sflag:s0] =	ssyncset.done $0x0;
	s8 =	rddreg [dreg:$0x6]  }
0x77: {  	s26 =	smul.u32 $0x3E8, s29;
	[sflag:s0] =	ssyncadd.s32 $0xFFFFF380;
	s3 =	sadd.s32 s8, s3  }
0x78: {  	[tilespmem:s2], [sflag:$0x7] =	stream.linear.gather [hbm4b:s3+s28], $0xC80, $0x38;
	[tilespmem:$0x1EC00] =	vst v63  }
0x79: {  	s3 =	sadd.s32 s9, s26;
	_ =	swait.ge [sflag:s0], $0xC80  }
0x7a: {  	s3 =	sshll.u32 s3, $0x7;
	[sflag:s0] =	ssyncset.done $0x0  }
0x7b: {  	s3 =	sadd.s32 s23, s3;
	[sflag:s0] =	ssyncadd.s32 $0xFFFFF380  }
0x7c: {  	[tilespmem:s11], [sflag:$0x1] =	stream.indirect.gather [hbm4b:s21+s10], $0x80, s28, s10, $0xb8;
	[tilespmem:$0x1EC00] =	vst v63  }
0x7d: {  	s3 =	sshrl.u32 s3, $0x3  }
0x7e: {  	[tilespmem:s12], [sflag:$0x2] =	stream.indirect.gather [hbm4b:s22+s10], $0x80, s2, s10, $0xb8;
	[tilespmem:$0x1EC00] =	vst v63  }
0x7f: {  	s30 =	smul.u32 $0x19, s29;
	s8 =	simm.s32 $0x0;
	s3 =	sadd.s32 s5, s3  }
0x80: {  	[tilespmem:s13], [sflag:$0x3] =	stream.linear.gather [hbm4b:s3+s28], $0x1400, $0x38;
	[tilespmem:$0x1EC00] =	vst v63  }
.LBB2_5:
0x81: {  	s3 =	sshllo.u32 s8, $0x1  }
0x82: {  	s4 =	sshll.u32 s3, $0x7;
	s6 =	sadd.s32 s30, s3  }
0x83: {  	[tilespmem:s14], [sflag:$0x4] =	stream.indirect.gather [hbm4b:s21+s10], $0x80, s4, s10, $0xb8;
	[tilespmem:$0x1EC00] =	vst v63  }
0x84: {  	s3 =	sadd.s32 $0x1000, s4;
	s7 =	smul.u32 $0x28, s6  }
0x85: {  	[tilespmem:s15], [sflag:$0x5] =	stream.indirect.gather [hbm4b:s22+s10], $0x80, s3, s10, $0xb8;
	[tilespmem:$0x1EC00] =	vst v63  }
0x86: {  	s4 =	sadd.s32 s9, s7  }
0x87: {  	s4 =	sshll.u32 s4, $0x7  }
0x88: {  	s4 =	sadd.s32 s23, s4  }
0x89: {  	s4 =	sshrl.u32 s4, $0x3  }
0x8a: {  	s26 =	simm.s32 $0x0;
	s4 =	sadd.s32 s5, s4  }
0x8b: {  	[tilespmem:s16], [sflag:$0x6] =	stream.linear.gather [hbm4b:s4+s26], $0x1400, $0x38;
	[tilespmem:$0x1EC00] =	vst v63  }
0x8c: {  	_ =	swait.ge [sflag:s17], $0x1400  }
0x8d: {  	[sflag:s17] =	ssyncset.done $0x0  }
0x8e: {  	[sflag:s17] =	ssyncadd.s32 $0xFFFFEC00  }
0x8f: {  	_ =	swait.ge [sflag:s18], $0x1400  }
0x90: {  	[sflag:s18] =	ssyncset.done $0x0  }
0x91: {  	[sflag:s18] =	ssyncadd.s32 $0xFFFFEC00  }
0x92: {  	_ =	swait.ge [sflag:s19], $0x1400  }
0x93: {  	[sflag:s19] =	ssyncset.done $0x0  }
0x94: {  	s6 =	simm.s32 $0x0;
	[sflag:s19] =	ssyncadd.s32 $0xFFFFEC00  }
0x95: {  	v1 =	vld [tilespmem:s6+$0x2070]  }
0x96: {  	v2 =	vld [tilespmem:s6+$0x3470]  }
0x97: {  	v11 =	vld [tilespmem:s6+$0x4830]  }
0x98: {  	v3 =	vld [tilespmem:s6+$0x2000]  }
0x99: {  	v4 =	vld [tilespmem:s6+$0x3400]  }
0x9a: {  	v5 =	vld [tilespmem:s6+$0x2040]  }
0x9b: {  	v8 =	vld [tilespmem:s6+$0x3440]  }
0x9c: {  	v9 =	vld [tilespmem:s6+$0x3410]  }
0x9d: {  	v10 =	vld [tilespmem:s6+$0x2050]  }
0x9e: {  	v14 =	vld [tilespmem:s6+$0x3450]  }
0x9f: {  	v15 =	vld [tilespmem:s6+$0x2020];
	v1 =	vadd.f32 v2, v1  }
0xa0: {  	v16 =	vld [tilespmem:s6+$0x2060];
	v6 =	vand.u32 $0xFFFF0000, v11  }
0xa1: {  	v17 =	vld [tilespmem:s6+$0x3460];
	v1 =	vadd.f32 v6, v1  }
0xa2: {  	v7 =	vld [tilespmem:s6+$0x3430]  }
0xa3: {  	v2 =	vld [tilespmem:s6+$0x2010];
	v1 =	vmax.f32 v1, $0.0e+00  }
0xa4: {  	[tilespmem:s6+$0x9870] =	vst v1;
	v1 =	vld [tilespmem:s6+$0x3420]  }
0xa5: {  	v6 =	vld [tilespmem:s6+$0x2030]  }
0xa6: {  	v13 =	vld [tilespmem:s6+$0x4800]  }
0xa7: {  	v12 =	vld [tilespmem:s6+$0x4810];
	v4 =	vadd.f32 v4, v3;
	v8 =	vadd.f32 v8, v5  }
0xa8: {  	s4 =	simm.s32 $0x80;
	v5 =	vadd.f32 v9, v2;
	v9 =	vadd.f32 v14, v10;
	v10 =	vld [tilespmem:s6+$0x4820]  }
0xa9: {  	s7 =	simm.s32 $0x400;
	s26 =	sshll.u32 s8, $0x1;
	v2 =	vadd.f32 v17, v16;
	v3 =	vadd.f32 v1, v15;
	v1 =	vshll.u32 v11, $0x10;
	v11 =	vld [tilespmem:s4+$0x2070]  }
.LBB2_6:
0xaa: {  	p0 =	sne.s32 s7, $0x4E00;
	v14 =	vld [tilespmem:s4+$0x3470];
	v6 =	vadd.f32 v7, v6  }
0xab: {  	v7 =	vld [tilespmem:s4+$0x4830];
	v15 =	vshll.u32 v13, $0x10;
	v13 =	vand.u32 $0xFFFF0000, v13  }
0xac: {  	v16 =	vld [tilespmem:s4+$0x2000];
	v4 =	vadd.f32 v15, v4;
	v15 =	vshll.u32 v12, $0x10;
	v12 =	vand.u32 $0xFFFF0000, v12  }
0xad: {  	v8 =	vadd.f32 v13, v8;
	v17 =	vld [tilespmem:s4+$0x3400];
	v13 =	vshll.u32 v10, $0x10;
	v10 =	vand.u32 $0xFFFF0000, v10  }
0xae: {  	v5 =	vadd.f32 v15, v5;
	v9 =	vadd.f32 v12, v9;
	v18 =	vld [tilespmem:s4+$0x2040];
	v4 =	vmax.f32 v4, $0.0e+00  }
0xaf: {  	v3 =	vadd.f32 v13, v3;
	v12 =	vld [tilespmem:s4+$0x3440];
	v11 =	vadd.f32 v14, v11;
	[tilespmem:s6+$0x9800] =	vst v4;
	v4 =	vmax.f32 v8, $0.0e+00  }
0xb0: {  	v2 =	vadd.f32 v10, v2;
	v13 =	vld [tilespmem:s4+$0x2010];
	v8 =	vshll.u32 v7, $0x10;
	v7 =	vand.u32 $0xFFFF0000, v7;
	[tilespmem:s6+$0x9840] =	vst v4  }
0xb1: {  	v6 =	vadd.f32 v1, v6;
	v5 =	vmax.f32 v5, $0.0e+00;
	v10 =	vld [tilespmem:s4+$0x3410];
	v7 =	vadd.f32 v7, v11;
	v1 =	vmovc v8  }
0xb2: {  	v3 =	vmax.f32 v3, $0.0e+00;
	v4 =	vadd.f32 v17, v16;
	v11 =	vld [tilespmem:s4+$0x2050];
	[tilespmem:s6+$0x9810] =	vst v5;
	v5 =	vmax.f32 v9, $0.0e+00  }
0xb3: {  	v6 =	vmax.f32 v6, $0.0e+00;
	v2 =	vmax.f32 v2, $0.0e+00;
	v9 =	vld [tilespmem:s4+$0x3450];
	v7 =	vmax.f32 v7, $0.0e+00;
	[tilespmem:s6+$0x9850] =	vst v5  }
0xb4: {  	v8 =	vadd.f32 v12, v18;
	v12 =	vld [tilespmem:s4+$0x2020];
	[tilespmem:s4+$0x9870] =	vst v7  }
0xb5: {  	v14 =	vld [tilespmem:s4+$0x3420];
	[tilespmem:s6+$0x9820] =	vst v3  }
0xb6: {  	v5 =	vadd.f32 v10, v13;
	v15 =	vld [tilespmem:s4+$0x2060];
	[tilespmem:s6+$0x9860] =	vst v2  }
0xb7: {  	v2 =	vld [tilespmem:s4+$0x3460];
	[tilespmem:s6+$0x9830] =	vst v6;
	s6 =	smov.u32 s4  }
0xb8: {  	v9 =	vadd.f32 v9, v11;
	v6 =	vld [tilespmem:s6+$0x2030]  }
.Ltmp1:
0xb9: {  	v7 =	vld [tilespmem:s6+$0x3430];
	(pc) =	sbr.rel @p0 .LBB2_6-.Ltmp1, $4  }
0xba: {  	v13 =	vld [tilespmem:s6+$0x4800];
	v3 =	vadd.f32 v14, v12  }
0xbb: {  	v12 =	vld [tilespmem:s6+$0x4810]  }
0xbc: {  	s4 =	sshra.s32 s7, $0x2;
	v10 =	vld [tilespmem:s6+$0x4820];
	v2 =	vadd.f32 v2, v15  }
0xbd: {  	s7 =	sadd.s32 $0x200, s7;
	v11 =	vld [tilespmem:s4+$0x2070]  }
0xbe: {  	v14 =	vld [tilespmem:s4+$0x3470]  }
0xbf: {  	v15 =	vld [tilespmem:s4+$0x4830];
	v16 =	vshll.u32 v13, $0x10  }
0xc0: {  	v17 =	vld [tilespmem:s4+$0x2000];
	v4 =	vadd.f32 v16, v4  }
0xc1: {  	v60 =	vld [tilespmem:s4+$0x3400];
	v13 =	vand.u32 $0xFFFF0000, v13  }
0xc2: {  	v18 =	vld [tilespmem:s4+$0x2040];
	v8 =	vadd.f32 v13, v8;
	v4 =	vmax.f32 v4, $0.0e+00  }
0xc3: {  	v13 =	vld [tilespmem:s4+$0x3440];
	[tilespmem:s6+$0x9800] =	vst v4;
	v4 =	vshll.u32 v12, $0x10  }
0xc4: {  	v8 =	vmax.f32 v8, $0.0e+00;
	v4 =	vadd.f32 v4, v5;
	v5 =	vand.u32 $0xFFFF0000, v12  }
0xc5: {  	v19 =	vld [tilespmem:s4+$0x2010];
	[tilespmem:s6+$0x9840] =	vst v8;
	v5 =	vadd.f32 v5, v9;
	v9 =	vadd.f32 v14, v11  }
0xc6: {  	v12 =	vand.u32 $0xFFFF0000, v15;
	v8 =	vld [tilespmem:s4+$0x3410];
	v4 =	vmax.f32 v4, $0.0e+00  }
0xc7: {  	v11 =	vld [tilespmem:s4+$0x2050];
	[tilespmem:s6+$0x9810] =	vst v4;
	v4 =	vadd.f32 v12, v9  }
0xc8: {  	v5 =	vmax.f32 v5, $0.0e+00  }
0xc9: {  	v12 =	vshll.u32 v10, $0x10;
	v9 =	vld [tilespmem:s4+$0x3450];
	[tilespmem:s6+$0x9850] =	vst v5;
	v4 =	vmax.f32 v4, $0.0e+00  }
0xca: {  	v10 =	vand.u32 $0xFFFF0000, v10;
	v3 =	vadd.f32 v12, v3;
	[tilespmem:s4+$0x9870] =	vst v4;
	v4 =	vadd.f32 v7, v6  }
0xcb: {  	v2 =	vadd.f32 v10, v2  }
0xcc: {  	v5 =	vld [tilespmem:s4+$0x2020];
	v3 =	vmax.f32 v3, $0.0e+00;
	v1 =	vadd.f32 v1, v4  }
0xcd: {  	v6 =	vld [tilespmem:s4+$0x3420];
	v2 =	vmax.f32 v2, $0.0e+00;
	[tilespmem:s6+$0x9820] =	vst v3  }
0xce: {  	v3 =	vld [tilespmem:s4+$0x2060];
	[tilespmem:s6+$0x9860] =	vst v2;
	v1 =	vmax.f32 v1, $0.0e+00  }
0xcf: {  	v2 =	vld [tilespmem:s4+$0x3460];
	[tilespmem:s6+$0x9830] =	vst v1  }
0xd0: {  	v1 =	vld [tilespmem:s4+$0x2030]  }
0xd1: {  	v4 =	vld [tilespmem:s4+$0x4800]  }
0xd2: {  	v7 =	vld [tilespmem:s4+$0x3430]  }
0xd3: {  	v10 =	vld [tilespmem:s4+$0x4810]  }
0xd4: {  	v13 =	vadd.f32 v13, v18  }
0xd5: {  	v12 =	vadd.f32 v60, v17;
	v8 =	vadd.f32 v8, v19;
	v14 =	vld [tilespmem:s4+$0x4820]  }
0xd6: {  	v9 =	vadd.f32 v9, v11;
	v5 =	vadd.f32 v6, v5;
	v6 =	vshll.u32 v4, $0x10  }
0xd7: {  	v2 =	vadd.f32 v2, v3;
	v3 =	vand.u32 $0xFFFF0000, v4;
	v4 =	vadd.f32 v6, v12  }
0xd8: {  	v1 =	vadd.f32 v7, v1;
	v6 =	vshll.u32 v10, $0x10;
	v3 =	vadd.f32 v3, v13  }
0xd9: {  	v7 =	vand.u32 $0xFFFF0000, v10;
	v6 =	vadd.f32 v6, v8;
	v4 =	vmax.f32 v4, $0.0e+00  }
0xda: {  	v7 =	vadd.f32 v7, v9;
	v8 =	vshll.u32 v14, $0x10;
	v3 =	vmax.f32 v3, $0.0e+00;
	[tilespmem:s4+$0x9800] =	vst v4  }
0xdb: {  	v5 =	vadd.f32 v8, v5;
	v4 =	vand.u32 $0xFFFF0000, v14;
	[tilespmem:s4+$0x9840] =	vst v3;
	v3 =	vmax.f32 v6, $0.0e+00  }
0xdc: {  	v6 =	vshll.u32 v15, $0x10;
	v2 =	vadd.f32 v4, v2;
	[tilespmem:s4+$0x9810] =	vst v3;
	v3 =	vmax.f32 v7, $0.0e+00  }
0xdd: {  	s7 =	sshll.u32 s8, $0x8;
	v1 =	vadd.f32 v6, v1;
	v4 =	vmax.f32 v5, $0.0e+00;
	[tilespmem:s4+$0x9850] =	vst v3  }
0xde: {  	s6 =	sand.u32 $0x3FFFFF00, s7;
	[tilespmem:s4+$0x9820] =	vst v4;
	v2 =	vmax.f32 v2, $0.0e+00  }
0xdf: {  	s7 =	sadd.s32 $0x1000, s6;
	s6 =	sadd.s32 $0x2, s26;
	v1 =	vmax.f32 v1, $0.0e+00;
	[tilespmem:s4+$0x9860] =	vst v2  }
0xe0: {  	[tilespmem:s4+$0x9830] =	vst v1;
	s4 =	sadd.s32 s30, s6  }
0xe1: {  	[spmem:s1] =	stream.indirect.scatter.add.f32 [tilespmem:s31], [sflag:$0x7], $0x80, s7, s10, $0xb8;
	[tilespmem:$0x1EC00] =	vst v63  }
0xe2: {  	s4 =	smul.u32 $0x28, s4  }
0xe3: {  	_ =	swait.ge [sflag:s0], $0x1400  }
0xe4: {  	[sflag:s0] =	ssyncset.done $0x0;
	s4 =	sadd.s32 s9, s4  }
0xe5: {  	s7 =	sshll.u32 s6, $0x7;
	[sflag:s0] =	ssyncadd.s32 $0xFFFFEC00;
	s4 =	sshll.u32 s4, $0x7  }
0xe6: {  	[tilespmem:s11], [sflag:$0x1] =	stream.indirect.gather [hbm4b:s21+s10], $0x80, s7, s10, $0xb8;
	[tilespmem:$0x1EC00] =	vst v63  }
0xe7: {  	s4 =	sadd.s32 s23, s4  }
0xe8: {  	s6 =	sadd.s32 $0x1000, s7;
	s4 =	sshrl.u32 s4, $0x3  }
0xe9: {  	[tilespmem:s12], [sflag:$0x2] =	stream.indirect.gather [hbm4b:s22+s10], $0x80, s6, s10, $0xb8;
	[tilespmem:$0x1EC00] =	vst v63  }
0xea: {  	s26 =	simm.s32 $0x0;
	s4 =	sadd.s32 s5, s4  }
0xeb: {  	[tilespmem:s13], [sflag:$0x3] =	stream.linear.gather [hbm4b:s4+s26], $0x1400, $0x38;
	[tilespmem:$0x1EC00] =	vst v63  }
0xec: {  	_ =	swait.ge [sflag:s20], $0x1400  }
0xed: {  	[sflag:s20] =	ssyncset.done $0x0  }
0xee: {  	[sflag:s20] =	ssyncadd.s32 $0xFFFFEC00  }
0xef: {  	_ =	swait.ge [sflag:s24], $0x1400  }
0xf0: {  	[sflag:s24] =	ssyncset.done $0x0  }
0xf1: {  	[sflag:s24] =	ssyncadd.s32 $0xFFFFEC00  }
0xf2: {  	_ =	swait.ge [sflag:s25], $0x1400  }
0xf3: {  	[sflag:s25] =	ssyncset.done $0x0  }
0xf4: {  	s4 =	simm.s32 $0x0;
	[sflag:s25] =	ssyncadd.s32 $0xFFFFEC00  }
0xf5: {  	v1 =	vld [tilespmem:s4+$0x5C70]  }
0xf6: {  	v2 =	vld [tilespmem:s4+$0x7070]  }
0xf7: {  	v3 =	vld [tilespmem:s4+$0x8430]  }
0xf8: {  	v4 =	vld [tilespmem:s4+$0x5C00]  }
0xf9: {  	v5 =	vld [tilespmem:s4+$0x7000]  }
0xfa: {  	v8 =	vld [tilespmem:s4+$0x5C40]  }
0xfb: {  	v9 =	vld [tilespmem:s4+$0x7040]  }
0xfc: {  	v10 =	vld [tilespmem:s4+$0x7010]  }
0xfd: {  	v11 =	vld [tilespmem:s4+$0x5C50]  }
0xfe: {  	v14 =	vld [tilespmem:s4+$0x7050]  }
0xff: {  	v15 =	vld [tilespmem:s4+$0x5C20]  }
0x100: {  	v61 =	vld [tilespmem:s4+$0x7020]  }
0x101: {  	v62 =	vld [tilespmem:s4+$0x5C60]  }
0x102: {  	v63 =	vld [tilespmem:s4+$0x7060]  }
0x103: {  	v1 =	vadd.f32 v2, v1;
	v2 =	vld [tilespmem:s4+$0x5C10]  }
0x104: {  	v7 =	vld [tilespmem:s4+$0x7030];
	v6 =	vand.u32 $0xFFFF0000, v3  }
0x105: {  	v1 =	vadd.f32 v6, v1;
	v6 =	vld [tilespmem:s4+$0x5C30]  }
0x106: {  	v13 =	vld [tilespmem:s4+$0x8400]  }
0x107: {  	v12 =	vld [tilespmem:s4+$0x8410];
	v4 =	vadd.f32 v5, v4;
	v8 =	vadd.f32 v9, v8;
	v1 =	vmax.f32 v1, $0.0e+00  }
0x108: {  	s6 =	simm.s32 $0x80;
	v9 =	vadd.f32 v14, v11;
	[tilespmem:s4+$0x9870] =	vst v1;
	v5 =	vadd.f32 v10, v2;
	v10 =	vld [tilespmem:s4+$0x8420]  }
0x109: {  	s7 =	simm.s32 $0x400;
	v1 =	vshll.u32 v3, $0x10;
	v3 =	vadd.f32 v61, v15;
	v2 =	vadd.f32 v63, v62;
	v11 =	vld [tilespmem:s6+$0x5C70]  }
.LBB2_8:
0x10a: {  	p0 =	sne.s32 s7, $0x4E00;
	v14 =	vld [tilespmem:s6+$0x7070];
	v6 =	vadd.f32 v7, v6  }
0x10b: {  	v7 =	vld [tilespmem:s6+$0x8430];
	v15 =	vshll.u32 v13, $0x10;
	v13 =	vand.u32 $0xFFFF0000, v13  }
0x10c: {  	v16 =	vld [tilespmem:s6+$0x5C00];
	v4 =	vadd.f32 v15, v4;
	v15 =	vshll.u32 v12, $0x10;
	v12 =	vand.u32 $0xFFFF0000, v12  }
0x10d: {  	v8 =	vadd.f32 v13, v8;
	v17 =	vld [tilespmem:s6+$0x7000];
	v13 =	vshll.u32 v10, $0x10;
	v10 =	vand.u32 $0xFFFF0000, v10  }
0x10e: {  	v5 =	vadd.f32 v15, v5;
	v9 =	vadd.f32 v12, v9;
	v18 =	vld [tilespmem:s6+$0x5C40];
	v4 =	vmax.f32 v4, $0.0e+00  }
0x10f: {  	v3 =	vadd.f32 v13, v3;
	v12 =	vld [tilespmem:s6+$0x7040];
	v11 =	vadd.f32 v14, v11;
	[tilespmem:s4+$0x9800] =	vst v4;
	v4 =	vmax.f32 v8, $0.0e+00  }
0x110: {  	v2 =	vadd.f32 v10, v2;
	v13 =	vld [tilespmem:s6+$0x5C10];
	v8 =	vshll.u32 v7, $0x10;
	v7 =	vand.u32 $0xFFFF0000, v7;
	[tilespmem:s4+$0x9840] =	vst v4  }
0x111: {  	v6 =	vadd.f32 v1, v6;
	v5 =	vmax.f32 v5, $0.0e+00;
	v10 =	vld [tilespmem:s6+$0x7010];
	v7 =	vadd.f32 v7, v11;
	v1 =	vmovc v8  }
0x112: {  	v3 =	vmax.f32 v3, $0.0e+00;
	v4 =	vadd.f32 v17, v16;
	v11 =	vld [tilespmem:s6+$0x5C50];
	[tilespmem:s4+$0x9810] =	vst v5;
	v5 =	vmax.f32 v9, $0.0e+00  }
0x113: {  	v6 =	vmax.f32 v6, $0.0e+00;
	v2 =	vmax.f32 v2, $0.0e+00;
	v9 =	vld [tilespmem:s6+$0x7050];
	v7 =	vmax.f32 v7, $0.0e+00;
	[tilespmem:s4+$0x9850] =	vst v5  }
0x114: {  	v8 =	vadd.f32 v12, v18;
	v12 =	vld [tilespmem:s6+$0x5C20];
	[tilespmem:s6+$0x9870] =	vst v7  }
0x115: {  	v14 =	vld [tilespmem:s6+$0x7020];
	[tilespmem:s4+$0x9820] =	vst v3  }
0x116: {  	v5 =	vadd.f32 v10, v13;
	v15 =	vld [tilespmem:s6+$0x5C60];
	[tilespmem:s4+$0x9860] =	vst v2  }
0x117: {  	v2 =	vld [tilespmem:s6+$0x7060];
	[tilespmem:s4+$0x9830] =	vst v6;
	s4 =	smov.u32 s6  }
0x118: {  	v9 =	vadd.f32 v9, v11;
	v6 =	vld [tilespmem:s4+$0x5C30]  }
.Ltmp2:
0x119: {  	v7 =	vld [tilespmem:s4+$0x7030];
	(pc) =	sbr.rel @p0 .LBB2_8-.Ltmp2, $4  }
0x11a: {  	v13 =	vld [tilespmem:s4+$0x8400];
	v3 =	vadd.f32 v14, v12  }
0x11b: {  	v12 =	vld [tilespmem:s4+$0x8410]  }
0x11c: {  	s6 =	sshra.s32 s7, $0x2;
	v10 =	vld [tilespmem:s4+$0x8420];
	v2 =	vadd.f32 v2, v15  }
0x11d: {  	s7 =	sadd.s32 $0x200, s7;
	v11 =	vld [tilespmem:s6+$0x5C70]  }
0x11e: {  	v14 =	vld [tilespmem:s6+$0x7070]  }
0x11f: {  	v15 =	vld [tilespmem:s6+$0x8430];
	v16 =	vshll.u32 v13, $0x10  }
0x120: {  	v17 =	vld [tilespmem:s6+$0x5C00];
	v38 =	vand.u32 $0xFFFF0000, v13;
	v4 =	vadd.f32 v16, v4  }
0x121: {  	v37 =	vld [tilespmem:s6+$0x7000];
	v8 =	vadd.f32 v38, v8  }
0x122: {  	v18 =	vld [tilespmem:s6+$0x5C40];
	v40 =	vshll.u32 v12, $0x10;
	v41 =	vand.u32 $0xFFFF0000, v12;
	v4 =	vmax.f32 v4, $0.0e+00  }
0x123: {  	v39 =	vld [tilespmem:s6+$0x7040];
	v8 =	vmax.f32 v8, $0.0e+00;
	[tilespmem:s4+$0x9800] =	vst v4;
	v4 =	vadd.f32 v40, v5;
	v42 =	vadd.f32 v14, v11  }
0x124: {  	v49 =	vadd.f32 v7, v6;
	v5 =	vadd.f32 v41, v9;
	v44 =	vand.u32 $0xFFFF0000, v15;
	v19 =	vld [tilespmem:s6+$0x5C10];
	[tilespmem:s4+$0x9840] =	vst v8  }
0x125: {  	v47 =	vshll.u32 v10, $0x10;
	v8 =	vld [tilespmem:s6+$0x7010];
	v4 =	vmax.f32 v4, $0.0e+00;
	v45 =	vadd.f32 v44, v42  }
0x126: {  	v48 =	vand.u32 $0xFFFF0000, v10;
	v3 =	vadd.f32 v47, v3;
	v43 =	vld [tilespmem:s6+$0x5C50];
	v5 =	vmax.f32 v5, $0.0e+00;
	[tilespmem:s4+$0x9810] =	vst v4  }
0x127: {  	v2 =	vadd.f32 v48, v2;
	v46 =	vld [tilespmem:s6+$0x7050];
	[tilespmem:s4+$0x9850] =	vst v5;
	v4 =	vmax.f32 v45, $0.0e+00  }
0x128: {  	v1 =	vadd.f32 v1, v49;
	v3 =	vmax.f32 v3, $0.0e+00;
	v5 =	vld [tilespmem:s6+$0x5C20];
	[tilespmem:s6+$0x9870] =	vst v4  }
0x129: {  	v2 =	vmax.f32 v2, $0.0e+00;
	v50 =	vld [tilespmem:s6+$0x7020];
	[tilespmem:s4+$0x9820] =	vst v3  }
0x12a: {  	v1 =	vmax.f32 v1, $0.0e+00;
	v3 =	vld [tilespmem:s6+$0x5C60];
	[tilespmem:s4+$0x9860] =	vst v2  }
0x12b: {  	v2 =	vld [tilespmem:s6+$0x7060];
	[tilespmem:s4+$0x9830] =	vst v1  }
0x12c: {  	v1 =	vld [tilespmem:s6+$0x5C30]  }
0x12d: {  	v51 =	vld [tilespmem:s6+$0x8400]  }
0x12e: {  	v52 =	vld [tilespmem:s6+$0x7030]  }
0x12f: {  	v55 =	vld [tilespmem:s6+$0x8420];
	_ =	sdelay $0x1  }
0x130: {  	v54 =	vadd.f32 v37, v17;
	v13 =	vadd.f32 v39, v18;
	v62 =	vshll.u32 v15, $0x10;
	v53 =	vld [tilespmem:s6+$0x8410]  }
0x131: {  	v8 =	vadd.f32 v8, v19;
	v5 =	vadd.f32 v50, v5;
	v56 =	vshll.u32 v51, $0x10  }
0x132: {  	v2 =	vadd.f32 v2, v3;
	v3 =	vand.u32 $0xFFFF0000, v51;
	v57 =	vadd.f32 v56, v54  }
0x133: {  	v1 =	vadd.f32 v52, v1;
	v60 =	vshll.u32 v55, $0x10;
	v3 =	vadd.f32 v3, v13  }
0x134: {  	v61 =	vand.u32 $0xFFFF0000, v55;
	v5 =	vadd.f32 v60, v5;
	v4 =	vmax.f32 v57, $0.0e+00  }
0x135: {  	v58 =	vshll.u32 v53, $0x10;
	v2 =	vadd.f32 v61, v2;
	v3 =	vmax.f32 v3, $0.0e+00;
	[tilespmem:s6+$0x9800] =	vst v4  }
0x136: {  	v9 =	vadd.f32 v46, v43;
	v6 =	vadd.f32 v58, v8;
	v63 =	vmax.f32 v5, $0.0e+00;
	[tilespmem:s6+$0x9840] =	vst v3  }
0x137: {  	v59 =	vand.u32 $0xFFFF0000, v53;
	v1 =	vadd.f32 v62, v1;
	v2 =	vmax.f32 v2, $0.0e+00;
	[tilespmem:s6+$0x9820] =	vst v63  }
0x138: {  	v7 =	vadd.f32 v59, v9;
	v3 =	vmax.f32 v6, $0.0e+00;
	[tilespmem:s6+$0x9860] =	vst v2  }
0x139: {  	s8 =	sadd.s32 $0x1, s8;
	v1 =	vmax.f32 v1, $0.0e+00;
	[tilespmem:s6+$0x9810] =	vst v3  }
0x13a: {  	p0 =	sne.s32 s8, $0xC;
	v3 =	vmax.f32 v7, $0.0e+00;
	[tilespmem:s6+$0x9830] =	vst v1  }
.Ltmp3:
0x13b: {  	[tilespmem:s6+$0x9850] =	vst v3;
	(pc) =	sbr.rel @p0 .LBB2_5-.Ltmp3, $4  }
0x13c: {  	[spmem:s1] =	stream.indirect.scatter.add.f32 [tilespmem:s31], [sflag:$0x7], $0x80, s3, s10, $0xb8;
	[tilespmem:$0x1EC00] =	vst v63  }
0x13d: {  	_ =	swait.ge [sflag:s0], $0x1400  }
0x13e: {  	[sflag:s0] =	ssyncset.done $0x0  }
0x13f: {  	[sflag:s0] =	ssyncadd.s32 $0xFFFFEC00  }
0x140: {  	_ =	swait.ge [sflag:s17], $0x1400  }
0x141: {  	[sflag:s17] =	ssyncset.done $0x0  }
0x142: {  	[sflag:s17] =	ssyncadd.s32 $0xFFFFEC00  }
0x143: {  	_ =	swait.ge [sflag:s18], $0x1400  }
0x144: {  	[sflag:s18] =	ssyncset.done $0x0  }
0x145: {  	[sflag:s18] =	ssyncadd.s32 $0xFFFFEC00  }
0x146: {  	_ =	swait.ge [sflag:s19], $0x1400  }
0x147: {  	[sflag:s19] =	ssyncset.done $0x0  }
0x148: {  	s3 =	simm.s32 $0x0;
	[sflag:s19] =	ssyncadd.s32 $0xFFFFEC00  }
0x149: {  	v1 =	vld [tilespmem:s3+$0x2070]  }
0x14a: {  	v2 =	vld [tilespmem:s3+$0x3470]  }
0x14b: {  	v11 =	vld [tilespmem:s3+$0x4830]  }
0x14c: {  	v3 =	vld [tilespmem:s3+$0x2000]  }
0x14d: {  	v4 =	vld [tilespmem:s3+$0x3400]  }
0x14e: {  	v5 =	vld [tilespmem:s3+$0x2040]  }
0x14f: {  	v8 =	vld [tilespmem:s3+$0x3440]  }
0x150: {  	v9 =	vld [tilespmem:s3+$0x3410]  }
0x151: {  	v10 =	vld [tilespmem:s3+$0x2050]  }
0x152: {  	v14 =	vld [tilespmem:s3+$0x3450]  }
0x153: {  	v15 =	vld [tilespmem:s3+$0x2020];
	v1 =	vadd.f32 v2, v1  }
0x154: {  	v16 =	vld [tilespmem:s3+$0x2060];
	v6 =	vand.u32 $0xFFFF0000, v11  }
0x155: {  	v17 =	vld [tilespmem:s3+$0x3460];
	v1 =	vadd.f32 v6, v1  }
0x156: {  	v7 =	vld [tilespmem:s3+$0x3430]  }
0x157: {  	v2 =	vld [tilespmem:s3+$0x2010];
	v1 =	vmax.f32 v1, $0.0e+00  }
0x158: {  	[tilespmem:s3+$0x9870] =	vst v1;
	v1 =	vld [tilespmem:s3+$0x3420]  }
0x159: {  	v6 =	vld [tilespmem:s3+$0x2030]  }
0x15a: {  	v13 =	vld [tilespmem:s3+$0x4800]  }
0x15b: {  	v12 =	vld [tilespmem:s3+$0x4810];
	v4 =	vadd.f32 v4, v3;
	v8 =	vadd.f32 v8, v5  }
0x15c: {  	s4 =	simm.s32 $0x80;
	v5 =	vadd.f32 v9, v2;
	v9 =	vadd.f32 v14, v10;
	v10 =	vld [tilespmem:s3+$0x4820]  }
0x15d: {  	s6 =	simm.s32 $0x400;
	v2 =	vadd.f32 v17, v16;
	v3 =	vadd.f32 v1, v15;
	v1 =	vshll.u32 v11, $0x10;
	v11 =	vld [tilespmem:s4+$0x2070]  }
.LBB2_11:
0x15e: {  	p0 =	sne.s32 s6, $0x4E00;
	v14 =	vld [tilespmem:s4+$0x3470];
	v6 =	vadd.f32 v7, v6  }
0x15f: {  	v7 =	vld [tilespmem:s4+$0x4830];
	v15 =	vshll.u32 v13, $0x10;
	v13 =	vand.u32 $0xFFFF0000, v13  }
0x160: {  	v16 =	vld [tilespmem:s4+$0x2000];
	v4 =	vadd.f32 v15, v4;
	v15 =	vshll.u32 v12, $0x10;
	v12 =	vand.u32 $0xFFFF0000, v12  }
0x161: {  	v8 =	vadd.f32 v13, v8;
	v17 =	vld [tilespmem:s4+$0x3400];
	v13 =	vshll.u32 v10, $0x10;
	v10 =	vand.u32 $0xFFFF0000, v10  }
0x162: {  	v5 =	vadd.f32 v15, v5;
	v9 =	vadd.f32 v12, v9;
	v18 =	vld [tilespmem:s4+$0x2040];
	v4 =	vmax.f32 v4, $0.0e+00  }
0x163: {  	v3 =	vadd.f32 v13, v3;
	v12 =	vld [tilespmem:s4+$0x3440];
	v11 =	vadd.f32 v14, v11;
	[tilespmem:s3+$0x9800] =	vst v4;
	v4 =	vmax.f32 v8, $0.0e+00  }
0x164: {  	v2 =	vadd.f32 v10, v2;
	v13 =	vld [tilespmem:s4+$0x2010];
	v8 =	vshll.u32 v7, $0x10;
	v7 =	vand.u32 $0xFFFF0000, v7;
	[tilespmem:s3+$0x9840] =	vst v4  }
0x165: {  	v6 =	vadd.f32 v1, v6;
	v5 =	vmax.f32 v5, $0.0e+00;
	v10 =	vld [tilespmem:s4+$0x3410];
	v7 =	vadd.f32 v7, v11;
	v1 =	vmovc v8  }
0x166: {  	v3 =	vmax.f32 v3, $0.0e+00;
	v4 =	vadd.f32 v17, v16;
	v11 =	vld [tilespmem:s4+$0x2050];
	[tilespmem:s3+$0x9810] =	vst v5;
	v5 =	vmax.f32 v9, $0.0e+00  }
0x167: {  	v6 =	vmax.f32 v6, $0.0e+00;
	v2 =	vmax.f32 v2, $0.0e+00;
	v9 =	vld [tilespmem:s4+$0x3450];
	v7 =	vmax.f32 v7, $0.0e+00;
	[tilespmem:s3+$0x9850] =	vst v5  }
0x168: {  	v8 =	vadd.f32 v12, v18;
	v12 =	vld [tilespmem:s4+$0x2020];
	[tilespmem:s4+$0x9870] =	vst v7  }
0x169: {  	v14 =	vld [tilespmem:s4+$0x3420];
	[tilespmem:s3+$0x9820] =	vst v3  }
0x16a: {  	v5 =	vadd.f32 v10, v13;
	v15 =	vld [tilespmem:s4+$0x2060];
	[tilespmem:s3+$0x9860] =	vst v2  }
0x16b: {  	v2 =	vld [tilespmem:s4+$0x3460];
	[tilespmem:s3+$0x9830] =	vst v6;
	s3 =	smov.u32 s4  }
0x16c: {  	v9 =	vadd.f32 v9, v11;
	v6 =	vld [tilespmem:s3+$0x2030]  }
.Ltmp4:
0x16d: {  	v7 =	vld [tilespmem:s3+$0x3430];
	(pc) =	sbr.rel @p0 .LBB2_11-.Ltmp4, $4  }
0x16e: {  	v13 =	vld [tilespmem:s3+$0x4800];
	v3 =	vadd.f32 v14, v12  }
0x16f: {  	v12 =	vld [tilespmem:s3+$0x4810]  }
0x170: {  	s4 =	sshra.s32 s6, $0x2;
	v10 =	vld [tilespmem:s3+$0x4820];
	v2 =	vadd.f32 v2, v15  }
0x171: {  	s6 =	sadd.s32 $0x200, s6;
	v11 =	vld [tilespmem:s4+$0x2070]  }
0x172: {  	v14 =	vld [tilespmem:s4+$0x3470]  }
0x173: {  	v15 =	vld [tilespmem:s4+$0x4830];
	v16 =	vshll.u32 v13, $0x10  }
0x174: {  	v17 =	vld [tilespmem:s4+$0x2000];
	v38 =	vand.u32 $0xFFFF0000, v13;
	v4 =	vadd.f32 v16, v4  }
0x175: {  	v37 =	vld [tilespmem:s4+$0x3400];
	v8 =	vadd.f32 v38, v8  }
0x176: {  	v18 =	vld [tilespmem:s4+$0x2040];
	v40 =	vshll.u32 v12, $0x10;
	v41 =	vand.u32 $0xFFFF0000, v12;
	v4 =	vmax.f32 v4, $0.0e+00  }
0x177: {  	v39 =	vld [tilespmem:s4+$0x3440];
	v8 =	vmax.f32 v8, $0.0e+00;
	[tilespmem:s3+$0x9800] =	vst v4;
	v4 =	vadd.f32 v40, v5;
	v42 =	vadd.f32 v14, v11  }
0x178: {  	v49 =	vadd.f32 v7, v6;
	v5 =	vadd.f32 v41, v9;
	v44 =	vand.u32 $0xFFFF0000, v15;
	v19 =	vld [tilespmem:s4+$0x2010];
	[tilespmem:s3+$0x9840] =	vst v8  }
0x179: {  	v47 =	vshll.u32 v10, $0x10;
	v8 =	vld [tilespmem:s4+$0x3410];
	v4 =	vmax.f32 v4, $0.0e+00;
	v45 =	vadd.f32 v44, v42  }
0x17a: {  	v48 =	vand.u32 $0xFFFF0000, v10;
	v3 =	vadd.f32 v47, v3;
	v43 =	vld [tilespmem:s4+$0x2050];
	v5 =	vmax.f32 v5, $0.0e+00;
	[tilespmem:s3+$0x9810] =	vst v4  }
0x17b: {  	v2 =	vadd.f32 v48, v2;
	v46 =	vld [tilespmem:s4+$0x3450];
	[tilespmem:s3+$0x9850] =	vst v5;
	v4 =	vmax.f32 v45, $0.0e+00  }
0x17c: {  	v1 =	vadd.f32 v1, v49;
	v3 =	vmax.f32 v3, $0.0e+00;
	v5 =	vld [tilespmem:s4+$0x2020];
	[tilespmem:s4+$0x9870] =	vst v4  }
0x17d: {  	v2 =	vmax.f32 v2, $0.0e+00;
	v50 =	vld [tilespmem:s4+$0x3420];
	[tilespmem:s3+$0x9820] =	vst v3  }
0x17e: {  	v1 =	vmax.f32 v1, $0.0e+00;
	v3 =	vld [tilespmem:s4+$0x2060];
	[tilespmem:s3+$0x9860] =	vst v2  }
0x17f: {  	v2 =	vld [tilespmem:s4+$0x3460];
	[tilespmem:s3+$0x9830] =	vst v1  }
0x180: {  	v1 =	vld [tilespmem:s4+$0x2030]  }
0x181: {  	v51 =	vld [tilespmem:s4+$0x4800]  }
0x182: {  	v52 =	vld [tilespmem:s4+$0x3430]  }
0x183: {  	v55 =	vld [tilespmem:s4+$0x4820];
	_ =	sdelay $0x1  }
0x184: {  	v54 =	vadd.f32 v37, v17;
	v13 =	vadd.f32 v39, v18;
	v62 =	vshll.u32 v15, $0x10;
	v53 =	vld [tilespmem:s4+$0x4810]  }
0x185: {  	v8 =	vadd.f32 v8, v19;
	v5 =	vadd.f32 v50, v5;
	v56 =	vshll.u32 v51, $0x10  }
0x186: {  	v2 =	vadd.f32 v2, v3;
	v3 =	vand.u32 $0xFFFF0000, v51;
	v57 =	vadd.f32 v56, v54  }
0x187: {  	v1 =	vadd.f32 v52, v1;
	v60 =	vshll.u32 v55, $0x10;
	v3 =	vadd.f32 v3, v13  }
0x188: {  	v61 =	vand.u32 $0xFFFF0000, v55;
	v5 =	vadd.f32 v60, v5;
	v4 =	vmax.f32 v57, $0.0e+00  }
0x189: {  	v58 =	vshll.u32 v53, $0x10;
	v2 =	vadd.f32 v61, v2;
	v3 =	vmax.f32 v3, $0.0e+00;
	[tilespmem:s4+$0x9800] =	vst v4  }
0x18a: {  	v9 =	vadd.f32 v46, v43;
	v6 =	vadd.f32 v58, v8;
	v63 =	vmax.f32 v5, $0.0e+00;
	[tilespmem:s4+$0x9840] =	vst v3  }
0x18b: {  	v59 =	vand.u32 $0xFFFF0000, v53;
	v1 =	vadd.f32 v62, v1;
	v2 =	vmax.f32 v2, $0.0e+00;
	[tilespmem:s4+$0x9820] =	vst v63  }
0x18c: {  	v7 =	vadd.f32 v59, v9;
	v3 =	vmax.f32 v6, $0.0e+00;
	[tilespmem:s4+$0x9860] =	vst v2  }
0x18d: {  	s29 =	sadd.s32 $0x1, s29;
	v1 =	vmax.f32 v1, $0.0e+00;
	[tilespmem:s4+$0x9810] =	vst v3  }
0x18e: {  	p0 =	sne.s32 s29, $0x14;
	v3 =	vmax.f32 v7, $0.0e+00;
	[tilespmem:s4+$0x9830] =	vst v1  }
.Ltmp5:
0x18f: {  	s30 =	simm.s32 $0x1C00;
	[tilespmem:s4+$0x9850] =	vst v3;
	(pc) =	sbr.rel @p0 .LBB2_4-.Ltmp5, $4  }
0x190: {  	[spmem:s1] =	stream.indirect.scatter.add.f32 [tilespmem:s31], [sflag:$0x7], $0x80, s30, s10, $0xb8;
	[tilespmem:$0x1EC00] =	vst v63  }
0x191: {  	_ =	swait.ge [sflag:s0], $0x1400  }
0x192: {  	[sflag:s0] =	ssyncset.done $0x0  }
0x193: {  	[sflag:s0] =	ssyncadd.s32 $0xFFFFEC00  }
0x194: {  	s3 =	stileid.u32;
	[bflag:$0x0] =	sbarrier.arrive $0xFFFF  }
0x195: {  	s3 =	sshll.u32 s3, $0x6;
	s6 =	rddreg [dreg:$0x7]  }
0x196: {  	s7 =	rddreg [dreg:$0x13];
	s3 =	sor.u32 $0x1C07, s3;
	s4 =	sshrl.u32 s6, $0x3  }
0x197: {  	[hbm:s7], [sflag:s3] =	dma.local [spmem:s4], $0x2800  }
0x198: {  	_ =	swait.ge [sflag:s0], $0x2800  }
0x199: {  	s26 =	rddreg [dreg:$0x3]  }
0x19a: {  	s30 =	rddreg [dreg:$0x14];
	s26 =	sadd.s32 $0x1, s26  }
0x19b: {  	p0 =	sne.s32 s26, s30  }
.Ltmp6:
0x19c: {  	_ = 	snop;
	(pc) =	sbr.rel @p0 .LBB2_1-.Ltmp6, $3  }
0x19d: {  	_ =	sdelay $0x1  }
0x19e: {  	[sflag:s0] =	ssyncset.done $0x0  }
0x19f: {  	[sflag:s0] =	ssyncadd.s32 $0xFFFFD800  }
0x1a0: {  	_ =	sfence.sel $0x180000  }
0x1a1: {  	[bflag:$0x0] =	sbarrier.arrive $0xFFFF  }
0x1a2: {  	_ =	strace $0x90000047  }
0x1a3: {  	s0 =	stileid.u32;
	[bflag:$0x2] =	sbarrier.arrive $0xFFFF  }
0x1a4: {  	p0 =	sne.s32 s0, $0x0;
	s0 =	rddreg [dreg:$0x2]  }
0x1a5: {  	s0 =	sadd.s32 @!p0 $0x100000, s0  }
0x1a6: {  	[sflag:s0] =	ssyncadd.tile.s32 @!p0 $0x1;
	_ =	shalt  }
.Lfunc_end2:
_tile_overlayer_lowered:
.L_overlay_start_2:
0x1a7: {  	(tag) =	ssettag $0x2  }
0x1a8: {  	s0 =	rddreg [dreg:$0x0];
	s2 =	stileid.u32  }
0x1a9: {  	s1 =	rddreg [dreg:$0x1];
	p0 =	sne.s32 s2, $0x0  }
0x1aa: {  	s3 =	rddreg [dreg:$0x2];
	[bflag:$0x3] =	sbarrier.arrive $0xFFFF;
	s2 =	simm.s32 @!p0 $0x1C07  }
0x1ab: {  	[timem:s3], [sflag:s2] =	dma.local @!p0 [hbm:s0], s1  }
0x1ac: {  	s0 =	simm.s32 @!p0 $0x7  }
0x1ad: {  	_ =	swait.ge @!p0 [sflag:s0], s1  }
0x1ae: {  	s1 =	ssub.s32 @!p0 $0x0, s1;
	[sflag:s0] =	ssyncset.done @!p0 $0x0  }
0x1af: {  	[sflag:s0] =	ssyncadd.s32 @!p0 s1  }
0x1b0: {  	[bflag:$0x3] =	sbarrier.arrive $0xFFFF  }
0x1b1: {  	_ =	shalt  }

</sc_bundles>
